<compile_context>
chip_gen: v7x
topology: tpu7x:2x2x1
jax: 0.10.2.dev20260603
libtpu: 0.0.44.dev20260713+nightly
codegen_flags: <defaults>
</compile_context>

<pallas_src>
import functools

import jax
import jax.numpy as jnp
from jax import lax
from jax.experimental import pallas as pl
from jax.experimental.pallas import tpu as pltpu
from jax.experimental.pallas import tpu_sc as plsc

VOCAB = 8192
DIM = 64
PAIRS = 48
HW = 128 * 128
NW = 32
ROWS_PER_W = 8
SHARERS = NW * ROWS_PER_W // DIM
CHUNK = 2048
NCHUNK = HW // CHUNK
GROUPS = CHUNK // 16
NBUF = 2
NUNITS = PAIRS * NCHUNK


_TSTEPS = 2
_TROWS = VOCAB // _TSTEPS


def _transpose_body(t_ref, o_ref):
    for k in range(_TROWS // 128):
        x = t_ref[pl.ds(k * 128, 128), :]
        o_ref[:, pl.ds(k * 8, 8), :] = x.T.reshape(8, 8, 128)


def _transpose_table(table):
    return pl.pallas_call(
        _transpose_body,
        grid=(_TSTEPS,),
        in_specs=[pl.BlockSpec((_TROWS, DIM), lambda i: (i, 0))],
        out_specs=pl.BlockSpec((8, _TROWS // 16, 128), lambda i: (0, i, 0)),
        out_shape=jax.ShapeDtypeStruct((8, (VOCAB // 128) * 8, 128), jnp.float32),
    )(table)


_MESH = plsc.VectorSubcoreMesh(core_axis_name="c", subcore_axis_name="s")


@functools.partial(
    pl.kernel,
    out_type=jax.ShapeDtypeStruct((PAIRS * DIM * HW,), jnp.float32),
    mesh=_MESH,
    compiler_params=pltpu.CompilerParams(needs_layout_passes=False),
    scratch_types=[
        pltpu.VMEM(((VOCAB // 128) * 8, 128), jnp.float32),
        pltpu.VMEM((NBUF * CHUNK,), jnp.int32),
        pltpu.VMEM((NBUF * ROWS_PER_W * CHUNK,), jnp.float32),
        pltpu.SemaphoreType.DMA,
        pltpu.SemaphoreType.DMA,
        pltpu.SemaphoreType.DMA,
        pltpu.SemaphoreType.DMA,
    ],
)
def _sc_gather(tabT_hbm, idx_hbm, out_hbm, tab_v, idx_v, out_v,
               in_sem0, in_sem1, out_sem0, out_sem1):
    in_sems = (in_sem0, in_sem1)
    out_sems = (out_sem0, out_sem1)
    wid = lax.axis_index("s") * 2 + lax.axis_index("c")
    d0 = (wid // SHARERS) * ROWS_PER_W
    ubase = (wid % SHARERS) * (NUNITS // SHARERS)
    pltpu.sync_copy(tabT_hbm.at[d0 // 8], tab_v)

    def idx_copy(b, u):
        return pltpu.make_async_copy(
            idx_hbm.at[pl.ds(u * CHUNK, CHUNK)],
            idx_v.at[pl.ds(b * CHUNK, CHUNK)],
            in_sems[b],
        )

    def out_copy(b, j, r, col):
        return pltpu.make_async_copy(
            out_v.at[pl.ds((b * ROWS_PER_W + j) * CHUNK, CHUNK)],
            out_hbm.at[pl.ds(r * HW + col, CHUNK)],
            out_sems[b],
        )

    for b in range(NBUF):
        idx_copy(b, ubase + b).start()

    @pl.loop(0, NUNITS // SHARERS, step=NBUF)
    def unit_loop(u0):
        for b in range(NBUF):
            u = ubase + u0 + b
            idx_copy(b, u).wait()

            @pl.when(u0 >= NBUF)
            def _():
                for j in range(ROWS_PER_W):
                    out_copy(b, j, 0, 0).wait()

            zero16 = jnp.zeros((16,), jnp.int32)

            @plsc.parallel_loop(0, GROUPS, unroll=8)
            def gather_loop(g):
                ids = idx_v[pl.ds(b * CHUNK + g * 16, 16)]
                base = ids + (ids // 128) * ((8 - 1) * 128)
                for j in range(ROWS_PER_W):
                    out_v[pl.ds((b * ROWS_PER_W + j) * CHUNK + g * 16, 16)] = (
                        plsc.load_gather(tab_v, [zero16, base + j * 128])
                    )

            @pl.when(u0 + b + NBUF < NUNITS // SHARERS)
            def _():
                idx_copy(b, u + NBUF).start()

            pair = u // NCHUNK
            chunk = u % NCHUNK
            r = pair * DIM + d0
            col = chunk * CHUNK
            for j in range(ROWS_PER_W):
                out_copy(b, j, r + j, col).start()

    for b in range(NBUF):
        for j in range(ROWS_PER_W):
            out_copy(b, j, 0, 0).wait()


def kernel(images, table):
    b, c, h, w = images.shape
    tabT = _transpose_table(table)
    idx = images.astype(jnp.int32).reshape(PAIRS * HW)
    out = _sc_gather(tabT, idx)
    return out.reshape(b, c * DIM, h, w)

# --- scband reference (transcript-rebuilt; emitter-appended) ---
"""Pipeline reference for scband-image-embedding-7696581394748 (READ-ONLY COPY).

The authoritative reference and input builder live on the scoring server;
editing this copy changes nothing except your own understanding.
"""

import jax, jax.numpy as jnp
import numpy as np

VOCAB = 8192
DIM = 64

def setup_inputs(seed: int = 0) -> dict:
    key = jax.random.key(seed)
    k1, k2 = jax.random.split(key)
    images = jax.random.randint(k1, (16, 3, 128, 128), 0, VOCAB, dtype=jnp.int64 if jax.config.jax_enable_x64 else jnp.int32)
    table = jax.random.normal(k2, (VOCAB, DIM), dtype=jnp.float32)
    return {"images": images, "table": table}

def reference(images, table):
    # embedding lookup: [B, C, H, W] -> [B, C, H, W, dim]
    embedded = jnp.take(table, images.astype(jnp.int32), axis=0)
    # permute(0, 1, 4, 2, 3) -> [B, C, dim, H, W]
    embedded = jnp.transpose(embedded, (0, 1, 4, 2, 3))
    b, c, d, h, w = embedded.shape
    # view -> [B, C*dim, H, W]
    return embedded.reshape(b, c * d, h, w)

if __name__ == "__main__":
    import jax
    _d = setup_inputs()
    print(jax.jit(kernel)(*tuple(_d.values())))

</pallas_src>

<mosaic_0001>
#map = affine_map<(d0, d1) -> (0, 0, 0)>
#map1 = affine_map<(d0, d1) -> (0)>
module attributes {stable_mosaic.version = 14 : i64} {
  func.func @_sc_gather(%arg0: i32, %arg1: i32, %arg2: memref<8x512x128xf32, #tpu.memory_space<hbm>>, %arg3: memref<786432xi32, #tpu.memory_space<hbm>>, %arg4: memref<50331648xf32, #tpu.memory_space<hbm>>, %arg5: memref<512x128xf32, #tpu.memory_space<vmem>>, %arg6: memref<4096xi32, #tpu.memory_space<vmem>>, %arg7: memref<32768xf32, #tpu.memory_space<vmem>>, %arg8: memref<!tpu.dma_semaphore, #tpu.memory_space<semaphore_mem>>, %arg9: memref<!tpu.dma_semaphore, #tpu.memory_space<semaphore_mem>>, %arg10: memref<!tpu.dma_semaphore, #tpu.memory_space<semaphore_mem>>, %arg11: memref<!tpu.dma_semaphore, #tpu.memory_space<semaphore_mem>>) attributes {dimension_semantics = [#tpu.dimension_semantics<core_parallel>, #tpu.dimension_semantics<subcore_parallel>], iteration_bounds = array<i64: 2, 16>, scalar_prefetch = 0 : i64, scratch_operands = 7 : i64, tpu.core_type = #tpu.core_type<sc_vector_subcore>, window_params = [{transform_indices = #map}, {transform_indices = #map1}, {transform_indices = #map1}]} {
    %mul3A = arith.constant 2 : i32
    %mul3A_0 = arith.muli %arg1, %mul3A : i32
    %add3A = arith.addi %mul3A_0, %arg0 : i32
    %jit3A = arith.constant 4 : i32
    %div3A = arith.divsi %add3A, %jit3A : i32
    %sign3A = arith.constant 0 : i32
    %sign3A_1 = arith.cmpi sgt, %add3A, %sign3A : i32
    %sign3A_2 = arith.extui %sign3A_1 : i1 to i32
    %sign3A_3 = arith.constant 0 : i32
    %sign3A_4 = arith.cmpi slt, %add3A, %sign3A_3 : i32
    %sign3A_5 = arith.extui %sign3A_4 : i1 to i32
    %sign3A_6 = arith.subi %sign3A_2, %sign3A_5 : i32
    %sign3A_7 = arith.constant 0 : i32
    %sign3A_8 = arith.cmpi sgt, %jit3A, %sign3A_7 : i32
    %sign3A_9 = arith.extui %sign3A_8 : i1 to i32
    %sign3A_10 = arith.constant 0 : i32
    %sign3A_11 = arith.cmpi slt, %jit3A, %sign3A_10 : i32
    %sign3A_12 = arith.extui %sign3A_11 : i1 to i32
    %sign3A_13 = arith.subi %sign3A_9, %sign3A_12 : i32
    %ne3A = arith.cmpi ne, %sign3A_6, %sign3A_13 : i32
    %rem3A = arith.remsi %add3A, %jit3A : i32
    %ne3A_14 = arith.constant 0 : i32
    %ne3A_15 = arith.cmpi ne, %rem3A, %ne3A_14 : i32
    %and3A = arith.andi %ne3A, %ne3A_15 : i1
    %sub3A = arith.constant 1 : i32
    %sub3A_16 = arith.subi %div3A, %sub3A : i32
    %select_n3A = arith.select %and3A, %sub3A_16, %div3A : i32
    %mul3A_17 = arith.constant 8 : i32
    %mul3A_18 = arith.muli %select_n3A, %mul3A_17 : i32
    %jit3A_19 = arith.constant 4 : i32
    %eq3A = arith.constant 0 : i32
    %eq3A_20 = arith.cmpi eq, %jit3A_19, %eq3A : i32
    %jit3A_21 = arith.constant 1 : i32
    %select_n3A_22 = arith.select %eq3A_20, %jit3A_21, %jit3A_19 : i32
    %rem3A_23 = arith.remsi %add3A, %select_n3A_22 : i32
    %ne3A_24 = arith.constant 0 : i32
    %ne3A_25 = arith.cmpi ne, %rem3A_23, %ne3A_24 : i32
    %lt3A = arith.constant 0 : i32
    %lt3A_26 = arith.cmpi slt, %rem3A_23, %lt3A : i32
    %lt3A_27 = arith.constant 0 : i32
    %lt3A_28 = arith.cmpi slt, %select_n3A_22, %lt3A_27 : i32
    %ne3A_29 = arith.xori %lt3A_26, %lt3A_28 : i1
    %and3A_30 = arith.andi %ne3A_29, %ne3A_25 : i1
    %add3A_31 = arith.addi %rem3A_23, %select_n3A_22 : i32
    %select_n3A_32 = arith.select %and3A_30, %add3A_31, %rem3A_23 : i32
    %mul3A_33 = arith.constant 96 : i32
    %mul3A_34 = arith.muli %select_n3A_32, %mul3A_33 : i32
    %jit3A_35 = arith.constant 8 : i32
    %div3A_36 = arith.divsi %mul3A_18, %jit3A_35 : i32
    %sign3A_37 = arith.constant 0 : i32
    %sign3A_38 = arith.cmpi sgt, %mul3A_18, %sign3A_37 : i32
    %sign3A_39 = arith.extui %sign3A_38 : i1 to i32
    %sign3A_40 = arith.constant 0 : i32
    %sign3A_41 = arith.cmpi slt, %mul3A_18, %sign3A_40 : i32
    %sign3A_42 = arith.extui %sign3A_41 : i1 to i32
    %sign3A_43 = arith.subi %sign3A_39, %sign3A_42 : i32
    %sign3A_44 = arith.constant 0 : i32
    %sign3A_45 = arith.cmpi sgt, %jit3A_35, %sign3A_44 : i32
    %sign3A_46 = arith.extui %sign3A_45 : i1 to i32
    %sign3A_47 = arith.constant 0 : i32
    %sign3A_48 = arith.cmpi slt, %jit3A_35, %sign3A_47 : i32
    %sign3A_49 = arith.extui %sign3A_48 : i1 to i32
    %sign3A_50 = arith.subi %sign3A_46, %sign3A_49 : i32
    %ne3A_51 = arith.cmpi ne, %sign3A_43, %sign3A_50 : i32
    %rem3A_52 = arith.remsi %mul3A_18, %jit3A_35 : i32
    %ne3A_53 = arith.constant 0 : i32
    %ne3A_54 = arith.cmpi ne, %rem3A_52, %ne3A_53 : i32
    %and3A_55 = arith.andi %ne3A_51, %ne3A_54 : i1
    %sub3A_56 = arith.constant 1 : i32
    %sub3A_57 = arith.subi %div3A_36, %sub3A_56 : i32
    %select_n3A_58 = arith.select %and3A_55, %sub3A_57, %div3A_36 : i32
    "tpu.region"() ({
      %run_scoped3A = tpu.sem_alloc : memref<!tpu.dma_semaphore, #tpu.memory_space<semaphore_mem>>
      %dma_start3A_209 = arith.constant 0 : i32
      %dma_start3A_210 = arith.constant 0 : i32
      %dma_start3A_211 = tpu.memref_slice %arg2[%select_n3A_58, %dma_start3A_209, %dma_start3A_210] : memref<8x512x128xf32, #tpu.memory_space<hbm>> -> memref<1x512x128xf32, #tpu.memory_space<hbm>>
      %dma_start3A_212 = tpu.memref_squeeze %dma_start3A_211 : memref<1x512x128xf32, #tpu.memory_space<hbm>> -> memref<512x128xf32, #tpu.memory_space<hbm>>
      %dma_start3A_213 = arith.constant 0 : i32
      %dma_start3A_214 = arith.constant 0 : i32
      %dma_start3A_215 = tpu.memref_slice %arg2[%select_n3A_58, %dma_start3A_213, %dma_start3A_214] : memref<8x512x128xf32, #tpu.memory_space<hbm>> -> memref<1x512x128xf32, #tpu.memory_space<hbm>>
      %dma_start3A_216 = tpu.memref_squeeze %dma_start3A_215 : memref<1x512x128xf32, #tpu.memory_space<hbm>> -> memref<512x128xf32, #tpu.memory_space<hbm>>
      tpu.enqueue_dma source(%dma_start3A_216 : memref<512x128xf32, #tpu.memory_space<hbm>>) target(%arg5 : memref<512x128xf32, #tpu.memory_space<vmem>>) target_semaphore(%run_scoped3A : memref<!tpu.dma_semaphore, #tpu.memory_space<semaphore_mem>>)
      %dma_wait3A_217 = arith.constant 0 : i32
      %dma_wait3A_218 = arith.constant 0 : i32
      %dma_wait3A_219 = tpu.memref_slice %arg2[%select_n3A_58, %dma_wait3A_217, %dma_wait3A_218] : memref<8x512x128xf32, #tpu.memory_space<hbm>> -> memref<1x512x128xf32, #tpu.memory_space<hbm>>
      %dma_wait3A_220 = tpu.memref_squeeze %dma_wait3A_219 : memref<1x512x128xf32, #tpu.memory_space<hbm>> -> memref<512x128xf32, #tpu.memory_space<hbm>>
      %dma_wait3A_221 = arith.constant 0 : i32
      %dma_wait3A_222 = arith.constant 0 : i32
      %dma_wait3A_223 = tpu.memref_slice %arg2[%select_n3A_58, %dma_wait3A_221, %dma_wait3A_222] : memref<8x512x128xf32, #tpu.memory_space<hbm>> -> memref<1x512x128xf32, #tpu.memory_space<hbm>>
      %dma_wait3A_224 = tpu.memref_squeeze %dma_wait3A_223 : memref<1x512x128xf32, #tpu.memory_space<hbm>> -> memref<512x128xf32, #tpu.memory_space<hbm>>
      tpu.wait_dma2 semaphore(%run_scoped3A : memref<!tpu.dma_semaphore, #tpu.memory_space<semaphore_mem>>) src(%dma_wait3A_224 : memref<512x128xf32, #tpu.memory_space<hbm>>) dst(%arg5 : memref<512x128xf32, #tpu.memory_space<vmem>>)
      tpu.yield
    }) : () -> ()
    %add3A_59 = arith.constant 0 : i32
    %add3A_60 = arith.addi %mul3A_34, %add3A_59 : i32
    %mul3A_61 = arith.constant 2048 : i32
    %mul3A_62 = arith.muli %add3A_60, %mul3A_61 : i32
    %dma_start3A = arith.constant 0 : i32
    %dma_start3A_63 = tpu.memref_slice %arg6[%dma_start3A] : memref<4096xi32, #tpu.memory_space<vmem>> -> memref<2048xi32, #tpu.memory_space<vmem>>
    %dma_start3A_64 = tpu.memref_slice %arg3[%mul3A_62] : memref<786432xi32, #tpu.memory_space<hbm>> -> memref<2048xi32, #tpu.memory_space<hbm>>
    %dma_start3A_65 = arith.constant 0 : i32
    %dma_start3A_66 = tpu.memref_slice %arg6[%dma_start3A_65] : memref<4096xi32, #tpu.memory_space<vmem>> -> memref<2048xi32, #tpu.memory_space<vmem>>
    %dma_start3A_67 = tpu.memref_slice %arg3[%mul3A_62] : memref<786432xi32, #tpu.memory_space<hbm>> -> memref<2048xi32, #tpu.memory_space<hbm>>
    tpu.enqueue_dma source(%dma_start3A_67 : memref<2048xi32, #tpu.memory_space<hbm>>) target(%dma_start3A_66 : memref<2048xi32, #tpu.memory_space<vmem>>) target_semaphore(%arg8 : memref<!tpu.dma_semaphore, #tpu.memory_space<semaphore_mem>>)
    %add3A_68 = arith.constant 1 : i32
    %add3A_69 = arith.addi %mul3A_34, %add3A_68 : i32
    %mul3A_70 = arith.constant 2048 : i32
    %mul3A_71 = arith.muli %add3A_69, %mul3A_70 : i32
    %dma_start3A_72 = arith.constant 2048 : i32
    %dma_start3A_73 = tpu.memref_slice %arg6[%dma_start3A_72] : memref<4096xi32, #tpu.memory_space<vmem>> -> memref<2048xi32, #tpu.memory_space<vmem>>
    %dma_start3A_74 = tpu.memref_slice %arg3[%mul3A_71] : memref<786432xi32, #tpu.memory_space<hbm>> -> memref<2048xi32, #tpu.memory_space<hbm>>
    %dma_start3A_75 = arith.constant 2048 : i32
    %dma_start3A_76 = tpu.memref_slice %arg6[%dma_start3A_75] : memref<4096xi32, #tpu.memory_space<vmem>> -> memref<2048xi32, #tpu.memory_space<vmem>>
    %dma_start3A_77 = tpu.memref_slice %arg3[%mul3A_71] : memref<786432xi32, #tpu.memory_space<hbm>> -> memref<2048xi32, #tpu.memory_space<hbm>>
    tpu.enqueue_dma source(%dma_start3A_77 : memref<2048xi32, #tpu.memory_space<hbm>>) target(%dma_start3A_76 : memref<2048xi32, #tpu.memory_space<vmem>>) target_semaphore(%arg9 : memref<!tpu.dma_semaphore, #tpu.memory_space<semaphore_mem>>)
    %scan3A = arith.constant 0 : i32
    %scan3A_78 = arith.constant 48 : i32
    %scan3A_79 = arith.addi %scan3A, %scan3A_78 : i32
    %scan3A_80 = arith.constant 1 : i32
    scf.for %scan3A_209 = %scan3A to %scan3A_79 step %scan3A_80  : i32 {
      %mul3A_210 = arith.constant 2 : i32
      %mul3A_211 = arith.muli %scan3A_209, %mul3A_210 : i32
      %add3A_212 = arith.constant 0 : i32
      %add3A_213 = arith.addi %add3A_212, %mul3A_211 : i32
      %add3A_214 = arith.addi %mul3A_34, %add3A_213 : i32
      %add3A_215 = arith.constant 0 : i32
      %add3A_216 = arith.addi %add3A_214, %add3A_215 : i32
      %mul3A_217 = arith.constant 2048 : i32
      %mul3A_218 = arith.muli %add3A_216, %mul3A_217 : i32
      %dma_wait3A_219 = arith.constant 0 : i32
      %dma_wait3A_220 = tpu.memref_slice %arg6[%dma_wait3A_219] : memref<4096xi32, #tpu.memory_space<vmem>> -> memref<2048xi32, #tpu.memory_space<vmem>>
      %dma_wait3A_221 = tpu.memref_slice %arg3[%mul3A_218] : memref<786432xi32, #tpu.memory_space<hbm>> -> memref<2048xi32, #tpu.memory_space<hbm>>
      %dma_wait3A_222 = arith.constant 0 : i32
      %dma_wait3A_223 = tpu.memref_slice %arg6[%dma_wait3A_222] : memref<4096xi32, #tpu.memory_space<vmem>> -> memref<2048xi32, #tpu.memory_space<vmem>>
      %dma_wait3A_224 = tpu.memref_slice %arg3[%mul3A_218] : memref<786432xi32, #tpu.memory_space<hbm>> -> memref<2048xi32, #tpu.memory_space<hbm>>
      tpu.wait_dma2 semaphore(%arg8 : memref<!tpu.dma_semaphore, #tpu.memory_space<semaphore_mem>>) src(%dma_wait3A_224 : memref<2048xi32, #tpu.memory_space<hbm>>) dst(%dma_wait3A_223 : memref<2048xi32, #tpu.memory_space<vmem>>)
      %ge3A = arith.constant 2 : i32
      %ge3A_225 = arith.cmpi sge, %add3A_213, %ge3A : i32
      %convert_element_type3A = arith.extui %ge3A_225 : i1 to i32
      %cond3A = arith.constant 0 : i32
      %cond3A_226 = arith.cmpi ne, %convert_element_type3A, %cond3A : i32
      scf.if %cond3A_226 {
        %dma_wait3A_535 = arith.constant 0 : i32
        %dma_wait3A_536 = tpu.memref_slice %arg7[%dma_wait3A_535] : memref<32768xf32, #tpu.memory_space<vmem>> -> memref<2048xf32, #tpu.memory_space<vmem>>
        %dma_wait3A_537 = arith.constant 0 : i32
        %dma_wait3A_538 = tpu.memref_slice %arg4[%dma_wait3A_537] : memref<50331648xf32, #tpu.memory_space<hbm>> -> memref<2048xf32, #tpu.memory_space<hbm>>
        %dma_wait3A_539 = arith.constant 0 : i32
        %dma_wait3A_540 = tpu.memref_slice %arg4[%dma_wait3A_539] : memref<50331648xf32, #tpu.memory_space<hbm>> -> memref<2048xf32, #tpu.memory_space<hbm>>
        %dma_wait3A_541 = arith.constant 0 : i32
        %dma_wait3A_542 = tpu.memref_slice %arg7[%dma_wait3A_541] : memref<32768xf32, #tpu.memory_space<vmem>> -> memref<2048xf32, #tpu.memory_space<vmem>>
        tpu.wait_dma2 semaphore(%arg10 : memref<!tpu.dma_semaphore, #tpu.memory_space<semaphore_mem>>) src(%dma_wait3A_542 : memref<2048xf32, #tpu.memory_space<vmem>>) dst(%dma_wait3A_540 : memref<2048xf32, #tpu.memory_space<hbm>>)
        %dma_wait3A_543 = arith.constant 2048 : i32
        %dma_wait3A_544 = tpu.memref_slice %arg7[%dma_wait3A_543] : memref<32768xf32, #tpu.memory_space<vmem>> -> memref<2048xf32, #tpu.memory_space<vmem>>
        %dma_wait3A_545 = arith.constant 0 : i32
        %dma_wait3A_546 = tpu.memref_slice %arg4[%dma_wait3A_545] : memref<50331648xf32, #tpu.memory_space<hbm>> -> memref<2048xf32, #tpu.memory_space<hbm>>
        %dma_wait3A_547 = arith.constant 0 : i32
        %dma_wait3A_548 = tpu.memref_slice %arg4[%dma_wait3A_547] : memref<50331648xf32, #tpu.memory_space<hbm>> -> memref<2048xf32, #tpu.memory_space<hbm>>
        %dma_wait3A_549 = arith.constant 2048 : i32
        %dma_wait3A_550 = tpu.memref_slice %arg7[%dma_wait3A_549] : memref<32768xf32, #tpu.memory_space<vmem>> -> memref<2048xf32, #tpu.memory_space<vmem>>
        tpu.wait_dma2 semaphore(%arg10 : memref<!tpu.dma_semaphore, #tpu.memory_space<semaphore_mem>>) src(%dma_wait3A_550 : memref<2048xf32, #tpu.memory_space<vmem>>) dst(%dma_wait3A_548 : memref<2048xf32, #tpu.memory_space<hbm>>)
        %dma_wait3A_551 = arith.constant 4096 : i32
        %dma_wait3A_552 = tpu.memref_slice %arg7[%dma_wait3A_551] : memref<32768xf32, #tpu.memory_space<vmem>> -> memref<2048xf32, #tpu.memory_space<vmem>>
        %dma_wait3A_553 = arith.constant 0 : i32
        %dma_wait3A_554 = tpu.memref_slice %arg4[%dma_wait3A_553] : memref<50331648xf32, #tpu.memory_space<hbm>> -> memref<2048xf32, #tpu.memory_space<hbm>>
        %dma_wait3A_555 = arith.constant 0 : i32
        %dma_wait3A_556 = tpu.memref_slice %arg4[%dma_wait3A_555] : memref<50331648xf32, #tpu.memory_space<hbm>> -> memref<2048xf32, #tpu.memory_space<hbm>>
        %dma_wait3A_557 = arith.constant 4096 : i32
        %dma_wait3A_558 = tpu.memref_slice %arg7[%dma_wait3A_557] : memref<32768xf32, #tpu.memory_space<vmem>> -> memref<2048xf32, #tpu.memory_space<vmem>>
        tpu.wait_dma2 semaphore(%arg10 : memref<!tpu.dma_semaphore, #tpu.memory_space<semaphore_mem>>) src(%dma_wait3A_558 : memref<2048xf32, #tpu.memory_space<vmem>>) dst(%dma_wait3A_556 : memref<2048xf32, #tpu.memory_space<hbm>>)
        %dma_wait3A_559 = arith.constant 6144 : i32
        %dma_wait3A_560 = tpu.memref_slice %arg7[%dma_wait3A_559] : memref<32768xf32, #tpu.memory_space<vmem>> -> memref<2048xf32, #tpu.memory_space<vmem>>
        %dma_wait3A_561 = arith.constant 0 : i32
        %dma_wait3A_562 = tpu.memref_slice %arg4[%dma_wait3A_561] : memref<50331648xf32, #tpu.memory_space<hbm>> -> memref<2048xf32, #tpu.memory_space<hbm>>
        %dma_wait3A_563 = arith.constant 0 : i32
        %dma_wait3A_564 = tpu.memref_slice %arg4[%dma_wait3A_563] : memref<50331648xf32, #tpu.memory_space<hbm>> -> memref<2048xf32, #tpu.memory_space<hbm>>
        %dma_wait3A_565 = arith.constant 6144 : i32
        %dma_wait3A_566 = tpu.memref_slice %arg7[%dma_wait3A_565] : memref<32768xf32, #tpu.memory_space<vmem>> -> memref<2048xf32, #tpu.memory_space<vmem>>
        tpu.wait_dma2 semaphore(%arg10 : memref<!tpu.dma_semaphore, #tpu.memory_space<semaphore_mem>>) src(%dma_wait3A_566 : memref<2048xf32, #tpu.memory_space<vmem>>) dst(%dma_wait3A_564 : memref<2048xf32, #tpu.memory_space<hbm>>)
        %dma_wait3A_567 = arith.constant 8192 : i32
        %dma_wait3A_568 = tpu.memref_slice %arg7[%dma_wait3A_567] : memref<32768xf32, #tpu.memory_space<vmem>> -> memref<2048xf32, #tpu.memory_space<vmem>>
        %dma_wait3A_569 = arith.constant 0 : i32
        %dma_wait3A_570 = tpu.memref_slice %arg4[%dma_wait3A_569] : memref<50331648xf32, #tpu.memory_space<hbm>> -> memref<2048xf32, #tpu.memory_space<hbm>>
        %dma_wait3A_571 = arith.constant 0 : i32
        %dma_wait3A_572 = tpu.memref_slice %arg4[%dma_wait3A_571] : memref<50331648xf32, #tpu.memory_space<hbm>> -> memref<2048xf32, #tpu.memory_space<hbm>>
        %dma_wait3A_573 = arith.constant 8192 : i32
        %dma_wait3A_574 = tpu.memref_slice %arg7[%dma_wait3A_573] : memref<32768xf32, #tpu.memory_space<vmem>> -> memref<2048xf32, #tpu.memory_space<vmem>>
        tpu.wait_dma2 semaphore(%arg10 : memref<!tpu.dma_semaphore, #tpu.memory_space<semaphore_mem>>) src(%dma_wait3A_574 : memref<2048xf32, #tpu.memory_space<vmem>>) dst(%dma_wait3A_572 : memref<2048xf32, #tpu.memory_space<hbm>>)
        %dma_wait3A_575 = arith.constant 10240 : i32
        %dma_wait3A_576 = tpu.memref_slice %arg7[%dma_wait3A_575] : memref<32768xf32, #tpu.memory_space<vmem>> -> memref<2048xf32, #tpu.memory_space<vmem>>
        %dma_wait3A_577 = arith.constant 0 : i32
        %dma_wait3A_578 = tpu.memref_slice %arg4[%dma_wait3A_577] : memref<50331648xf32, #tpu.memory_space<hbm>> -> memref<2048xf32, #tpu.memory_space<hbm>>
        %dma_wait3A_579 = arith.constant 0 : i32
        %dma_wait3A_580 = tpu.memref_slice %arg4[%dma_wait3A_579] : memref<50331648xf32, #tpu.memory_space<hbm>> -> memref<2048xf32, #tpu.memory_space<hbm>>
        %dma_wait3A_581 = arith.constant 10240 : i32
        %dma_wait3A_582 = tpu.memref_slice %arg7[%dma_wait3A_581] : memref<32768xf32, #tpu.memory_space<vmem>> -> memref<2048xf32, #tpu.memory_space<vmem>>
        tpu.wait_dma2 semaphore(%arg10 : memref<!tpu.dma_semaphore, #tpu.memory_space<semaphore_mem>>) src(%dma_wait3A_582 : memref<2048xf32, #tpu.memory_space<vmem>>) dst(%dma_wait3A_580 : memref<2048xf32, #tpu.memory_space<hbm>>)
        %dma_wait3A_583 = arith.constant 12288 : i32
        %dma_wait3A_584 = tpu.memref_slice %arg7[%dma_wait3A_583] : memref<32768xf32, #tpu.memory_space<vmem>> -> memref<2048xf32, #tpu.memory_space<vmem>>
        %dma_wait3A_585 = arith.constant 0 : i32
        %dma_wait3A_586 = tpu.memref_slice %arg4[%dma_wait3A_585] : memref<50331648xf32, #tpu.memory_space<hbm>> -> memref<2048xf32, #tpu.memory_space<hbm>>
        %dma_wait3A_587 = arith.constant 0 : i32
        %dma_wait3A_588 = tpu.memref_slice %arg4[%dma_wait3A_587] : memref<50331648xf32, #tpu.memory_space<hbm>> -> memref<2048xf32, #tpu.memory_space<hbm>>
        %dma_wait3A_589 = arith.constant 12288 : i32
        %dma_wait3A_590 = tpu.memref_slice %arg7[%dma_wait3A_589] : memref<32768xf32, #tpu.memory_space<vmem>> -> memref<2048xf32, #tpu.memory_space<vmem>>
        tpu.wait_dma2 semaphore(%arg10 : memref<!tpu.dma_semaphore, #tpu.memory_space<semaphore_mem>>) src(%dma_wait3A_590 : memref<2048xf32, #tpu.memory_space<vmem>>) dst(%dma_wait3A_588 : memref<2048xf32, #tpu.memory_space<hbm>>)
        %dma_wait3A_591 = arith.constant 14336 : i32
        %dma_wait3A_592 = tpu.memref_slice %arg7[%dma_wait3A_591] : memref<32768xf32, #tpu.memory_space<vmem>> -> memref<2048xf32, #tpu.memory_space<vmem>>
        %dma_wait3A_593 = arith.constant 0 : i32
        %dma_wait3A_594 = tpu.memref_slice %arg4[%dma_wait3A_593] : memref<50331648xf32, #tpu.memory_space<hbm>> -> memref<2048xf32, #tpu.memory_space<hbm>>
        %dma_wait3A_595 = arith.constant 0 : i32
        %dma_wait3A_596 = tpu.memref_slice %arg4[%dma_wait3A_595] : memref<50331648xf32, #tpu.memory_space<hbm>> -> memref<2048xf32, #tpu.memory_space<hbm>>
        %dma_wait3A_597 = arith.constant 14336 : i32
        %dma_wait3A_598 = tpu.memref_slice %arg7[%dma_wait3A_597] : memref<32768xf32, #tpu.memory_space<vmem>> -> memref<2048xf32, #tpu.memory_space<vmem>>
        tpu.wait_dma2 semaphore(%arg10 : memref<!tpu.dma_semaphore, #tpu.memory_space<semaphore_mem>>) src(%dma_wait3A_598 : memref<2048xf32, #tpu.memory_space<vmem>>) dst(%dma_wait3A_596 : memref<2048xf32, #tpu.memory_space<hbm>>)
      } else {
      }
      %broadcast_in_dim3A = arith.constant 0 : i32
      %broadcast_in_dim3A_227 = vector.broadcast %broadcast_in_dim3A : i32 to vector<16xi32>
      %parallel_loop3A = arith.constant 0 : i32
      %parallel_loop3A_228 = arith.constant 128 : i32
      %parallel_loop3A_229 = arith.constant 1 : i32
      scf.for %parallel_loop3A_535 = %parallel_loop3A to %parallel_loop3A_228 step %parallel_loop3A_229  : i32 {
        %parallel_loop3A_536 = arith.constant 16 : i32
        %parallel_loop3A_537 = arith.muli %parallel_loop3A_535, %parallel_loop3A_536 : i32
        %parallel_loop3A_538 = arith.constant 0 : i32
        %parallel_loop3A_539 = arith.addi %parallel_loop3A_538, %parallel_loop3A_537 : i32
        %parallel_loop3A_540 = arith.index_cast %parallel_loop3A_539 : i32 to index
        %parallel_loop3A_541 = tpu.vector_load %arg6[%parallel_loop3A_540] {strides = array<i32>} : memref<4096xi32, #tpu.memory_space<vmem>>, vector<16xi32>,
        %parallel_loop3A_542 = arith.constant 128 : i32
        %parallel_loop3A_543 = vector.broadcast %parallel_loop3A_542 : i32 to vector<16xi32>
        %parallel_loop3A_544 = arith.divsi %parallel_loop3A_541, %parallel_loop3A_543 : vector<16xi32>
        %parallel_loop3A_545 = arith.constant 0 : i32
        %parallel_loop3A_546 = vector.broadcast %parallel_loop3A_545 : i32 to vector<16xi32>
        %parallel_loop3A_547 = arith.cmpi sgt, %parallel_loop3A_541, %parallel_loop3A_546 : vector<16xi32>
        %parallel_loop3A_548 = arith.extui %parallel_loop3A_547 : vector<16xi1> to vector<16xi32>
        %parallel_loop3A_549 = arith.constant 0 : i32
        %parallel_loop3A_550 = vector.broadcast %parallel_loop3A_549 : i32 to vector<16xi32>
        %parallel_loop3A_551 = arith.cmpi slt, %parallel_loop3A_541, %parallel_loop3A_550 : vector<16xi32>
        %parallel_loop3A_552 = arith.extui %parallel_loop3A_551 : vector<16xi1> to vector<16xi32>
        %parallel_loop3A_553 = arith.subi %parallel_loop3A_548, %parallel_loop3A_552 : vector<16xi32>
        %parallel_loop3A_554 = arith.constant 0 : i32
        %parallel_loop3A_555 = arith.cmpi sgt, %parallel_loop3A_542, %parallel_loop3A_554 : i32
        %parallel_loop3A_556 = arith.extui %parallel_loop3A_555 : i1 to i32
        %parallel_loop3A_557 = arith.constant 0 : i32
        %parallel_loop3A_558 = arith.cmpi slt, %parallel_loop3A_542, %parallel_loop3A_557 : i32
        %parallel_loop3A_559 = arith.extui %parallel_loop3A_558 : i1 to i32
        %parallel_loop3A_560 = arith.subi %parallel_loop3A_556, %parallel_loop3A_559 : i32
        %parallel_loop3A_561 = vector.broadcast %parallel_loop3A_560 : i32 to vector<16xi32>
        %parallel_loop3A_562 = arith.cmpi ne, %parallel_loop3A_553, %parallel_loop3A_561 : vector<16xi32>
        %parallel_loop3A_563 = vector.broadcast %parallel_loop3A_542 : i32 to vector<16xi32>
        %parallel_loop3A_564 = arith.remsi %parallel_loop3A_541, %parallel_loop3A_563 : vector<16xi32>
        %parallel_loop3A_565 = arith.constant 0 : i32
        %parallel_loop3A_566 = vector.broadcast %parallel_loop3A_565 : i32 to vector<16xi32>
        %parallel_loop3A_567 = arith.cmpi ne, %parallel_loop3A_564, %parallel_loop3A_566 : vector<16xi32>
        %parallel_loop3A_568 = arith.andi %parallel_loop3A_562, %parallel_loop3A_567 : vector<16xi1>
        %parallel_loop3A_569 = arith.constant 1 : i32
        %parallel_loop3A_570 = vector.broadcast %parallel_loop3A_569 : i32 to vector<16xi32>
        %parallel_loop3A_571 = arith.subi %parallel_loop3A_544, %parallel_loop3A_570 : vector<16xi32>
        %parallel_loop3A_572 = arith.select %parallel_loop3A_568, %parallel_loop3A_571, %parallel_loop3A_544 : vector<16xi1>, vector<16xi32>
        %parallel_loop3A_573 = arith.constant 896 : i32
        %parallel_loop3A_574 = vector.broadcast %parallel_loop3A_573 : i32 to vector<16xi32>
        %parallel_loop3A_575 = arith.muli %parallel_loop3A_572, %parallel_loop3A_574 : vector<16xi32>
        %parallel_loop3A_576 = arith.addi %parallel_loop3A_541, %parallel_loop3A_575 : vector<16xi32>
        %parallel_loop3A_577 = arith.constant 0 : i32
        %parallel_loop3A_578 = vector.broadcast %parallel_loop3A_577 : i32 to vector<16xi32>
        %parallel_loop3A_579 = arith.addi %parallel_loop3A_576, %parallel_loop3A_578 : vector<16xi32>
        %parallel_loop3A_580 = tpu.vector_load_idx %arg5[%broadcast_in_dim3A_227, %parallel_loop3A_579] : memref<512x128xf32, #tpu.memory_space<vmem>>[vector<16xi32>, vector<16xi32>], vector<16xf32>,
        %parallel_loop3A_581 = arith.constant 16 : i32
        %parallel_loop3A_582 = arith.muli %parallel_loop3A_535, %parallel_loop3A_581 : i32
        %parallel_loop3A_583 = arith.constant 0 : i32
        %parallel_loop3A_584 = arith.addi %parallel_loop3A_583, %parallel_loop3A_582 : i32
        %parallel_loop3A_585 = arith.index_cast %parallel_loop3A_584 : i32 to index
        %parallel_loop3A_586 = tpu.vector_load %arg7[%parallel_loop3A_585] {strides = array<i32>} : memref<32768xf32, #tpu.memory_space<vmem>>, vector<16xf32>,
        tpu.vector_store %arg7[%parallel_loop3A_585], %parallel_loop3A_580 {strides = array<i32>} : memref<32768xf32, #tpu.memory_space<vmem>>, vector<16xf32>,
        %parallel_loop3A_587 = arith.constant 128 : i32
        %parallel_loop3A_588 = vector.broadcast %parallel_loop3A_587 : i32 to vector<16xi32>
        %parallel_loop3A_589 = arith.addi %parallel_loop3A_576, %parallel_loop3A_588 : vector<16xi32>
        %parallel_loop3A_590 = tpu.vector_load_idx %arg5[%broadcast_in_dim3A_227, %parallel_loop3A_589] : memref<512x128xf32, #tpu.memory_space<vmem>>[vector<16xi32>, vector<16xi32>], vector<16xf32>,
        %parallel_loop3A_591 = arith.constant 16 : i32
        %parallel_loop3A_592 = arith.muli %parallel_loop3A_535, %parallel_loop3A_591 : i32
        %parallel_loop3A_593 = arith.constant 2048 : i32
        %parallel_loop3A_594 = arith.addi %parallel_loop3A_593, %parallel_loop3A_592 : i32
        %parallel_loop3A_595 = arith.index_cast %parallel_loop3A_594 : i32 to index
        %parallel_loop3A_596 = tpu.vector_load %arg7[%parallel_loop3A_595] {strides = array<i32>} : memref<32768xf32, #tpu.memory_space<vmem>>, vector<16xf32>,
        tpu.vector_store %arg7[%parallel_loop3A_595], %parallel_loop3A_590 {strides = array<i32>} : memref<32768xf32, #tpu.memory_space<vmem>>, vector<16xf32>,
        %parallel_loop3A_597 = arith.constant 256 : i32
        %parallel_loop3A_598 = vector.broadcast %parallel_loop3A_597 : i32 to vector<16xi32>
        %parallel_loop3A_599 = arith.addi %parallel_loop3A_576, %parallel_loop3A_598 : vector<16xi32>
        %parallel_loop3A_600 = tpu.vector_load_idx %arg5[%broadcast_in_dim3A_227, %parallel_loop3A_599] : memref<512x128xf32, #tpu.memory_space<vmem>>[vector<16xi32>, vector<16xi32>], vector<16xf32>,
        %parallel_loop3A_601 = arith.constant 16 : i32
        %parallel_loop3A_602 = arith.muli %parallel_loop3A_535, %parallel_loop3A_601 : i32
        %parallel_loop3A_603 = arith.constant 4096 : i32
        %parallel_loop3A_604 = arith.addi %parallel_loop3A_603, %parallel_loop3A_602 : i32
        %parallel_loop3A_605 = arith.index_cast %parallel_loop3A_604 : i32 to index
        %parallel_loop3A_606 = tpu.vector_load %arg7[%parallel_loop3A_605] {strides = array<i32>} : memref<32768xf32, #tpu.memory_space<vmem>>, vector<16xf32>,
        tpu.vector_store %arg7[%parallel_loop3A_605], %parallel_loop3A_600 {strides = array<i32>} : memref<32768xf32, #tpu.memory_space<vmem>>, vector<16xf32>,
        %parallel_loop3A_607 = arith.constant 384 : i32
        %parallel_loop3A_608 = vector.broadcast %parallel_loop3A_607 : i32 to vector<16xi32>
        %parallel_loop3A_609 = arith.addi %parallel_loop3A_576, %parallel_loop3A_608 : vector<16xi32>
        %parallel_loop3A_610 = tpu.vector_load_idx %arg5[%broadcast_in_dim3A_227, %parallel_loop3A_609] : memref<512x128xf32, #tpu.memory_space<vmem>>[vector<16xi32>, vector<16xi32>], vector<16xf32>,
        %parallel_loop3A_611 = arith.constant 16 : i32
        %parallel_loop3A_612 = arith.muli %parallel_loop3A_535, %parallel_loop3A_611 : i32
        %parallel_loop3A_613 = arith.constant 6144 : i32
        %parallel_loop3A_614 = arith.addi %parallel_loop3A_613, %parallel_loop3A_612 : i32
        %parallel_loop3A_615 = arith.index_cast %parallel_loop3A_614 : i32 to index
        %parallel_loop3A_616 = tpu.vector_load %arg7[%parallel_loop3A_615] {strides = array<i32>} : memref<32768xf32, #tpu.memory_space<vmem>>, vector<16xf32>,
        tpu.vector_store %arg7[%parallel_loop3A_615], %parallel_loop3A_610 {strides = array<i32>} : memref<32768xf32, #tpu.memory_space<vmem>>, vector<16xf32>,
        %parallel_loop3A_617 = arith.constant 512 : i32
        %parallel_loop3A_618 = vector.broadcast %parallel_loop3A_617 : i32 to vector<16xi32>
        %parallel_loop3A_619 = arith.addi %parallel_loop3A_576, %parallel_loop3A_618 : vector<16xi32>
        %parallel_loop3A_620 = tpu.vector_load_idx %arg5[%broadcast_in_dim3A_227, %parallel_loop3A_619] : memref<512x128xf32, #tpu.memory_space<vmem>>[vector<16xi32>, vector<16xi32>], vector<16xf32>,
        %parallel_loop3A_621 = arith.constant 16 : i32
        %parallel_loop3A_622 = arith.muli %parallel_loop3A_535, %parallel_loop3A_621 : i32
        %parallel_loop3A_623 = arith.constant 8192 : i32
        %parallel_loop3A_624 = arith.addi %parallel_loop3A_623, %parallel_loop3A_622 : i32
        %parallel_loop3A_625 = arith.index_cast %parallel_loop3A_624 : i32 to index
        %parallel_loop3A_626 = tpu.vector_load %arg7[%parallel_loop3A_625] {strides = array<i32>} : memref<32768xf32, #tpu.memory_space<vmem>>, vector<16xf32>,
        tpu.vector_store %arg7[%parallel_loop3A_625], %parallel_loop3A_620 {strides = array<i32>} : memref<32768xf32, #tpu.memory_space<vmem>>, vector<16xf32>,
        %parallel_loop3A_627 = arith.constant 640 : i32
        %parallel_loop3A_628 = vector.broadcast %parallel_loop3A_627 : i32 to vector<16xi32>
        %parallel_loop3A_629 = arith.addi %parallel_loop3A_576, %parallel_loop3A_628 : vector<16xi32>
        %parallel_loop3A_630 = tpu.vector_load_idx %arg5[%broadcast_in_dim3A_227, %parallel_loop3A_629] : memref<512x128xf32, #tpu.memory_space<vmem>>[vector<16xi32>, vector<16xi32>], vector<16xf32>,
        %parallel_loop3A_631 = arith.constant 16 : i32
        %parallel_loop3A_632 = arith.muli %parallel_loop3A_535, %parallel_loop3A_631 : i32
        %parallel_loop3A_633 = arith.constant 10240 : i32
        %parallel_loop3A_634 = arith.addi %parallel_loop3A_633, %parallel_loop3A_632 : i32
        %parallel_loop3A_635 = arith.index_cast %parallel_loop3A_634 : i32 to index
        %parallel_loop3A_636 = tpu.vector_load %arg7[%parallel_loop3A_635] {strides = array<i32>} : memref<32768xf32, #tpu.memory_space<vmem>>, vector<16xf32>,
        tpu.vector_store %arg7[%parallel_loop3A_635], %parallel_loop3A_630 {strides = array<i32>} : memref<32768xf32, #tpu.memory_space<vmem>>, vector<16xf32>,
        %parallel_loop3A_637 = arith.constant 768 : i32
        %parallel_loop3A_638 = vector.broadcast %parallel_loop3A_637 : i32 to vector<16xi32>
        %parallel_loop3A_639 = arith.addi %parallel_loop3A_576, %parallel_loop3A_638 : vector<16xi32>
        %parallel_loop3A_640 = tpu.vector_load_idx %arg5[%broadcast_in_dim3A_227, %parallel_loop3A_639] : memref<512x128xf32, #tpu.memory_space<vmem>>[vector<16xi32>, vector<16xi32>], vector<16xf32>,
        %parallel_loop3A_641 = arith.constant 16 : i32
        %parallel_loop3A_642 = arith.muli %parallel_loop3A_535, %parallel_loop3A_641 : i32
        %parallel_loop3A_643 = arith.constant 12288 : i32
        %parallel_loop3A_644 = arith.addi %parallel_loop3A_643, %parallel_loop3A_642 : i32
        %parallel_loop3A_645 = arith.index_cast %parallel_loop3A_644 : i32 to index
        %parallel_loop3A_646 = tpu.vector_load %arg7[%parallel_loop3A_645] {strides = array<i32>} : memref<32768xf32, #tpu.memory_space<vmem>>, vector<16xf32>,
        tpu.vector_store %arg7[%parallel_loop3A_645], %parallel_loop3A_640 {strides = array<i32>} : memref<32768xf32, #tpu.memory_space<vmem>>, vector<16xf32>,
        %parallel_loop3A_647 = arith.constant 896 : i32
        %parallel_loop3A_648 = vector.broadcast %parallel_loop3A_647 : i32 to vector<16xi32>
        %parallel_loop3A_649 = arith.addi %parallel_loop3A_576, %parallel_loop3A_648 : vector<16xi32>
        %parallel_loop3A_650 = tpu.vector_load_idx %arg5[%broadcast_in_dim3A_227, %parallel_loop3A_649] : memref<512x128xf32, #tpu.memory_space<vmem>>[vector<16xi32>, vector<16xi32>], vector<16xf32>,
        %parallel_loop3A_651 = arith.constant 16 : i32
        %parallel_loop3A_652 = arith.muli %parallel_loop3A_535, %parallel_loop3A_651 : i32
        %parallel_loop3A_653 = arith.constant 14336 : i32
        %parallel_loop3A_654 = arith.addi %parallel_loop3A_653, %parallel_loop3A_652 : i32
        %parallel_loop3A_655 = arith.index_cast %parallel_loop3A_654 : i32 to index
        %parallel_loop3A_656 = tpu.vector_load %arg7[%parallel_loop3A_655] {strides = array<i32>} : memref<32768xf32, #tpu.memory_space<vmem>>, vector<16xf32>,
        tpu.vector_store %arg7[%parallel_loop3A_655], %parallel_loop3A_650 {strides = array<i32>} : memref<32768xf32, #tpu.memory_space<vmem>>, vector<16xf32>,
      } {sc.loop_unroll_factor = 8 : i64, sc.parallel_access}
      %add3A_230 = arith.constant 0 : i32
      %add3A_231 = arith.addi %add3A_213, %add3A_230 : i32
      %add3A_232 = arith.constant 2 : i32
      %add3A_233 = arith.addi %add3A_231, %add3A_232 : i32
      %lt3A_234 = arith.constant 96 : i32
      %lt3A_235 = arith.cmpi slt, %add3A_233, %lt3A_234 : i32
      %convert_element_type3A_236 = arith.extui %lt3A_235 : i1 to i32
      %cond3A_237 = arith.constant 0 : i32
      %cond3A_238 = arith.cmpi ne, %convert_element_type3A_236, %cond3A_237 : i32
      scf.if %cond3A_238 {
        %add3A_535 = arith.constant 2 : i32
        %add3A_536 = arith.addi %add3A_216, %add3A_535 : i32
        %mul3A_537 = arith.constant 2048 : i32
        %mul3A_538 = arith.muli %add3A_536, %mul3A_537 : i32
        %dma_start3A_539 = arith.constant 0 : i32
        %dma_start3A_540 = tpu.memref_slice %arg6[%dma_start3A_539] : memref<4096xi32, #tpu.memory_space<vmem>> -> memref<2048xi32, #tpu.memory_space<vmem>>
        %dma_start3A_541 = tpu.memref_slice %arg3[%mul3A_538] : memref<786432xi32, #tpu.memory_space<hbm>> -> memref<2048xi32, #tpu.memory_space<hbm>>
        %dma_start3A_542 = arith.constant 0 : i32
        %dma_start3A_543 = tpu.memref_slice %arg6[%dma_start3A_542] : memref<4096xi32, #tpu.memory_space<vmem>> -> memref<2048xi32, #tpu.memory_space<vmem>>
        %dma_start3A_544 = tpu.memref_slice %arg3[%mul3A_538] : memref<786432xi32, #tpu.memory_space<hbm>> -> memref<2048xi32, #tpu.memory_space<hbm>>
        tpu.enqueue_dma source(%dma_start3A_544 : memref<2048xi32, #tpu.memory_space<hbm>>) target(%dma_start3A_543 : memref<2048xi32, #tpu.memory_space<vmem>>) target_semaphore(%arg8 : memref<!tpu.dma_semaphore, #tpu.memory_space<semaphore_mem>>)
      } else {
      }
      %jit3A_239 = arith.constant 8 : i32
      %div3A_240 = arith.divsi %add3A_216, %jit3A_239 : i32
      %sign3A_241 = arith.constant 0 : i32
      %sign3A_242 = arith.cmpi sgt, %add3A_216, %sign3A_241 : i32
      %sign3A_243 = arith.extui %sign3A_242 : i1 to i32
      %sign3A_244 = arith.constant 0 : i32
      %sign3A_245 = arith.cmpi slt, %add3A_216, %sign3A_244 : i32
      %sign3A_246 = arith.extui %sign3A_245 : i1 to i32
      %sign3A_247 = arith.subi %sign3A_243, %sign3A_246 : i32
      %sign3A_248 = arith.constant 0 : i32
      %sign3A_249 = arith.cmpi sgt, %jit3A_239, %sign3A_248 : i32
      %sign3A_250 = arith.extui %sign3A_249 : i1 to i32
      %sign3A_251 = arith.constant 0 : i32
      %sign3A_252 = arith.cmpi slt, %jit3A_239, %sign3A_251 : i32
      %sign3A_253 = arith.extui %sign3A_252 : i1 to i32
      %sign3A_254 = arith.subi %sign3A_250, %sign3A_253 : i32
      %ne3A_255 = arith.cmpi ne, %sign3A_247, %sign3A_254 : i32
      %rem3A_256 = arith.remsi %add3A_216, %jit3A_239 : i32
      %ne3A_257 = arith.constant 0 : i32
      %ne3A_258 = arith.cmpi ne, %rem3A_256, %ne3A_257 : i32
      %and3A_259 = arith.andi %ne3A_255, %ne3A_258 : i1
      %sub3A_260 = arith.constant 1 : i32
      %sub3A_261 = arith.subi %div3A_240, %sub3A_260 : i32
      %select_n3A_262 = arith.select %and3A_259, %sub3A_261, %div3A_240 : i32
      %jit3A_263 = arith.constant 8 : i32
      %eq3A_264 = arith.constant 0 : i32
      %eq3A_265 = arith.cmpi eq, %jit3A_263, %eq3A_264 : i32
      %jit3A_266 = arith.constant 1 : i32
      %select_n3A_267 = arith.select %eq3A_265, %jit3A_266, %jit3A_263 : i32
      %rem3A_268 = arith.remsi %add3A_216, %select_n3A_267 : i32
      %ne3A_269 = arith.constant 0 : i32
      %ne3A_270 = arith.cmpi ne, %rem3A_268, %ne3A_269 : i32
      %lt3A_271 = arith.constant 0 : i32
      %lt3A_272 = arith.cmpi slt, %rem3A_268, %lt3A_271 : i32
      %lt3A_273 = arith.constant 0 : i32
      %lt3A_274 = arith.cmpi slt, %select_n3A_267, %lt3A_273 : i32
      %ne3A_275 = arith.xori %lt3A_272, %lt3A_274 : i1
      %and3A_276 = arith.andi %ne3A_275, %ne3A_270 : i1
      %add3A_277 = arith.addi %rem3A_268, %select_n3A_267 : i32
      %select_n3A_278 = arith.select %and3A_276, %add3A_277, %rem3A_268 : i32
      %mul3A_279 = arith.constant 64 : i32
      %mul3A_280 = arith.muli %select_n3A_262, %mul3A_279 : i32
      %add3A_281 = arith.addi %mul3A_280, %mul3A_18 : i32
      %mul3A_282 = arith.constant 2048 : i32
      %mul3A_283 = arith.muli %select_n3A_278, %mul3A_282 : i32
      %add3A_284 = arith.constant 0 : i32
      %add3A_285 = arith.addi %add3A_281, %add3A_284 : i32
      %mul3A_286 = arith.constant 16384 : i32
      %mul3A_287 = arith.muli %add3A_285, %mul3A_286 : i32
      %add3A_288 = arith.addi %mul3A_287, %mul3A_283 : i32
      %dma_start3A_289 = arith.constant 0 : i32
      %dma_start3A_290 = tpu.memref_slice %arg7[%dma_start3A_289] : memref<32768xf32, #tpu.memory_space<vmem>> -> memref<2048xf32, #tpu.memory_space<vmem>>
      %dma_start3A_291 = tpu.memref_slice %arg4[%add3A_288] : memref<50331648xf32, #tpu.memory_space<hbm>> -> memref<2048xf32, #tpu.memory_space<hbm>>
      %dma_start3A_292 = tpu.memref_slice %arg4[%add3A_288] : memref<50331648xf32, #tpu.memory_space<hbm>> -> memref<2048xf32, #tpu.memory_space<hbm>>
      %dma_start3A_293 = arith.constant 0 : i32
      %dma_start3A_294 = tpu.memref_slice %arg7[%dma_start3A_293] : memref<32768xf32, #tpu.memory_space<vmem>> -> memref<2048xf32, #tpu.memory_space<vmem>>
      tpu.enqueue_dma source(%dma_start3A_294 : memref<2048xf32, #tpu.memory_space<vmem>>) target(%dma_start3A_292 : memref<2048xf32, #tpu.memory_space<hbm>>) target_semaphore(%arg10 : memref<!tpu.dma_semaphore, #tpu.memory_space<semaphore_mem>>)
      %add3A_295 = arith.constant 1 : i32
      %add3A_296 = arith.addi %add3A_281, %add3A_295 : i32
      %mul3A_297 = arith.constant 16384 : i32
      %mul3A_298 = arith.muli %add3A_296, %mul3A_297 : i32
      %add3A_299 = arith.addi %mul3A_298, %mul3A_283 : i32
      %dma_start3A_300 = arith.constant 2048 : i32
      %dma_start3A_301 = tpu.memref_slice %arg7[%dma_start3A_300] : memref<32768xf32, #tpu.memory_space<vmem>> -> memref<2048xf32, #tpu.memory_space<vmem>>
      %dma_start3A_302 = tpu.memref_slice %arg4[%add3A_299] : memref<50331648xf32, #tpu.memory_space<hbm>> -> memref<2048xf32, #tpu.memory_space<hbm>>
      %dma_start3A_303 = tpu.memref_slice %arg4[%add3A_299] : memref<50331648xf32, #tpu.memory_space<hbm>> -> memref<2048xf32, #tpu.memory_space<hbm>>
      %dma_start3A_304 = arith.constant 2048 : i32
      %dma_start3A_305 = tpu.memref_slice %arg7[%dma_start3A_304] : memref<32768xf32, #tpu.memory_space<vmem>> -> memref<2048xf32, #tpu.memory_space<vmem>>
      tpu.enqueue_dma source(%dma_start3A_305 : memref<2048xf32, #tpu.memory_space<vmem>>) target(%dma_start3A_303 : memref<2048xf32, #tpu.memory_space<hbm>>) target_semaphore(%arg10 : memref<!tpu.dma_semaphore, #tpu.memory_space<semaphore_mem>>)
      %add3A_306 = arith.constant 2 : i32
      %add3A_307 = arith.addi %add3A_281, %add3A_306 : i32
      %mul3A_308 = arith.constant 16384 : i32
      %mul3A_309 = arith.muli %add3A_307, %mul3A_308 : i32
      %add3A_310 = arith.addi %mul3A_309, %mul3A_283 : i32
      %dma_start3A_311 = arith.constant 4096 : i32
      %dma_start3A_312 = tpu.memref_slice %arg7[%dma_start3A_311] : memref<32768xf32, #tpu.memory_space<vmem>> -> memref<2048xf32, #tpu.memory_space<vmem>>
      %dma_start3A_313 = tpu.memref_slice %arg4[%add3A_310] : memref<50331648xf32, #tpu.memory_space<hbm>> -> memref<2048xf32, #tpu.memory_space<hbm>>
      %dma_start3A_314 = tpu.memref_slice %arg4[%add3A_310] : memref<50331648xf32, #tpu.memory_space<hbm>> -> memref<2048xf32, #tpu.memory_space<hbm>>
      %dma_start3A_315 = arith.constant 4096 : i32
      %dma_start3A_316 = tpu.memref_slice %arg7[%dma_start3A_315] : memref<32768xf32, #tpu.memory_space<vmem>> -> memref<2048xf32, #tpu.memory_space<vmem>>
      tpu.enqueue_dma source(%dma_start3A_316 : memref<2048xf32, #tpu.memory_space<vmem>>) target(%dma_start3A_314 : memref<2048xf32, #tpu.memory_space<hbm>>) target_semaphore(%arg10 : memref<!tpu.dma_semaphore, #tpu.memory_space<semaphore_mem>>)
      %add3A_317 = arith.constant 3 : i32
      %add3A_318 = arith.addi %add3A_281, %add3A_317 : i32
      %mul3A_319 = arith.constant 16384 : i32
      %mul3A_320 = arith.muli %add3A_318, %mul3A_319 : i32
      %add3A_321 = arith.addi %mul3A_320, %mul3A_283 : i32
      %dma_start3A_322 = arith.constant 6144 : i32
      %dma_start3A_323 = tpu.memref_slice %arg7[%dma_start3A_322] : memref<32768xf32, #tpu.memory_space<vmem>> -> memref<2048xf32, #tpu.memory_space<vmem>>
      %dma_start3A_324 = tpu.memref_slice %arg4[%add3A_321] : memref<50331648xf32, #tpu.memory_space<hbm>> -> memref<2048xf32, #tpu.memory_space<hbm>>
      %dma_start3A_325 = tpu.memref_slice %arg4[%add3A_321] : memref<50331648xf32, #tpu.memory_space<hbm>> -> memref<2048xf32, #tpu.memory_space<hbm>>
      %dma_start3A_326 = arith.constant 6144 : i32
      %dma_start3A_327 = tpu.memref_slice %arg7[%dma_start3A_326] : memref<32768xf32, #tpu.memory_space<vmem>> -> memref<2048xf32, #tpu.memory_space<vmem>>
      tpu.enqueue_dma source(%dma_start3A_327 : memref<2048xf32, #tpu.memory_space<vmem>>) target(%dma_start3A_325 : memref<2048xf32, #tpu.memory_space<hbm>>) target_semaphore(%arg10 : memref<!tpu.dma_semaphore, #tpu.memory_space<semaphore_mem>>)
      %add3A_328 = arith.constant 4 : i32
      %add3A_329 = arith.addi %add3A_281, %add3A_328 : i32
      %mul3A_330 = arith.constant 16384 : i32
      %mul3A_331 = arith.muli %add3A_329, %mul3A_330 : i32
      %add3A_332 = arith.addi %mul3A_331, %mul3A_283 : i32
      %dma_start3A_333 = arith.constant 8192 : i32
      %dma_start3A_334 = tpu.memref_slice %arg7[%dma_start3A_333] : memref<32768xf32, #tpu.memory_space<vmem>> -> memref<2048xf32, #tpu.memory_space<vmem>>
      %dma_start3A_335 = tpu.memref_slice %arg4[%add3A_332] : memref<50331648xf32, #tpu.memory_space<hbm>> -> memref<2048xf32, #tpu.memory_space<hbm>>
      %dma_start3A_336 = tpu.memref_slice %arg4[%add3A_332] : memref<50331648xf32, #tpu.memory_space<hbm>> -> memref<2048xf32, #tpu.memory_space<hbm>>
      %dma_start3A_337 = arith.constant 8192 : i32
      %dma_start3A_338 = tpu.memref_slice %arg7[%dma_start3A_337] : memref<32768xf32, #tpu.memory_space<vmem>> -> memref<2048xf32, #tpu.memory_space<vmem>>
      tpu.enqueue_dma source(%dma_start3A_338 : memref<2048xf32, #tpu.memory_space<vmem>>) target(%dma_start3A_336 : memref<2048xf32, #tpu.memory_space<hbm>>) target_semaphore(%arg10 : memref<!tpu.dma_semaphore, #tpu.memory_space<semaphore_mem>>)
      %add3A_339 = arith.constant 5 : i32
      %add3A_340 = arith.addi %add3A_281, %add3A_339 : i32
      %mul3A_341 = arith.constant 16384 : i32
      %mul3A_342 = arith.muli %add3A_340, %mul3A_341 : i32
      %add3A_343 = arith.addi %mul3A_342, %mul3A_283 : i32
      %dma_start3A_344 = arith.constant 10240 : i32
      %dma_start3A_345 = tpu.memref_slice %arg7[%dma_start3A_344] : memref<32768xf32, #tpu.memory_space<vmem>> -> memref<2048xf32, #tpu.memory_space<vmem>>
      %dma_start3A_346 = tpu.memref_slice %arg4[%add3A_343] : memref<50331648xf32, #tpu.memory_space<hbm>> -> memref<2048xf32, #tpu.memory_space<hbm>>
      %dma_start3A_347 = tpu.memref_slice %arg4[%add3A_343] : memref<50331648xf32, #tpu.memory_space<hbm>> -> memref<2048xf32, #tpu.memory_space<hbm>>
      %dma_start3A_348 = arith.constant 10240 : i32
      %dma_start3A_349 = tpu.memref_slice %arg7[%dma_start3A_348] : memref<32768xf32, #tpu.memory_space<vmem>> -> memref<2048xf32, #tpu.memory_space<vmem>>
      tpu.enqueue_dma source(%dma_start3A_349 : memref<2048xf32, #tpu.memory_space<vmem>>) target(%dma_start3A_347 : memref<2048xf32, #tpu.memory_space<hbm>>) target_semaphore(%arg10 : memref<!tpu.dma_semaphore, #tpu.memory_space<semaphore_mem>>)
      %add3A_350 = arith.constant 6 : i32
      %add3A_351 = arith.addi %add3A_281, %add3A_350 : i32
      %mul3A_352 = arith.constant 16384 : i32
      %mul3A_353 = arith.muli %add3A_351, %mul3A_352 : i32
      %add3A_354 = arith.addi %mul3A_353, %mul3A_283 : i32
      %dma_start3A_355 = arith.constant 12288 : i32
      %dma_start3A_356 = tpu.memref_slice %arg7[%dma_start3A_355] : memref<32768xf32, #tpu.memory_space<vmem>> -> memref<2048xf32, #tpu.memory_space<vmem>>
      %dma_start3A_357 = tpu.memref_slice %arg4[%add3A_354] : memref<50331648xf32, #tpu.memory_space<hbm>> -> memref<2048xf32, #tpu.memory_space<hbm>>
      %dma_start3A_358 = tpu.memref_slice %arg4[%add3A_354] : memref<50331648xf32, #tpu.memory_space<hbm>> -> memref<2048xf32, #tpu.memory_space<hbm>>
      %dma_start3A_359 = arith.constant 12288 : i32
      %dma_start3A_360 = tpu.memref_slice %arg7[%dma_start3A_359] : memref<32768xf32, #tpu.memory_space<vmem>> -> memref<2048xf32, #tpu.memory_space<vmem>>
      tpu.enqueue_dma source(%dma_start3A_360 : memref<2048xf32, #tpu.memory_space<vmem>>) target(%dma_start3A_358 : memref<2048xf32, #tpu.memory_space<hbm>>) target_semaphore(%arg10 : memref<!tpu.dma_semaphore, #tpu.memory_space<semaphore_mem>>)
      %add3A_361 = arith.constant 7 : i32
      %add3A_362 = arith.addi %add3A_281, %add3A_361 : i32
      %mul3A_363 = arith.constant 16384 : i32
      %mul3A_364 = arith.muli %add3A_362, %mul3A_363 : i32
      %add3A_365 = arith.addi %mul3A_364, %mul3A_283 : i32
      %dma_start3A_366 = arith.constant 14336 : i32
      %dma_start3A_367 = tpu.memref_slice %arg7[%dma_start3A_366] : memref<32768xf32, #tpu.memory_space<vmem>> -> memref<2048xf32, #tpu.memory_space<vmem>>
      %dma_start3A_368 = tpu.memref_slice %arg4[%add3A_365] : memref<50331648xf32, #tpu.memory_space<hbm>> -> memref<2048xf32, #tpu.memory_space<hbm>>
      %dma_start3A_369 = tpu.memref_slice %arg4[%add3A_365] : memref<50331648xf32, #tpu.memory_space<hbm>> -> memref<2048xf32, #tpu.memory_space<hbm>>
      %dma_start3A_370 = arith.constant 14336 : i32
      %dma_start3A_371 = tpu.memref_slice %arg7[%dma_start3A_370] : memref<32768xf32, #tpu.memory_space<vmem>> -> memref<2048xf32, #tpu.memory_space<vmem>>
      tpu.enqueue_dma source(%dma_start3A_371 : memref<2048xf32, #tpu.memory_space<vmem>>) target(%dma_start3A_369 : memref<2048xf32, #tpu.memory_space<hbm>>) target_semaphore(%arg10 : memref<!tpu.dma_semaphore, #tpu.memory_space<semaphore_mem>>)
      %add3A_372 = arith.addi %mul3A_34, %add3A_213 : i32
      %add3A_373 = arith.constant 1 : i32
      %add3A_374 = arith.addi %add3A_372, %add3A_373 : i32
      %mul3A_375 = arith.constant 2048 : i32
      %mul3A_376 = arith.muli %add3A_374, %mul3A_375 : i32
      %dma_wait3A_377 = arith.constant 2048 : i32
      %dma_wait3A_378 = tpu.memref_slice %arg6[%dma_wait3A_377] : memref<4096xi32, #tpu.memory_space<vmem>> -> memref<2048xi32, #tpu.memory_space<vmem>>
      %dma_wait3A_379 = tpu.memref_slice %arg3[%mul3A_376] : memref<786432xi32, #tpu.memory_space<hbm>> -> memref<2048xi32, #tpu.memory_space<hbm>>
      %dma_wait3A_380 = arith.constant 2048 : i32
      %dma_wait3A_381 = tpu.memref_slice %arg6[%dma_wait3A_380] : memref<4096xi32, #tpu.memory_space<vmem>> -> memref<2048xi32, #tpu.memory_space<vmem>>
      %dma_wait3A_382 = tpu.memref_slice %arg3[%mul3A_376] : memref<786432xi32, #tpu.memory_space<hbm>> -> memref<2048xi32, #tpu.memory_space<hbm>>
      tpu.wait_dma2 semaphore(%arg9 : memref<!tpu.dma_semaphore, #tpu.memory_space<semaphore_mem>>) src(%dma_wait3A_382 : memref<2048xi32, #tpu.memory_space<hbm>>) dst(%dma_wait3A_381 : memref<2048xi32, #tpu.memory_space<vmem>>)
      %ge3A_383 = arith.constant 2 : i32
      %ge3A_384 = arith.cmpi sge, %add3A_213, %ge3A_383 : i32
      %convert_element_type3A_385 = arith.extui %ge3A_384 : i1 to i32
      %cond3A_386 = arith.constant 0 : i32
      %cond3A_387 = arith.cmpi ne, %convert_element_type3A_385, %cond3A_386 : i32
      scf.if %cond3A_387 {
        %dma_wait3A_535 = arith.constant 16384 : i32
        %dma_wait3A_536 = tpu.memref_slice %arg7[%dma_wait3A_535] : memref<32768xf32, #tpu.memory_space<vmem>> -> memref<2048xf32, #tpu.memory_space<vmem>>
        %dma_wait3A_537 = arith.constant 0 : i32
        %dma_wait3A_538 = tpu.memref_slice %arg4[%dma_wait3A_537] : memref<50331648xf32, #tpu.memory_space<hbm>> -> memref<2048xf32, #tpu.memory_space<hbm>>
        %dma_wait3A_539 = arith.constant 0 : i32
        %dma_wait3A_540 = tpu.memref_slice %arg4[%dma_wait3A_539] : memref<50331648xf32, #tpu.memory_space<hbm>> -> memref<2048xf32, #tpu.memory_space<hbm>>
        %dma_wait3A_541 = arith.constant 16384 : i32
        %dma_wait3A_542 = tpu.memref_slice %arg7[%dma_wait3A_541] : memref<32768xf32, #tpu.memory_space<vmem>> -> memref<2048xf32, #tpu.memory_space<vmem>>
        tpu.wait_dma2 semaphore(%arg11 : memref<!tpu.dma_semaphore, #tpu.memory_space<semaphore_mem>>) src(%dma_wait3A_542 : memref<2048xf32, #tpu.memory_space<vmem>>) dst(%dma_wait3A_540 : memref<2048xf32, #tpu.memory_space<hbm>>)
        %dma_wait3A_543 = arith.constant 18432 : i32
        %dma_wait3A_544 = tpu.memref_slice %arg7[%dma_wait3A_543] : memref<32768xf32, #tpu.memory_space<vmem>> -> memref<2048xf32, #tpu.memory_space<vmem>>
        %dma_wait3A_545 = arith.constant 0 : i32
        %dma_wait3A_546 = tpu.memref_slice %arg4[%dma_wait3A_545] : memref<50331648xf32, #tpu.memory_space<hbm>> -> memref<2048xf32, #tpu.memory_space<hbm>>
        %dma_wait3A_547 = arith.constant 0 : i32
        %dma_wait3A_548 = tpu.memref_slice %arg4[%dma_wait3A_547] : memref<50331648xf32, #tpu.memory_space<hbm>> -> memref<2048xf32, #tpu.memory_space<hbm>>
        %dma_wait3A_549 = arith.constant 18432 : i32
        %dma_wait3A_550 = tpu.memref_slice %arg7[%dma_wait3A_549] : memref<32768xf32, #tpu.memory_space<vmem>> -> memref<2048xf32, #tpu.memory_space<vmem>>
        tpu.wait_dma2 semaphore(%arg11 : memref<!tpu.dma_semaphore, #tpu.memory_space<semaphore_mem>>) src(%dma_wait3A_550 : memref<2048xf32, #tpu.memory_space<vmem>>) dst(%dma_wait3A_548 : memref<2048xf32, #tpu.memory_space<hbm>>)
        %dma_wait3A_551 = arith.constant 20480 : i32
        %dma_wait3A_552 = tpu.memref_slice %arg7[%dma_wait3A_551] : memref<32768xf32, #tpu.memory_space<vmem>> -> memref<2048xf32, #tpu.memory_space<vmem>>
        %dma_wait3A_553 = arith.constant 0 : i32
        %dma_wait3A_554 = tpu.memref_slice %arg4[%dma_wait3A_553] : memref<50331648xf32, #tpu.memory_space<hbm>> -> memref<2048xf32, #tpu.memory_space<hbm>>
        %dma_wait3A_555 = arith.constant 0 : i32
        %dma_wait3A_556 = tpu.memref_slice %arg4[%dma_wait3A_555] : memref<50331648xf32, #tpu.memory_space<hbm>> -> memref<2048xf32, #tpu.memory_space<hbm>>
        %dma_wait3A_557 = arith.constant 20480 : i32
        %dma_wait3A_558 = tpu.memref_slice %arg7[%dma_wait3A_557] : memref<32768xf32, #tpu.memory_space<vmem>> -> memref<2048xf32, #tpu.memory_space<vmem>>
        tpu.wait_dma2 semaphore(%arg11 : memref<!tpu.dma_semaphore, #tpu.memory_space<semaphore_mem>>) src(%dma_wait3A_558 : memref<2048xf32, #tpu.memory_space<vmem>>) dst(%dma_wait3A_556 : memref<2048xf32, #tpu.memory_space<hbm>>)
        %dma_wait3A_559 = arith.constant 22528 : i32
        %dma_wait3A_560 = tpu.memref_slice %arg7[%dma_wait3A_559] : memref<32768xf32, #tpu.memory_space<vmem>> -> memref<2048xf32, #tpu.memory_space<vmem>>
        %dma_wait3A_561 = arith.constant 0 : i32
        %dma_wait3A_562 = tpu.memref_slice %arg4[%dma_wait3A_561] : memref<50331648xf32, #tpu.memory_space<hbm>> -> memref<2048xf32, #tpu.memory_space<hbm>>
        %dma_wait3A_563 = arith.constant 0 : i32
        %dma_wait3A_564 = tpu.memref_slice %arg4[%dma_wait3A_563] : memref<50331648xf32, #tpu.memory_space<hbm>> -> memref<2048xf32, #tpu.memory_space<hbm>>
        %dma_wait3A_565 = arith.constant 22528 : i32
        %dma_wait3A_566 = tpu.memref_slice %arg7[%dma_wait3A_565] : memref<32768xf32, #tpu.memory_space<vmem>> -> memref<2048xf32, #tpu.memory_space<vmem>>
        tpu.wait_dma2 semaphore(%arg11 : memref<!tpu.dma_semaphore, #tpu.memory_space<semaphore_mem>>) src(%dma_wait3A_566 : memref<2048xf32, #tpu.memory_space<vmem>>) dst(%dma_wait3A_564 : memref<2048xf32, #tpu.memory_space<hbm>>)
        %dma_wait3A_567 = arith.constant 24576 : i32
        %dma_wait3A_568 = tpu.memref_slice %arg7[%dma_wait3A_567] : memref<32768xf32, #tpu.memory_space<vmem>> -> memref<2048xf32, #tpu.memory_space<vmem>>
        %dma_wait3A_569 = arith.constant 0 : i32
        %dma_wait3A_570 = tpu.memref_slice %arg4[%dma_wait3A_569] : memref<50331648xf32, #tpu.memory_space<hbm>> -> memref<2048xf32, #tpu.memory_space<hbm>>
        %dma_wait3A_571 = arith.constant 0 : i32
        %dma_wait3A_572 = tpu.memref_slice %arg4[%dma_wait3A_571] : memref<50331648xf32, #tpu.memory_space<hbm>> -> memref<2048xf32, #tpu.memory_space<hbm>>
        %dma_wait3A_573 = arith.constant 24576 : i32
        %dma_wait3A_574 = tpu.memref_slice %arg7[%dma_wait3A_573] : memref<32768xf32, #tpu.memory_space<vmem>> -> memref<2048xf32, #tpu.memory_space<vmem>>
        tpu.wait_dma2 semaphore(%arg11 : memref<!tpu.dma_semaphore, #tpu.memory_space<semaphore_mem>>) src(%dma_wait3A_574 : memref<2048xf32, #tpu.memory_space<vmem>>) dst(%dma_wait3A_572 : memref<2048xf32, #tpu.memory_space<hbm>>)
        %dma_wait3A_575 = arith.constant 26624 : i32
        %dma_wait3A_576 = tpu.memref_slice %arg7[%dma_wait3A_575] : memref<32768xf32, #tpu.memory_space<vmem>> -> memref<2048xf32, #tpu.memory_space<vmem>>
        %dma_wait3A_577 = arith.constant 0 : i32
        %dma_wait3A_578 = tpu.memref_slice %arg4[%dma_wait3A_577] : memref<50331648xf32, #tpu.memory_space<hbm>> -> memref<2048xf32, #tpu.memory_space<hbm>>
        %dma_wait3A_579 = arith.constant 0 : i32
        %dma_wait3A_580 = tpu.memref_slice %arg4[%dma_wait3A_579] : memref<50331648xf32, #tpu.memory_space<hbm>> -> memref<2048xf32, #tpu.memory_space<hbm>>
        %dma_wait3A_581 = arith.constant 26624 : i32
        %dma_wait3A_582 = tpu.memref_slice %arg7[%dma_wait3A_581] : memref<32768xf32, #tpu.memory_space<vmem>> -> memref<2048xf32, #tpu.memory_space<vmem>>
        tpu.wait_dma2 semaphore(%arg11 : memref<!tpu.dma_semaphore, #tpu.memory_space<semaphore_mem>>) src(%dma_wait3A_582 : memref<2048xf32, #tpu.memory_space<vmem>>) dst(%dma_wait3A_580 : memref<2048xf32, #tpu.memory_space<hbm>>)
        %dma_wait3A_583 = arith.constant 28672 : i32
        %dma_wait3A_584 = tpu.memref_slice %arg7[%dma_wait3A_583] : memref<32768xf32, #tpu.memory_space<vmem>> -> memref<2048xf32, #tpu.memory_space<vmem>>
        %dma_wait3A_585 = arith.constant 0 : i32
        %dma_wait3A_586 = tpu.memref_slice %arg4[%dma_wait3A_585] : memref<50331648xf32, #tpu.memory_space<hbm>> -> memref<2048xf32, #tpu.memory_space<hbm>>
        %dma_wait3A_587 = arith.constant 0 : i32
        %dma_wait3A_588 = tpu.memref_slice %arg4[%dma_wait3A_587] : memref<50331648xf32, #tpu.memory_space<hbm>> -> memref<2048xf32, #tpu.memory_space<hbm>>
        %dma_wait3A_589 = arith.constant 28672 : i32
        %dma_wait3A_590 = tpu.memref_slice %arg7[%dma_wait3A_589] : memref<32768xf32, #tpu.memory_space<vmem>> -> memref<2048xf32, #tpu.memory_space<vmem>>
        tpu.wait_dma2 semaphore(%arg11 : memref<!tpu.dma_semaphore, #tpu.memory_space<semaphore_mem>>) src(%dma_wait3A_590 : memref<2048xf32, #tpu.memory_space<vmem>>) dst(%dma_wait3A_588 : memref<2048xf32, #tpu.memory_space<hbm>>)
        %dma_wait3A_591 = arith.constant 30720 : i32
        %dma_wait3A_592 = tpu.memref_slice %arg7[%dma_wait3A_591] : memref<32768xf32, #tpu.memory_space<vmem>> -> memref<2048xf32, #tpu.memory_space<vmem>>
        %dma_wait3A_593 = arith.constant 0 : i32
        %dma_wait3A_594 = tpu.memref_slice %arg4[%dma_wait3A_593] : memref<50331648xf32, #tpu.memory_space<hbm>> -> memref<2048xf32, #tpu.memory_space<hbm>>
        %dma_wait3A_595 = arith.constant 0 : i32
        %dma_wait3A_596 = tpu.memref_slice %arg4[%dma_wait3A_595] : memref<50331648xf32, #tpu.memory_space<hbm>> -> memref<2048xf32, #tpu.memory_space<hbm>>
        %dma_wait3A_597 = arith.constant 30720 : i32
        %dma_wait3A_598 = tpu.memref_slice %arg7[%dma_wait3A_597] : memref<32768xf32, #tpu.memory_space<vmem>> -> memref<2048xf32, #tpu.memory_space<vmem>>
        tpu.wait_dma2 semaphore(%arg11 : memref<!tpu.dma_semaphore, #tpu.memory_space<semaphore_mem>>) src(%dma_wait3A_598 : memref<2048xf32, #tpu.memory_space<vmem>>) dst(%dma_wait3A_596 : memref<2048xf32, #tpu.memory_space<hbm>>)
      } else {
      }
      %broadcast_in_dim3A_388 = arith.constant 0 : i32
      %broadcast_in_dim3A_389 = vector.broadcast %broadcast_in_dim3A_388 : i32 to vector<16xi32>
      %parallel_loop3A_390 = arith.constant 0 : i32
      %parallel_loop3A_391 = arith.constant 128 : i32
      %parallel_loop3A_392 = arith.constant 1 : i32
      scf.for %parallel_loop3A_535 = %parallel_loop3A_390 to %parallel_loop3A_391 step %parallel_loop3A_392  : i32 {
        %parallel_loop3A_536 = arith.constant 16 : i32
        %parallel_loop3A_537 = arith.muli %parallel_loop3A_535, %parallel_loop3A_536 : i32
        %parallel_loop3A_538 = arith.constant 2048 : i32
        %parallel_loop3A_539 = arith.addi %parallel_loop3A_538, %parallel_loop3A_537 : i32
        %parallel_loop3A_540 = arith.index_cast %parallel_loop3A_539 : i32 to index
        %parallel_loop3A_541 = tpu.vector_load %arg6[%parallel_loop3A_540] {strides = array<i32>} : memref<4096xi32, #tpu.memory_space<vmem>>, vector<16xi32>,
        %parallel_loop3A_542 = arith.constant 128 : i32
        %parallel_loop3A_543 = vector.broadcast %parallel_loop3A_542 : i32 to vector<16xi32>
        %parallel_loop3A_544 = arith.divsi %parallel_loop3A_541, %parallel_loop3A_543 : vector<16xi32>
        %parallel_loop3A_545 = arith.constant 0 : i32
        %parallel_loop3A_546 = vector.broadcast %parallel_loop3A_545 : i32 to vector<16xi32>
        %parallel_loop3A_547 = arith.cmpi sgt, %parallel_loop3A_541, %parallel_loop3A_546 : vector<16xi32>
        %parallel_loop3A_548 = arith.extui %parallel_loop3A_547 : vector<16xi1> to vector<16xi32>
        %parallel_loop3A_549 = arith.constant 0 : i32
        %parallel_loop3A_550 = vector.broadcast %parallel_loop3A_549 : i32 to vector<16xi32>
        %parallel_loop3A_551 = arith.cmpi slt, %parallel_loop3A_541, %parallel_loop3A_550 : vector<16xi32>
        %parallel_loop3A_552 = arith.extui %parallel_loop3A_551 : vector<16xi1> to vector<16xi32>
        %parallel_loop3A_553 = arith.subi %parallel_loop3A_548, %parallel_loop3A_552 : vector<16xi32>
        %parallel_loop3A_554 = arith.constant 0 : i32
        %parallel_loop3A_555 = arith.cmpi sgt, %parallel_loop3A_542, %parallel_loop3A_554 : i32
        %parallel_loop3A_556 = arith.extui %parallel_loop3A_555 : i1 to i32
        %parallel_loop3A_557 = arith.constant 0 : i32
        %parallel_loop3A_558 = arith.cmpi slt, %parallel_loop3A_542, %parallel_loop3A_557 : i32
        %parallel_loop3A_559 = arith.extui %parallel_loop3A_558 : i1 to i32
        %parallel_loop3A_560 = arith.subi %parallel_loop3A_556, %parallel_loop3A_559 : i32
        %parallel_loop3A_561 = vector.broadcast %parallel_loop3A_560 : i32 to vector<16xi32>
        %parallel_loop3A_562 = arith.cmpi ne, %parallel_loop3A_553, %parallel_loop3A_561 : vector<16xi32>
        %parallel_loop3A_563 = vector.broadcast %parallel_loop3A_542 : i32 to vector<16xi32>
        %parallel_loop3A_564 = arith.remsi %parallel_loop3A_541, %parallel_loop3A_563 : vector<16xi32>
        %parallel_loop3A_565 = arith.constant 0 : i32
        %parallel_loop3A_566 = vector.broadcast %parallel_loop3A_565 : i32 to vector<16xi32>
        %parallel_loop3A_567 = arith.cmpi ne, %parallel_loop3A_564, %parallel_loop3A_566 : vector<16xi32>
        %parallel_loop3A_568 = arith.andi %parallel_loop3A_562, %parallel_loop3A_567 : vector<16xi1>
        %parallel_loop3A_569 = arith.constant 1 : i32
        %parallel_loop3A_570 = vector.broadcast %parallel_loop3A_569 : i32 to vector<16xi32>
        %parallel_loop3A_571 = arith.subi %parallel_loop3A_544, %parallel_loop3A_570 : vector<16xi32>
        %parallel_loop3A_572 = arith.select %parallel_loop3A_568, %parallel_loop3A_571, %parallel_loop3A_544 : vector<16xi1>, vector<16xi32>
        %parallel_loop3A_573 = arith.constant 896 : i32
        %parallel_loop3A_574 = vector.broadcast %parallel_loop3A_573 : i32 to vector<16xi32>
        %parallel_loop3A_575 = arith.muli %parallel_loop3A_572, %parallel_loop3A_574 : vector<16xi32>
        %parallel_loop3A_576 = arith.addi %parallel_loop3A_541, %parallel_loop3A_575 : vector<16xi32>
        %parallel_loop3A_577 = arith.constant 0 : i32
        %parallel_loop3A_578 = vector.broadcast %parallel_loop3A_577 : i32 to vector<16xi32>
        %parallel_loop3A_579 = arith.addi %parallel_loop3A_576, %parallel_loop3A_578 : vector<16xi32>
        %parallel_loop3A_580 = tpu.vector_load_idx %arg5[%broadcast_in_dim3A_389, %parallel_loop3A_579] : memref<512x128xf32, #tpu.memory_space<vmem>>[vector<16xi32>, vector<16xi32>], vector<16xf32>,
        %parallel_loop3A_581 = arith.constant 16 : i32
        %parallel_loop3A_582 = arith.muli %parallel_loop3A_535, %parallel_loop3A_581 : i32
        %parallel_loop3A_583 = arith.constant 16384 : i32
        %parallel_loop3A_584 = arith.addi %parallel_loop3A_583, %parallel_loop3A_582 : i32
        %parallel_loop3A_585 = arith.index_cast %parallel_loop3A_584 : i32 to index
        %parallel_loop3A_586 = tpu.vector_load %arg7[%parallel_loop3A_585] {strides = array<i32>} : memref<32768xf32, #tpu.memory_space<vmem>>, vector<16xf32>,
        tpu.vector_store %arg7[%parallel_loop3A_585], %parallel_loop3A_580 {strides = array<i32>} : memref<32768xf32, #tpu.memory_space<vmem>>, vector<16xf32>,
        %parallel_loop3A_587 = arith.constant 128 : i32
        %parallel_loop3A_588 = vector.broadcast %parallel_loop3A_587 : i32 to vector<16xi32>
        %parallel_loop3A_589 = arith.addi %parallel_loop3A_576, %parallel_loop3A_588 : vector<16xi32>
        %parallel_loop3A_590 = tpu.vector_load_idx %arg5[%broadcast_in_dim3A_389, %parallel_loop3A_589] : memref<512x128xf32, #tpu.memory_space<vmem>>[vector<16xi32>, vector<16xi32>], vector<16xf32>,
        %parallel_loop3A_591 = arith.constant 16 : i32
        %parallel_loop3A_592 = arith.muli %parallel_loop3A_535, %parallel_loop3A_591 : i32
        %parallel_loop3A_593 = arith.constant 18432 : i32
        %parallel_loop3A_594 = arith.addi %parallel_loop3A_593, %parallel_loop3A_592 : i32
        %parallel_loop3A_595 = arith.index_cast %parallel_loop3A_594 : i32 to index
        %parallel_loop3A_596 = tpu.vector_load %arg7[%parallel_loop3A_595] {strides = array<i32>} : memref<32768xf32, #tpu.memory_space<vmem>>, vector<16xf32>,
        tpu.vector_store %arg7[%parallel_loop3A_595], %parallel_loop3A_590 {strides = array<i32>} : memref<32768xf32, #tpu.memory_space<vmem>>, vector<16xf32>,
        %parallel_loop3A_597 = arith.constant 256 : i32
        %parallel_loop3A_598 = vector.broadcast %parallel_loop3A_597 : i32 to vector<16xi32>
        %parallel_loop3A_599 = arith.addi %parallel_loop3A_576, %parallel_loop3A_598 : vector<16xi32>
        %parallel_loop3A_600 = tpu.vector_load_idx %arg5[%broadcast_in_dim3A_389, %parallel_loop3A_599] : memref<512x128xf32, #tpu.memory_space<vmem>>[vector<16xi32>, vector<16xi32>], vector<16xf32>,
        %parallel_loop3A_601 = arith.constant 16 : i32
        %parallel_loop3A_602 = arith.muli %parallel_loop3A_535, %parallel_loop3A_601 : i32
        %parallel_loop3A_603 = arith.constant 20480 : i32
        %parallel_loop3A_604 = arith.addi %parallel_loop3A_603, %parallel_loop3A_602 : i32
        %parallel_loop3A_605 = arith.index_cast %parallel_loop3A_604 : i32 to index
        %parallel_loop3A_606 = tpu.vector_load %arg7[%parallel_loop3A_605] {strides = array<i32>} : memref<32768xf32, #tpu.memory_space<vmem>>, vector<16xf32>,
        tpu.vector_store %arg7[%parallel_loop3A_605], %parallel_loop3A_600 {strides = array<i32>} : memref<32768xf32, #tpu.memory_space<vmem>>, vector<16xf32>,
        %parallel_loop3A_607 = arith.constant 384 : i32
        %parallel_loop3A_608 = vector.broadcast %parallel_loop3A_607 : i32 to vector<16xi32>
        %parallel_loop3A_609 = arith.addi %parallel_loop3A_576, %parallel_loop3A_608 : vector<16xi32>
        %parallel_loop3A_610 = tpu.vector_load_idx %arg5[%broadcast_in_dim3A_389, %parallel_loop3A_609] : memref<512x128xf32, #tpu.memory_space<vmem>>[vector<16xi32>, vector<16xi32>], vector<16xf32>,
        %parallel_loop3A_611 = arith.constant 16 : i32
        %parallel_loop3A_612 = arith.muli %parallel_loop3A_535, %parallel_loop3A_611 : i32
        %parallel_loop3A_613 = arith.constant 22528 : i32
        %parallel_loop3A_614 = arith.addi %parallel_loop3A_613, %parallel_loop3A_612 : i32
        %parallel_loop3A_615 = arith.index_cast %parallel_loop3A_614 : i32 to index
        %parallel_loop3A_616 = tpu.vector_load %arg7[%parallel_loop3A_615] {strides = array<i32>} : memref<32768xf32, #tpu.memory_space<vmem>>, vector<16xf32>,
        tpu.vector_store %arg7[%parallel_loop3A_615], %parallel_loop3A_610 {strides = array<i32>} : memref<32768xf32, #tpu.memory_space<vmem>>, vector<16xf32>,
        %parallel_loop3A_617 = arith.constant 512 : i32
        %parallel_loop3A_618 = vector.broadcast %parallel_loop3A_617 : i32 to vector<16xi32>
        %parallel_loop3A_619 = arith.addi %parallel_loop3A_576, %parallel_loop3A_618 : vector<16xi32>
        %parallel_loop3A_620 = tpu.vector_load_idx %arg5[%broadcast_in_dim3A_389, %parallel_loop3A_619] : memref<512x128xf32, #tpu.memory_space<vmem>>[vector<16xi32>, vector<16xi32>], vector<16xf32>,
        %parallel_loop3A_621 = arith.constant 16 : i32
        %parallel_loop3A_622 = arith.muli %parallel_loop3A_535, %parallel_loop3A_621 : i32
        %parallel_loop3A_623 = arith.constant 24576 : i32
        %parallel_loop3A_624 = arith.addi %parallel_loop3A_623, %parallel_loop3A_622 : i32
        %parallel_loop3A_625 = arith.index_cast %parallel_loop3A_624 : i32 to index
        %parallel_loop3A_626 = tpu.vector_load %arg7[%parallel_loop3A_625] {strides = array<i32>} : memref<32768xf32, #tpu.memory_space<vmem>>, vector<16xf32>,
        tpu.vector_store %arg7[%parallel_loop3A_625], %parallel_loop3A_620 {strides = array<i32>} : memref<32768xf32, #tpu.memory_space<vmem>>, vector<16xf32>,
        %parallel_loop3A_627 = arith.constant 640 : i32
        %parallel_loop3A_628 = vector.broadcast %parallel_loop3A_627 : i32 to vector<16xi32>
        %parallel_loop3A_629 = arith.addi %parallel_loop3A_576, %parallel_loop3A_628 : vector<16xi32>
        %parallel_loop3A_630 = tpu.vector_load_idx %arg5[%broadcast_in_dim3A_389, %parallel_loop3A_629] : memref<512x128xf32, #tpu.memory_space<vmem>>[vector<16xi32>, vector<16xi32>], vector<16xf32>,
        %parallel_loop3A_631 = arith.constant 16 : i32
        %parallel_loop3A_632 = arith.muli %parallel_loop3A_535, %parallel_loop3A_631 : i32
        %parallel_loop3A_633 = arith.constant 26624 : i32
        %parallel_loop3A_634 = arith.addi %parallel_loop3A_633, %parallel_loop3A_632 : i32
        %parallel_loop3A_635 = arith.index_cast %parallel_loop3A_634 : i32 to index
        %parallel_loop3A_636 = tpu.vector_load %arg7[%parallel_loop3A_635] {strides = array<i32>} : memref<32768xf32, #tpu.memory_space<vmem>>, vector<16xf32>,
        tpu.vector_store %arg7[%parallel_loop3A_635], %parallel_loop3A_630 {strides = array<i32>} : memref<32768xf32, #tpu.memory_space<vmem>>, vector<16xf32>,
        %parallel_loop3A_637 = arith.constant 768 : i32
        %parallel_loop3A_638 = vector.broadcast %parallel_loop3A_637 : i32 to vector<16xi32>
        %parallel_loop3A_639 = arith.addi %parallel_loop3A_576, %parallel_loop3A_638 : vector<16xi32>
        %parallel_loop3A_640 = tpu.vector_load_idx %arg5[%broadcast_in_dim3A_389, %parallel_loop3A_639] : memref<512x128xf32, #tpu.memory_space<vmem>>[vector<16xi32>, vector<16xi32>], vector<16xf32>,
        %parallel_loop3A_641 = arith.constant 16 : i32
        %parallel_loop3A_642 = arith.muli %parallel_loop3A_535, %parallel_loop3A_641 : i32
        %parallel_loop3A_643 = arith.constant 28672 : i32
        %parallel_loop3A_644 = arith.addi %parallel_loop3A_643, %parallel_loop3A_642 : i32
        %parallel_loop3A_645 = arith.index_cast %parallel_loop3A_644 : i32 to index
        %parallel_loop3A_646 = tpu.vector_load %arg7[%parallel_loop3A_645] {strides = array<i32>} : memref<32768xf32, #tpu.memory_space<vmem>>, vector<16xf32>,
        tpu.vector_store %arg7[%parallel_loop3A_645], %parallel_loop3A_640 {strides = array<i32>} : memref<32768xf32, #tpu.memory_space<vmem>>, vector<16xf32>,
        %parallel_loop3A_647 = arith.constant 896 : i32
        %parallel_loop3A_648 = vector.broadcast %parallel_loop3A_647 : i32 to vector<16xi32>
        %parallel_loop3A_649 = arith.addi %parallel_loop3A_576, %parallel_loop3A_648 : vector<16xi32>
        %parallel_loop3A_650 = tpu.vector_load_idx %arg5[%broadcast_in_dim3A_389, %parallel_loop3A_649] : memref<512x128xf32, #tpu.memory_space<vmem>>[vector<16xi32>, vector<16xi32>], vector<16xf32>,
        %parallel_loop3A_651 = arith.constant 16 : i32
        %parallel_loop3A_652 = arith.muli %parallel_loop3A_535, %parallel_loop3A_651 : i32
        %parallel_loop3A_653 = arith.constant 30720 : i32
        %parallel_loop3A_654 = arith.addi %parallel_loop3A_653, %parallel_loop3A_652 : i32
        %parallel_loop3A_655 = arith.index_cast %parallel_loop3A_654 : i32 to index
        %parallel_loop3A_656 = tpu.vector_load %arg7[%parallel_loop3A_655] {strides = array<i32>} : memref<32768xf32, #tpu.memory_space<vmem>>, vector<16xf32>,
        tpu.vector_store %arg7[%parallel_loop3A_655], %parallel_loop3A_650 {strides = array<i32>} : memref<32768xf32, #tpu.memory_space<vmem>>, vector<16xf32>,
      } {sc.loop_unroll_factor = 8 : i64, sc.parallel_access}
      %add3A_393 = arith.constant 1 : i32
      %add3A_394 = arith.addi %add3A_213, %add3A_393 : i32
      %add3A_395 = arith.constant 2 : i32
      %add3A_396 = arith.addi %add3A_394, %add3A_395 : i32
      %lt3A_397 = arith.constant 96 : i32
      %lt3A_398 = arith.cmpi slt, %add3A_396, %lt3A_397 : i32
      %convert_element_type3A_399 = arith.extui %lt3A_398 : i1 to i32
      %cond3A_400 = arith.constant 0 : i32
      %cond3A_401 = arith.cmpi ne, %convert_element_type3A_399, %cond3A_400 : i32
      scf.if %cond3A_401 {
        %add3A_535 = arith.constant 2 : i32
        %add3A_536 = arith.addi %add3A_374, %add3A_535 : i32
        %mul3A_537 = arith.constant 2048 : i32
        %mul3A_538 = arith.muli %add3A_536, %mul3A_537 : i32
        %dma_start3A_539 = arith.constant 2048 : i32
        %dma_start3A_540 = tpu.memref_slice %arg6[%dma_start3A_539] : memref<4096xi32, #tpu.memory_space<vmem>> -> memref<2048xi32, #tpu.memory_space<vmem>>
        %dma_start3A_541 = tpu.memref_slice %arg3[%mul3A_538] : memref<786432xi32, #tpu.memory_space<hbm>> -> memref<2048xi32, #tpu.memory_space<hbm>>
        %dma_start3A_542 = arith.constant 2048 : i32
        %dma_start3A_543 = tpu.memref_slice %arg6[%dma_start3A_542] : memref<4096xi32, #tpu.memory_space<vmem>> -> memref<2048xi32, #tpu.memory_space<vmem>>
        %dma_start3A_544 = tpu.memref_slice %arg3[%mul3A_538] : memref<786432xi32, #tpu.memory_space<hbm>> -> memref<2048xi32, #tpu.memory_space<hbm>>
        tpu.enqueue_dma source(%dma_start3A_544 : memref<2048xi32, #tpu.memory_space<hbm>>) target(%dma_start3A_543 : memref<2048xi32, #tpu.memory_space<vmem>>) target_semaphore(%arg9 : memref<!tpu.dma_semaphore, #tpu.memory_space<semaphore_mem>>)
      } else {
      }
      %jit3A_402 = arith.constant 8 : i32
      %div3A_403 = arith.divsi %add3A_374, %jit3A_402 : i32
      %sign3A_404 = arith.constant 0 : i32
      %sign3A_405 = arith.cmpi sgt, %add3A_374, %sign3A_404 : i32
      %sign3A_406 = arith.extui %sign3A_405 : i1 to i32
      %sign3A_407 = arith.constant 0 : i32
      %sign3A_408 = arith.cmpi slt, %add3A_374, %sign3A_407 : i32
      %sign3A_409 = arith.extui %sign3A_408 : i1 to i32
      %sign3A_410 = arith.subi %sign3A_406, %sign3A_409 : i32
      %sign3A_411 = arith.constant 0 : i32
      %sign3A_412 = arith.cmpi sgt, %jit3A_402, %sign3A_411 : i32
      %sign3A_413 = arith.extui %sign3A_412 : i1 to i32
      %sign3A_414 = arith.constant 0 : i32
      %sign3A_415 = arith.cmpi slt, %jit3A_402, %sign3A_414 : i32
      %sign3A_416 = arith.extui %sign3A_415 : i1 to i32
      %sign3A_417 = arith.subi %sign3A_413, %sign3A_416 : i32
      %ne3A_418 = arith.cmpi ne, %sign3A_410, %sign3A_417 : i32
      %rem3A_419 = arith.remsi %add3A_374, %jit3A_402 : i32
      %ne3A_420 = arith.constant 0 : i32
      %ne3A_421 = arith.cmpi ne, %rem3A_419, %ne3A_420 : i32
      %and3A_422 = arith.andi %ne3A_418, %ne3A_421 : i1
      %sub3A_423 = arith.constant 1 : i32
      %sub3A_424 = arith.subi %div3A_403, %sub3A_423 : i32
      %select_n3A_425 = arith.select %and3A_422, %sub3A_424, %div3A_403 : i32
      %jit3A_426 = arith.constant 8 : i32
      %eq3A_427 = arith.constant 0 : i32
      %eq3A_428 = arith.cmpi eq, %jit3A_426, %eq3A_427 : i32
      %jit3A_429 = arith.constant 1 : i32
      %select_n3A_430 = arith.select %eq3A_428, %jit3A_429, %jit3A_426 : i32
      %rem3A_431 = arith.remsi %add3A_374, %select_n3A_430 : i32
      %ne3A_432 = arith.constant 0 : i32
      %ne3A_433 = arith.cmpi ne, %rem3A_431, %ne3A_432 : i32
      %lt3A_434 = arith.constant 0 : i32
      %lt3A_435 = arith.cmpi slt, %rem3A_431, %lt3A_434 : i32
      %lt3A_436 = arith.constant 0 : i32
      %lt3A_437 = arith.cmpi slt, %select_n3A_430, %lt3A_436 : i32
      %ne3A_438 = arith.xori %lt3A_435, %lt3A_437 : i1
      %and3A_439 = arith.andi %ne3A_438, %ne3A_433 : i1
      %add3A_440 = arith.addi %rem3A_431, %select_n3A_430 : i32
      %select_n3A_441 = arith.select %and3A_439, %add3A_440, %rem3A_431 : i32
      %mul3A_442 = arith.constant 64 : i32
      %mul3A_443 = arith.muli %select_n3A_425, %mul3A_442 : i32
      %add3A_444 = arith.addi %mul3A_443, %mul3A_18 : i32
      %mul3A_445 = arith.constant 2048 : i32
      %mul3A_446 = arith.muli %select_n3A_441, %mul3A_445 : i32
      %add3A_447 = arith.constant 0 : i32
      %add3A_448 = arith.addi %add3A_444, %add3A_447 : i32
      %mul3A_449 = arith.constant 16384 : i32
      %mul3A_450 = arith.muli %add3A_448, %mul3A_449 : i32
      %add3A_451 = arith.addi %mul3A_450, %mul3A_446 : i32
      %dma_start3A_452 = arith.constant 16384 : i32
      %dma_start3A_453 = tpu.memref_slice %arg7[%dma_start3A_452] : memref<32768xf32, #tpu.memory_space<vmem>> -> memref<2048xf32, #tpu.memory_space<vmem>>
      %dma_start3A_454 = tpu.memref_slice %arg4[%add3A_451] : memref<50331648xf32, #tpu.memory_space<hbm>> -> memref<2048xf32, #tpu.memory_space<hbm>>
      %dma_start3A_455 = tpu.memref_slice %arg4[%add3A_451] : memref<50331648xf32, #tpu.memory_space<hbm>> -> memref<2048xf32, #tpu.memory_space<hbm>>
      %dma_start3A_456 = arith.constant 16384 : i32
      %dma_start3A_457 = tpu.memref_slice %arg7[%dma_start3A_456] : memref<32768xf32, #tpu.memory_space<vmem>> -> memref<2048xf32, #tpu.memory_space<vmem>>
      tpu.enqueue_dma source(%dma_start3A_457 : memref<2048xf32, #tpu.memory_space<vmem>>) target(%dma_start3A_455 : memref<2048xf32, #tpu.memory_space<hbm>>) target_semaphore(%arg11 : memref<!tpu.dma_semaphore, #tpu.memory_space<semaphore_mem>>)
      %add3A_458 = arith.constant 1 : i32
      %add3A_459 = arith.addi %add3A_444, %add3A_458 : i32
      %mul3A_460 = arith.constant 16384 : i32
      %mul3A_461 = arith.muli %add3A_459, %mul3A_460 : i32
      %add3A_462 = arith.addi %mul3A_461, %mul3A_446 : i32
      %dma_start3A_463 = arith.constant 18432 : i32
      %dma_start3A_464 = tpu.memref_slice %arg7[%dma_start3A_463] : memref<32768xf32, #tpu.memory_space<vmem>> -> memref<2048xf32, #tpu.memory_space<vmem>>
      %dma_start3A_465 = tpu.memref_slice %arg4[%add3A_462] : memref<50331648xf32, #tpu.memory_space<hbm>> -> memref<2048xf32, #tpu.memory_space<hbm>>
      %dma_start3A_466 = tpu.memref_slice %arg4[%add3A_462] : memref<50331648xf32, #tpu.memory_space<hbm>> -> memref<2048xf32, #tpu.memory_space<hbm>>
      %dma_start3A_467 = arith.constant 18432 : i32
      %dma_start3A_468 = tpu.memref_slice %arg7[%dma_start3A_467] : memref<32768xf32, #tpu.memory_space<vmem>> -> memref<2048xf32, #tpu.memory_space<vmem>>
      tpu.enqueue_dma source(%dma_start3A_468 : memref<2048xf32, #tpu.memory_space<vmem>>) target(%dma_start3A_466 : memref<2048xf32, #tpu.memory_space<hbm>>) target_semaphore(%arg11 : memref<!tpu.dma_semaphore, #tpu.memory_space<semaphore_mem>>)
      %add3A_469 = arith.constant 2 : i32
      %add3A_470 = arith.addi %add3A_444, %add3A_469 : i32
      %mul3A_471 = arith.constant 16384 : i32
      %mul3A_472 = arith.muli %add3A_470, %mul3A_471 : i32
      %add3A_473 = arith.addi %mul3A_472, %mul3A_446 : i32
      %dma_start3A_474 = arith.constant 20480 : i32
      %dma_start3A_475 = tpu.memref_slice %arg7[%dma_start3A_474] : memref<32768xf32, #tpu.memory_space<vmem>> -> memref<2048xf32, #tpu.memory_space<vmem>>
      %dma_start3A_476 = tpu.memref_slice %arg4[%add3A_473] : memref<50331648xf32, #tpu.memory_space<hbm>> -> memref<2048xf32, #tpu.memory_space<hbm>>
      %dma_start3A_477 = tpu.memref_slice %arg4[%add3A_473] : memref<50331648xf32, #tpu.memory_space<hbm>> -> memref<2048xf32, #tpu.memory_space<hbm>>
      %dma_start3A_478 = arith.constant 20480 : i32
      %dma_start3A_479 = tpu.memref_slice %arg7[%dma_start3A_478] : memref<32768xf32, #tpu.memory_space<vmem>> -> memref<2048xf32, #tpu.memory_space<vmem>>
      tpu.enqueue_dma source(%dma_start3A_479 : memref<2048xf32, #tpu.memory_space<vmem>>) target(%dma_start3A_477 : memref<2048xf32, #tpu.memory_space<hbm>>) target_semaphore(%arg11 : memref<!tpu.dma_semaphore, #tpu.memory_space<semaphore_mem>>)
      %add3A_480 = arith.constant 3 : i32
      %add3A_481 = arith.addi %add3A_444, %add3A_480 : i32
      %mul3A_482 = arith.constant 16384 : i32
      %mul3A_483 = arith.muli %add3A_481, %mul3A_482 : i32
      %add3A_484 = arith.addi %mul3A_483, %mul3A_446 : i32
      %dma_start3A_485 = arith.constant 22528 : i32
      %dma_start3A_486 = tpu.memref_slice %arg7[%dma_start3A_485] : memref<32768xf32, #tpu.memory_space<vmem>> -> memref<2048xf32, #tpu.memory_space<vmem>>
      %dma_start3A_487 = tpu.memref_slice %arg4[%add3A_484] : memref<50331648xf32, #tpu.memory_space<hbm>> -> memref<2048xf32, #tpu.memory_space<hbm>>
      %dma_start3A_488 = tpu.memref_slice %arg4[%add3A_484] : memref<50331648xf32, #tpu.memory_space<hbm>> -> memref<2048xf32, #tpu.memory_space<hbm>>
      %dma_start3A_489 = arith.constant 22528 : i32
      %dma_start3A_490 = tpu.memref_slice %arg7[%dma_start3A_489] : memref<32768xf32, #tpu.memory_space<vmem>> -> memref<2048xf32, #tpu.memory_space<vmem>>
      tpu.enqueue_dma source(%dma_start3A_490 : memref<2048xf32, #tpu.memory_space<vmem>>) target(%dma_start3A_488 : memref<2048xf32, #tpu.memory_space<hbm>>) target_semaphore(%arg11 : memref<!tpu.dma_semaphore, #tpu.memory_space<semaphore_mem>>)
      %add3A_491 = arith.constant 4 : i32
      %add3A_492 = arith.addi %add3A_444, %add3A_491 : i32
      %mul3A_493 = arith.constant 16384 : i32
      %mul3A_494 = arith.muli %add3A_492, %mul3A_493 : i32
      %add3A_495 = arith.addi %mul3A_494, %mul3A_446 : i32
      %dma_start3A_496 = arith.constant 24576 : i32
      %dma_start3A_497 = tpu.memref_slice %arg7[%dma_start3A_496] : memref<32768xf32, #tpu.memory_space<vmem>> -> memref<2048xf32, #tpu.memory_space<vmem>>
      %dma_start3A_498 = tpu.memref_slice %arg4[%add3A_495] : memref<50331648xf32, #tpu.memory_space<hbm>> -> memref<2048xf32, #tpu.memory_space<hbm>>
      %dma_start3A_499 = tpu.memref_slice %arg4[%add3A_495] : memref<50331648xf32, #tpu.memory_space<hbm>> -> memref<2048xf32, #tpu.memory_space<hbm>>
      %dma_start3A_500 = arith.constant 24576 : i32
      %dma_start3A_501 = tpu.memref_slice %arg7[%dma_start3A_500] : memref<32768xf32, #tpu.memory_space<vmem>> -> memref<2048xf32, #tpu.memory_space<vmem>>
      tpu.enqueue_dma source(%dma_start3A_501 : memref<2048xf32, #tpu.memory_space<vmem>>) target(%dma_start3A_499 : memref<2048xf32, #tpu.memory_space<hbm>>) target_semaphore(%arg11 : memref<!tpu.dma_semaphore, #tpu.memory_space<semaphore_mem>>)
      %add3A_502 = arith.constant 5 : i32
      %add3A_503 = arith.addi %add3A_444, %add3A_502 : i32
      %mul3A_504 = arith.constant 16384 : i32
      %mul3A_505 = arith.muli %add3A_503, %mul3A_504 : i32
      %add3A_506 = arith.addi %mul3A_505, %mul3A_446 : i32
      %dma_start3A_507 = arith.constant 26624 : i32
      %dma_start3A_508 = tpu.memref_slice %arg7[%dma_start3A_507] : memref<32768xf32, #tpu.memory_space<vmem>> -> memref<2048xf32, #tpu.memory_space<vmem>>
      %dma_start3A_509 = tpu.memref_slice %arg4[%add3A_506] : memref<50331648xf32, #tpu.memory_space<hbm>> -> memref<2048xf32, #tpu.memory_space<hbm>>
      %dma_start3A_510 = tpu.memref_slice %arg4[%add3A_506] : memref<50331648xf32, #tpu.memory_space<hbm>> -> memref<2048xf32, #tpu.memory_space<hbm>>
      %dma_start3A_511 = arith.constant 26624 : i32
      %dma_start3A_512 = tpu.memref_slice %arg7[%dma_start3A_511] : memref<32768xf32, #tpu.memory_space<vmem>> -> memref<2048xf32, #tpu.memory_space<vmem>>
      tpu.enqueue_dma source(%dma_start3A_512 : memref<2048xf32, #tpu.memory_space<vmem>>) target(%dma_start3A_510 : memref<2048xf32, #tpu.memory_space<hbm>>) target_semaphore(%arg11 : memref<!tpu.dma_semaphore, #tpu.memory_space<semaphore_mem>>)
      %add3A_513 = arith.constant 6 : i32
      %add3A_514 = arith.addi %add3A_444, %add3A_513 : i32
      %mul3A_515 = arith.constant 16384 : i32
      %mul3A_516 = arith.muli %add3A_514, %mul3A_515 : i32
      %add3A_517 = arith.addi %mul3A_516, %mul3A_446 : i32
      %dma_start3A_518 = arith.constant 28672 : i32
      %dma_start3A_519 = tpu.memref_slice %arg7[%dma_start3A_518] : memref<32768xf32, #tpu.memory_space<vmem>> -> memref<2048xf32, #tpu.memory_space<vmem>>
      %dma_start3A_520 = tpu.memref_slice %arg4[%add3A_517] : memref<50331648xf32, #tpu.memory_space<hbm>> -> memref<2048xf32, #tpu.memory_space<hbm>>
      %dma_start3A_521 = tpu.memref_slice %arg4[%add3A_517] : memref<50331648xf32, #tpu.memory_space<hbm>> -> memref<2048xf32, #tpu.memory_space<hbm>>
      %dma_start3A_522 = arith.constant 28672 : i32
      %dma_start3A_523 = tpu.memref_slice %arg7[%dma_start3A_522] : memref<32768xf32, #tpu.memory_space<vmem>> -> memref<2048xf32, #tpu.memory_space<vmem>>
      tpu.enqueue_dma source(%dma_start3A_523 : memref<2048xf32, #tpu.memory_space<vmem>>) target(%dma_start3A_521 : memref<2048xf32, #tpu.memory_space<hbm>>) target_semaphore(%arg11 : memref<!tpu.dma_semaphore, #tpu.memory_space<semaphore_mem>>)
      %add3A_524 = arith.constant 7 : i32
      %add3A_525 = arith.addi %add3A_444, %add3A_524 : i32
      %mul3A_526 = arith.constant 16384 : i32
      %mul3A_527 = arith.muli %add3A_525, %mul3A_526 : i32
      %add3A_528 = arith.addi %mul3A_527, %mul3A_446 : i32
      %dma_start3A_529 = arith.constant 30720 : i32
      %dma_start3A_530 = tpu.memref_slice %arg7[%dma_start3A_529] : memref<32768xf32, #tpu.memory_space<vmem>> -> memref<2048xf32, #tpu.memory_space<vmem>>
      %dma_start3A_531 = tpu.memref_slice %arg4[%add3A_528] : memref<50331648xf32, #tpu.memory_space<hbm>> -> memref<2048xf32, #tpu.memory_space<hbm>>
      %dma_start3A_532 = tpu.memref_slice %arg4[%add3A_528] : memref<50331648xf32, #tpu.memory_space<hbm>> -> memref<2048xf32, #tpu.memory_space<hbm>>
      %dma_start3A_533 = arith.constant 30720 : i32
      %dma_start3A_534 = tpu.memref_slice %arg7[%dma_start3A_533] : memref<32768xf32, #tpu.memory_space<vmem>> -> memref<2048xf32, #tpu.memory_space<vmem>>
      tpu.enqueue_dma source(%dma_start3A_534 : memref<2048xf32, #tpu.memory_space<vmem>>) target(%dma_start3A_532 : memref<2048xf32, #tpu.memory_space<hbm>>) target_semaphore(%arg11 : memref<!tpu.dma_semaphore, #tpu.memory_space<semaphore_mem>>)
    }
    %scan3A_81 = arith.constant 48 : i32
    %dma_wait3A = arith.constant 0 : i32
    %dma_wait3A_82 = tpu.memref_slice %arg7[%dma_wait3A] : memref<32768xf32, #tpu.memory_space<vmem>> -> memref<2048xf32, #tpu.memory_space<vmem>>
    %dma_wait3A_83 = arith.constant 0 : i32
    %dma_wait3A_84 = tpu.memref_slice %arg4[%dma_wait3A_83] : memref<50331648xf32, #tpu.memory_space<hbm>> -> memref<2048xf32, #tpu.memory_space<hbm>>
    %dma_wait3A_85 = arith.constant 0 : i32
    %dma_wait3A_86 = tpu.memref_slice %arg4[%dma_wait3A_85] : memref<50331648xf32, #tpu.memory_space<hbm>> -> memref<2048xf32, #tpu.memory_space<hbm>>
    %dma_wait3A_87 = arith.constant 0 : i32
    %dma_wait3A_88 = tpu.memref_slice %arg7[%dma_wait3A_87] : memref<32768xf32, #tpu.memory_space<vmem>> -> memref<2048xf32, #tpu.memory_space<vmem>>
    tpu.wait_dma2 semaphore(%arg10 : memref<!tpu.dma_semaphore, #tpu.memory_space<semaphore_mem>>) src(%dma_wait3A_88 : memref<2048xf32, #tpu.memory_space<vmem>>) dst(%dma_wait3A_86 : memref<2048xf32, #tpu.memory_space<hbm>>)
    %dma_wait3A_89 = arith.constant 2048 : i32
    %dma_wait3A_90 = tpu.memref_slice %arg7[%dma_wait3A_89] : memref<32768xf32, #tpu.memory_space<vmem>> -> memref<2048xf32, #tpu.memory_space<vmem>>
    %dma_wait3A_91 = arith.constant 0 : i32
    %dma_wait3A_92 = tpu.memref_slice %arg4[%dma_wait3A_91] : memref<50331648xf32, #tpu.memory_space<hbm>> -> memref<2048xf32, #tpu.memory_space<hbm>>
    %dma_wait3A_93 = arith.constant 0 : i32
    %dma_wait3A_94 = tpu.memref_slice %arg4[%dma_wait3A_93] : memref<50331648xf32, #tpu.memory_space<hbm>> -> memref<2048xf32, #tpu.memory_space<hbm>>
    %dma_wait3A_95 = arith.constant 2048 : i32
    %dma_wait3A_96 = tpu.memref_slice %arg7[%dma_wait3A_95] : memref<32768xf32, #tpu.memory_space<vmem>> -> memref<2048xf32, #tpu.memory_space<vmem>>
    tpu.wait_dma2 semaphore(%arg10 : memref<!tpu.dma_semaphore, #tpu.memory_space<semaphore_mem>>) src(%dma_wait3A_96 : memref<2048xf32, #tpu.memory_space<vmem>>) dst(%dma_wait3A_94 : memref<2048xf32, #tpu.memory_space<hbm>>)
    %dma_wait3A_97 = arith.constant 4096 : i32
    %dma_wait3A_98 = tpu.memref_slice %arg7[%dma_wait3A_97] : memref<32768xf32, #tpu.memory_space<vmem>> -> memref<2048xf32, #tpu.memory_space<vmem>>
    %dma_wait3A_99 = arith.constant 0 : i32
    %dma_wait3A_100 = tpu.memref_slice %arg4[%dma_wait3A_99] : memref<50331648xf32, #tpu.memory_space<hbm>> -> memref<2048xf32, #tpu.memory_space<hbm>>
    %dma_wait3A_101 = arith.constant 0 : i32
    %dma_wait3A_102 = tpu.memref_slice %arg4[%dma_wait3A_101] : memref<50331648xf32, #tpu.memory_space<hbm>> -> memref<2048xf32, #tpu.memory_space<hbm>>
    %dma_wait3A_103 = arith.constant 4096 : i32
    %dma_wait3A_104 = tpu.memref_slice %arg7[%dma_wait3A_103] : memref<32768xf32, #tpu.memory_space<vmem>> -> memref<2048xf32, #tpu.memory_space<vmem>>
    tpu.wait_dma2 semaphore(%arg10 : memref<!tpu.dma_semaphore, #tpu.memory_space<semaphore_mem>>) src(%dma_wait3A_104 : memref<2048xf32, #tpu.memory_space<vmem>>) dst(%dma_wait3A_102 : memref<2048xf32, #tpu.memory_space<hbm>>)
    %dma_wait3A_105 = arith.constant 6144 : i32
    %dma_wait3A_106 = tpu.memref_slice %arg7[%dma_wait3A_105] : memref<32768xf32, #tpu.memory_space<vmem>> -> memref<2048xf32, #tpu.memory_space<vmem>>
    %dma_wait3A_107 = arith.constant 0 : i32
    %dma_wait3A_108 = tpu.memref_slice %arg4[%dma_wait3A_107] : memref<50331648xf32, #tpu.memory_space<hbm>> -> memref<2048xf32, #tpu.memory_space<hbm>>
    %dma_wait3A_109 = arith.constant 0 : i32
    %dma_wait3A_110 = tpu.memref_slice %arg4[%dma_wait3A_109] : memref<50331648xf32, #tpu.memory_space<hbm>> -> memref<2048xf32, #tpu.memory_space<hbm>>
    %dma_wait3A_111 = arith.constant 6144 : i32
    %dma_wait3A_112 = tpu.memref_slice %arg7[%dma_wait3A_111] : memref<32768xf32, #tpu.memory_space<vmem>> -> memref<2048xf32, #tpu.memory_space<vmem>>
    tpu.wait_dma2 semaphore(%arg10 : memref<!tpu.dma_semaphore, #tpu.memory_space<semaphore_mem>>) src(%dma_wait3A_112 : memref<2048xf32, #tpu.memory_space<vmem>>) dst(%dma_wait3A_110 : memref<2048xf32, #tpu.memory_space<hbm>>)
    %dma_wait3A_113 = arith.constant 8192 : i32
    %dma_wait3A_114 = tpu.memref_slice %arg7[%dma_wait3A_113] : memref<32768xf32, #tpu.memory_space<vmem>> -> memref<2048xf32, #tpu.memory_space<vmem>>
    %dma_wait3A_115 = arith.constant 0 : i32
    %dma_wait3A_116 = tpu.memref_slice %arg4[%dma_wait3A_115] : memref<50331648xf32, #tpu.memory_space<hbm>> -> memref<2048xf32, #tpu.memory_space<hbm>>
    %dma_wait3A_117 = arith.constant 0 : i32
    %dma_wait3A_118 = tpu.memref_slice %arg4[%dma_wait3A_117] : memref<50331648xf32, #tpu.memory_space<hbm>> -> memref<2048xf32, #tpu.memory_space<hbm>>
    %dma_wait3A_119 = arith.constant 8192 : i32
    %dma_wait3A_120 = tpu.memref_slice %arg7[%dma_wait3A_119] : memref<32768xf32, #tpu.memory_space<vmem>> -> memref<2048xf32, #tpu.memory_space<vmem>>
    tpu.wait_dma2 semaphore(%arg10 : memref<!tpu.dma_semaphore, #tpu.memory_space<semaphore_mem>>) src(%dma_wait3A_120 : memref<2048xf32, #tpu.memory_space<vmem>>) dst(%dma_wait3A_118 : memref<2048xf32, #tpu.memory_space<hbm>>)
    %dma_wait3A_121 = arith.constant 10240 : i32
    %dma_wait3A_122 = tpu.memref_slice %arg7[%dma_wait3A_121] : memref<32768xf32, #tpu.memory_space<vmem>> -> memref<2048xf32, #tpu.memory_space<vmem>>
    %dma_wait3A_123 = arith.constant 0 : i32
    %dma_wait3A_124 = tpu.memref_slice %arg4[%dma_wait3A_123] : memref<50331648xf32, #tpu.memory_space<hbm>> -> memref<2048xf32, #tpu.memory_space<hbm>>
    %dma_wait3A_125 = arith.constant 0 : i32
    %dma_wait3A_126 = tpu.memref_slice %arg4[%dma_wait3A_125] : memref<50331648xf32, #tpu.memory_space<hbm>> -> memref<2048xf32, #tpu.memory_space<hbm>>
    %dma_wait3A_127 = arith.constant 10240 : i32
    %dma_wait3A_128 = tpu.memref_slice %arg7[%dma_wait3A_127] : memref<32768xf32, #tpu.memory_space<vmem>> -> memref<2048xf32, #tpu.memory_space<vmem>>
    tpu.wait_dma2 semaphore(%arg10 : memref<!tpu.dma_semaphore, #tpu.memory_space<semaphore_mem>>) src(%dma_wait3A_128 : memref<2048xf32, #tpu.memory_space<vmem>>) dst(%dma_wait3A_126 : memref<2048xf32, #tpu.memory_space<hbm>>)
    %dma_wait3A_129 = arith.constant 12288 : i32
    %dma_wait3A_130 = tpu.memref_slice %arg7[%dma_wait3A_129] : memref<32768xf32, #tpu.memory_space<vmem>> -> memref<2048xf32, #tpu.memory_space<vmem>>
    %dma_wait3A_131 = arith.constant 0 : i32
    %dma_wait3A_132 = tpu.memref_slice %arg4[%dma_wait3A_131] : memref<50331648xf32, #tpu.memory_space<hbm>> -> memref<2048xf32, #tpu.memory_space<hbm>>
    %dma_wait3A_133 = arith.constant 0 : i32
    %dma_wait3A_134 = tpu.memref_slice %arg4[%dma_wait3A_133] : memref<50331648xf32, #tpu.memory_space<hbm>> -> memref<2048xf32, #tpu.memory_space<hbm>>
    %dma_wait3A_135 = arith.constant 12288 : i32
    %dma_wait3A_136 = tpu.memref_slice %arg7[%dma_wait3A_135] : memref<32768xf32, #tpu.memory_space<vmem>> -> memref<2048xf32, #tpu.memory_space<vmem>>
    tpu.wait_dma2 semaphore(%arg10 : memref<!tpu.dma_semaphore, #tpu.memory_space<semaphore_mem>>) src(%dma_wait3A_136 : memref<2048xf32, #tpu.memory_space<vmem>>) dst(%dma_wait3A_134 : memref<2048xf32, #tpu.memory_space<hbm>>)
    %dma_wait3A_137 = arith.constant 14336 : i32
    %dma_wait3A_138 = tpu.memref_slice %arg7[%dma_wait3A_137] : memref<32768xf32, #tpu.memory_space<vmem>> -> memref<2048xf32, #tpu.memory_space<vmem>>
    %dma_wait3A_139 = arith.constant 0 : i32
    %dma_wait3A_140 = tpu.memref_slice %arg4[%dma_wait3A_139] : memref<50331648xf32, #tpu.memory_space<hbm>> -> memref<2048xf32, #tpu.memory_space<hbm>>
    %dma_wait3A_141 = arith.constant 0 : i32
    %dma_wait3A_142 = tpu.memref_slice %arg4[%dma_wait3A_141] : memref<50331648xf32, #tpu.memory_space<hbm>> -> memref<2048xf32, #tpu.memory_space<hbm>>
    %dma_wait3A_143 = arith.constant 14336 : i32
    %dma_wait3A_144 = tpu.memref_slice %arg7[%dma_wait3A_143] : memref<32768xf32, #tpu.memory_space<vmem>> -> memref<2048xf32, #tpu.memory_space<vmem>>
    tpu.wait_dma2 semaphore(%arg10 : memref<!tpu.dma_semaphore, #tpu.memory_space<semaphore_mem>>) src(%dma_wait3A_144 : memref<2048xf32, #tpu.memory_space<vmem>>) dst(%dma_wait3A_142 : memref<2048xf32, #tpu.memory_space<hbm>>)
    %dma_wait3A_145 = arith.constant 16384 : i32
    %dma_wait3A_146 = tpu.memref_slice %arg7[%dma_wait3A_145] : memref<32768xf32, #tpu.memory_space<vmem>> -> memref<2048xf32, #tpu.memory_space<vmem>>
    %dma_wait3A_147 = arith.constant 0 : i32
    %dma_wait3A_148 = tpu.memref_slice %arg4[%dma_wait3A_147] : memref<50331648xf32, #tpu.memory_space<hbm>> -> memref<2048xf32, #tpu.memory_space<hbm>>
    %dma_wait3A_149 = arith.constant 0 : i32
    %dma_wait3A_150 = tpu.memref_slice %arg4[%dma_wait3A_149] : memref<50331648xf32, #tpu.memory_space<hbm>> -> memref<2048xf32, #tpu.memory_space<hbm>>
    %dma_wait3A_151 = arith.constant 16384 : i32
    %dma_wait3A_152 = tpu.memref_slice %arg7[%dma_wait3A_151] : memref<32768xf32, #tpu.memory_space<vmem>> -> memref<2048xf32, #tpu.memory_space<vmem>>
    tpu.wait_dma2 semaphore(%arg11 : memref<!tpu.dma_semaphore, #tpu.memory_space<semaphore_mem>>) src(%dma_wait3A_152 : memref<2048xf32, #tpu.memory_space<vmem>>) dst(%dma_wait3A_150 : memref<2048xf32, #tpu.memory_space<hbm>>)
    %dma_wait3A_153 = arith.constant 18432 : i32
    %dma_wait3A_154 = tpu.memref_slice %arg7[%dma_wait3A_153] : memref<32768xf32, #tpu.memory_space<vmem>> -> memref<2048xf32, #tpu.memory_space<vmem>>
    %dma_wait3A_155 = arith.constant 0 : i32
    %dma_wait3A_156 = tpu.memref_slice %arg4[%dma_wait3A_155] : memref<50331648xf32, #tpu.memory_space<hbm>> -> memref<2048xf32, #tpu.memory_space<hbm>>
    %dma_wait3A_157 = arith.constant 0 : i32
    %dma_wait3A_158 = tpu.memref_slice %arg4[%dma_wait3A_157] : memref<50331648xf32, #tpu.memory_space<hbm>> -> memref<2048xf32, #tpu.memory_space<hbm>>
    %dma_wait3A_159 = arith.constant 18432 : i32
    %dma_wait3A_160 = tpu.memref_slice %arg7[%dma_wait3A_159] : memref<32768xf32, #tpu.memory_space<vmem>> -> memref<2048xf32, #tpu.memory_space<vmem>>
    tpu.wait_dma2 semaphore(%arg11 : memref<!tpu.dma_semaphore, #tpu.memory_space<semaphore_mem>>) src(%dma_wait3A_160 : memref<2048xf32, #tpu.memory_space<vmem>>) dst(%dma_wait3A_158 : memref<2048xf32, #tpu.memory_space<hbm>>)
    %dma_wait3A_161 = arith.constant 20480 : i32
    %dma_wait3A_162 = tpu.memref_slice %arg7[%dma_wait3A_161] : memref<32768xf32, #tpu.memory_space<vmem>> -> memref<2048xf32, #tpu.memory_space<vmem>>
    %dma_wait3A_163 = arith.constant 0 : i32
    %dma_wait3A_164 = tpu.memref_slice %arg4[%dma_wait3A_163] : memref<50331648xf32, #tpu.memory_space<hbm>> -> memref<2048xf32, #tpu.memory_space<hbm>>
    %dma_wait3A_165 = arith.constant 0 : i32
    %dma_wait3A_166 = tpu.memref_slice %arg4[%dma_wait3A_165] : memref<50331648xf32, #tpu.memory_space<hbm>> -> memref<2048xf32, #tpu.memory_space<hbm>>
    %dma_wait3A_167 = arith.constant 20480 : i32
    %dma_wait3A_168 = tpu.memref_slice %arg7[%dma_wait3A_167] : memref<32768xf32, #tpu.memory_space<vmem>> -> memref<2048xf32, #tpu.memory_space<vmem>>
    tpu.wait_dma2 semaphore(%arg11 : memref<!tpu.dma_semaphore, #tpu.memory_space<semaphore_mem>>) src(%dma_wait3A_168 : memref<2048xf32, #tpu.memory_space<vmem>>) dst(%dma_wait3A_166 : memref<2048xf32, #tpu.memory_space<hbm>>)
    %dma_wait3A_169 = arith.constant 22528 : i32
    %dma_wait3A_170 = tpu.memref_slice %arg7[%dma_wait3A_169] : memref<32768xf32, #tpu.memory_space<vmem>> -> memref<2048xf32, #tpu.memory_space<vmem>>
    %dma_wait3A_171 = arith.constant 0 : i32
    %dma_wait3A_172 = tpu.memref_slice %arg4[%dma_wait3A_171] : memref<50331648xf32, #tpu.memory_space<hbm>> -> memref<2048xf32, #tpu.memory_space<hbm>>
    %dma_wait3A_173 = arith.constant 0 : i32
    %dma_wait3A_174 = tpu.memref_slice %arg4[%dma_wait3A_173] : memref<50331648xf32, #tpu.memory_space<hbm>> -> memref<2048xf32, #tpu.memory_space<hbm>>
    %dma_wait3A_175 = arith.constant 22528 : i32
    %dma_wait3A_176 = tpu.memref_slice %arg7[%dma_wait3A_175] : memref<32768xf32, #tpu.memory_space<vmem>> -> memref<2048xf32, #tpu.memory_space<vmem>>
    tpu.wait_dma2 semaphore(%arg11 : memref<!tpu.dma_semaphore, #tpu.memory_space<semaphore_mem>>) src(%dma_wait3A_176 : memref<2048xf32, #tpu.memory_space<vmem>>) dst(%dma_wait3A_174 : memref<2048xf32, #tpu.memory_space<hbm>>)
    %dma_wait3A_177 = arith.constant 24576 : i32
    %dma_wait3A_178 = tpu.memref_slice %arg7[%dma_wait3A_177] : memref<32768xf32, #tpu.memory_space<vmem>> -> memref<2048xf32, #tpu.memory_space<vmem>>
    %dma_wait3A_179 = arith.constant 0 : i32
    %dma_wait3A_180 = tpu.memref_slice %arg4[%dma_wait3A_179] : memref<50331648xf32, #tpu.memory_space<hbm>> -> memref<2048xf32, #tpu.memory_space<hbm>>
    %dma_wait3A_181 = arith.constant 0 : i32
    %dma_wait3A_182 = tpu.memref_slice %arg4[%dma_wait3A_181] : memref<50331648xf32, #tpu.memory_space<hbm>> -> memref<2048xf32, #tpu.memory_space<hbm>>
    %dma_wait3A_183 = arith.constant 24576 : i32
    %dma_wait3A_184 = tpu.memref_slice %arg7[%dma_wait3A_183] : memref<32768xf32, #tpu.memory_space<vmem>> -> memref<2048xf32, #tpu.memory_space<vmem>>
    tpu.wait_dma2 semaphore(%arg11 : memref<!tpu.dma_semaphore, #tpu.memory_space<semaphore_mem>>) src(%dma_wait3A_184 : memref<2048xf32, #tpu.memory_space<vmem>>) dst(%dma_wait3A_182 : memref<2048xf32, #tpu.memory_space<hbm>>)
    %dma_wait3A_185 = arith.constant 26624 : i32
    %dma_wait3A_186 = tpu.memref_slice %arg7[%dma_wait3A_185] : memref<32768xf32, #tpu.memory_space<vmem>> -> memref<2048xf32, #tpu.memory_space<vmem>>
    %dma_wait3A_187 = arith.constant 0 : i32
    %dma_wait3A_188 = tpu.memref_slice %arg4[%dma_wait3A_187] : memref<50331648xf32, #tpu.memory_space<hbm>> -> memref<2048xf32, #tpu.memory_space<hbm>>
    %dma_wait3A_189 = arith.constant 0 : i32
    %dma_wait3A_190 = tpu.memref_slice %arg4[%dma_wait3A_189] : memref<50331648xf32, #tpu.memory_space<hbm>> -> memref<2048xf32, #tpu.memory_space<hbm>>
    %dma_wait3A_191 = arith.constant 26624 : i32
    %dma_wait3A_192 = tpu.memref_slice %arg7[%dma_wait3A_191] : memref<32768xf32, #tpu.memory_space<vmem>> -> memref<2048xf32, #tpu.memory_space<vmem>>
    tpu.wait_dma2 semaphore(%arg11 : memref<!tpu.dma_semaphore, #tpu.memory_space<semaphore_mem>>) src(%dma_wait3A_192 : memref<2048xf32, #tpu.memory_space<vmem>>) dst(%dma_wait3A_190 : memref<2048xf32, #tpu.memory_space<hbm>>)
    %dma_wait3A_193 = arith.constant 28672 : i32
    %dma_wait3A_194 = tpu.memref_slice %arg7[%dma_wait3A_193] : memref<32768xf32, #tpu.memory_space<vmem>> -> memref<2048xf32, #tpu.memory_space<vmem>>
    %dma_wait3A_195 = arith.constant 0 : i32
    %dma_wait3A_196 = tpu.memref_slice %arg4[%dma_wait3A_195] : memref<50331648xf32, #tpu.memory_space<hbm>> -> memref<2048xf32, #tpu.memory_space<hbm>>
    %dma_wait3A_197 = arith.constant 0 : i32
    %dma_wait3A_198 = tpu.memref_slice %arg4[%dma_wait3A_197] : memref<50331648xf32, #tpu.memory_space<hbm>> -> memref<2048xf32, #tpu.memory_space<hbm>>
    %dma_wait3A_199 = arith.constant 28672 : i32
    %dma_wait3A_200 = tpu.memref_slice %arg7[%dma_wait3A_199] : memref<32768xf32, #tpu.memory_space<vmem>> -> memref<2048xf32, #tpu.memory_space<vmem>>
    tpu.wait_dma2 semaphore(%arg11 : memref<!tpu.dma_semaphore, #tpu.memory_space<semaphore_mem>>) src(%dma_wait3A_200 : memref<2048xf32, #tpu.memory_space<vmem>>) dst(%dma_wait3A_198 : memref<2048xf32, #tpu.memory_space<hbm>>)
    %dma_wait3A_201 = arith.constant 30720 : i32
    %dma_wait3A_202 = tpu.memref_slice %arg7[%dma_wait3A_201] : memref<32768xf32, #tpu.memory_space<vmem>> -> memref<2048xf32, #tpu.memory_space<vmem>>
    %dma_wait3A_203 = arith.constant 0 : i32
    %dma_wait3A_204 = tpu.memref_slice %arg4[%dma_wait3A_203] : memref<50331648xf32, #tpu.memory_space<hbm>> -> memref<2048xf32, #tpu.memory_space<hbm>>
    %dma_wait3A_205 = arith.constant 0 : i32
    %dma_wait3A_206 = tpu.memref_slice %arg4[%dma_wait3A_205] : memref<50331648xf32, #tpu.memory_space<hbm>> -> memref<2048xf32, #tpu.memory_space<hbm>>
    %dma_wait3A_207 = arith.constant 30720 : i32
    %dma_wait3A_208 = tpu.memref_slice %arg7[%dma_wait3A_207] : memref<32768xf32, #tpu.memory_space<vmem>> -> memref<2048xf32, #tpu.memory_space<vmem>>
    tpu.wait_dma2 semaphore(%arg11 : memref<!tpu.dma_semaphore, #tpu.memory_space<semaphore_mem>>) src(%dma_wait3A_208 : memref<2048xf32, #tpu.memory_space<vmem>>) dst(%dma_wait3A_206 : memref<2048xf32, #tpu.memory_space<hbm>>)
    return
  }
}

module attributes {stable_mosaic.version = 14 : i64} {
  func.func @_transpose_body(%arg0: i32, %arg1: memref<4096x64xf32, #tpu.memory_space<vmem>>, %arg2: memref<8x256x128xf32, #tpu.memory_space<vmem>>) attributes {dimension_semantics = [#tpu.dimension_semantics<arbitrary>], iteration_bounds = array<i64: 2>, scalar_prefetch = 0 : i64, scratch_operands = 0 : i64, tpu.core_type = #tpu.core_type<tc>, window_params = [{transform_indices = @transform_0, window_bounds = array<i64: 4096, 64>}, {transform_indices = @transform_1, window_bounds = array<i64: 8, 256, 128>}]} {
    %get3A = arith.constant 0 : index
    %get3A_0 = arith.constant 0 : index
    %get3A_1 = vector.load %arg1[%get3A, %get3A_0] : memref<4096x64xf32, #tpu.memory_space<vmem>>, vector<128x64xf32>
    %transpose3A = tpu.transpose %get3A_1, [1, 0] : vector<128x64xf32> -> vector<64x128xf32>
    %reshape3A = vector.shape_cast %transpose3A : vector<64x128xf32> to vector<8x8x128xf32>
    %swap3A = arith.constant 0 : index
    %swap3A_2 = arith.constant 0 : index
    %swap3A_3 = arith.constant 0 : index
    %swap3A_4 = vector.load %arg2[%swap3A, %swap3A_2, %swap3A_3] : memref<8x256x128xf32, #tpu.memory_space<vmem>>, vector<8x8x128xf32>
    tpu.vector_store %arg2[%swap3A, %swap3A_2, %swap3A_3], %reshape3A {strides = array<i32>} : memref<8x256x128xf32, #tpu.memory_space<vmem>>, vector<8x8x128xf32>,
    %get3A_5 = arith.constant 128 : index
    %get3A_6 = arith.constant 0 : index
    %get3A_7 = vector.load %arg1[%get3A_5, %get3A_6] : memref<4096x64xf32, #tpu.memory_space<vmem>>, vector<128x64xf32>
    %transpose3A_8 = tpu.transpose %get3A_7, [1, 0] : vector<128x64xf32> -> vector<64x128xf32>
    %reshape3A_9 = vector.shape_cast %transpose3A_8 : vector<64x128xf32> to vector<8x8x128xf32>
    %swap3A_10 = arith.constant 0 : index
    %swap3A_11 = arith.constant 8 : index
    %swap3A_12 = arith.constant 0 : index
    %swap3A_13 = vector.load %arg2[%swap3A_10, %swap3A_11, %swap3A_12] : memref<8x256x128xf32, #tpu.memory_space<vmem>>, vector<8x8x128xf32>
    tpu.vector_store %arg2[%swap3A_10, %swap3A_11, %swap3A_12], %reshape3A_9 {strides = array<i32>} : memref<8x256x128xf32, #tpu.memory_space<vmem>>, vector<8x8x128xf32>,
    %get3A_14 = arith.constant 256 : index
    %get3A_15 = arith.constant 0 : index
    %get3A_16 = vector.load %arg1[%get3A_14, %get3A_15] : memref<4096x64xf32, #tpu.memory_space<vmem>>, vector<128x64xf32>
    %transpose3A_17 = tpu.transpose %get3A_16, [1, 0] : vector<128x64xf32> -> vector<64x128xf32>
    %reshape3A_18 = vector.shape_cast %transpose3A_17 : vector<64x128xf32> to vector<8x8x128xf32>
    %swap3A_19 = arith.constant 0 : index
    %swap3A_20 = arith.constant 16 : index
    %swap3A_21 = arith.constant 0 : index
    %swap3A_22 = vector.load %arg2[%swap3A_19, %swap3A_20, %swap3A_21] : memref<8x256x128xf32, #tpu.memory_space<vmem>>, vector<8x8x128xf32>
    tpu.vector_store %arg2[%swap3A_19, %swap3A_20, %swap3A_21], %reshape3A_18 {strides = array<i32>} : memref<8x256x128xf32, #tpu.memory_space<vmem>>, vector<8x8x128xf32>,
    %get3A_23 = arith.constant 384 : index
    %get3A_24 = arith.constant 0 : index
    %get3A_25 = vector.load %arg1[%get3A_23, %get3A_24] : memref<4096x64xf32, #tpu.memory_space<vmem>>, vector<128x64xf32>
    %transpose3A_26 = tpu.transpose %get3A_25, [1, 0] : vector<128x64xf32> -> vector<64x128xf32>
    %reshape3A_27 = vector.shape_cast %transpose3A_26 : vector<64x128xf32> to vector<8x8x128xf32>
    %swap3A_28 = arith.constant 0 : index
    %swap3A_29 = arith.constant 24 : index
    %swap3A_30 = arith.constant 0 : index
    %swap3A_31 = vector.load %arg2[%swap3A_28, %swap3A_29, %swap3A_30] : memref<8x256x128xf32, #tpu.memory_space<vmem>>, vector<8x8x128xf32>
    tpu.vector_store %arg2[%swap3A_28, %swap3A_29, %swap3A_30], %reshape3A_27 {strides = array<i32>} : memref<8x256x128xf32, #tpu.memory_space<vmem>>, vector<8x8x128xf32>,
    %get3A_32 = arith.constant 512 : index
    %get3A_33 = arith.constant 0 : index
    %get3A_34 = vector.load %arg1[%get3A_32, %get3A_33] : memref<4096x64xf32, #tpu.memory_space<vmem>>, vector<128x64xf32>
    %transpose3A_35 = tpu.transpose %get3A_34, [1, 0] : vector<128x64xf32> -> vector<64x128xf32>
    %reshape3A_36 = vector.shape_cast %transpose3A_35 : vector<64x128xf32> to vector<8x8x128xf32>
    %swap3A_37 = arith.constant 0 : index
    %swap3A_38 = arith.constant 32 : index
    %swap3A_39 = arith.constant 0 : index
    %swap3A_40 = vector.load %arg2[%swap3A_37, %swap3A_38, %swap3A_39] : memref<8x256x128xf32, #tpu.memory_space<vmem>>, vector<8x8x128xf32>
    tpu.vector_store %arg2[%swap3A_37, %swap3A_38, %swap3A_39], %reshape3A_36 {strides = array<i32>} : memref<8x256x128xf32, #tpu.memory_space<vmem>>, vector<8x8x128xf32>,
    %get3A_41 = arith.constant 640 : index
    %get3A_42 = arith.constant 0 : index
    %get3A_43 = vector.load %arg1[%get3A_41, %get3A_42] : memref<4096x64xf32, #tpu.memory_space<vmem>>, vector<128x64xf32>
    %transpose3A_44 = tpu.transpose %get3A_43, [1, 0] : vector<128x64xf32> -> vector<64x128xf32>
    %reshape3A_45 = vector.shape_cast %transpose3A_44 : vector<64x128xf32> to vector<8x8x128xf32>
    %swap3A_46 = arith.constant 0 : index
    %swap3A_47 = arith.constant 40 : index
    %swap3A_48 = arith.constant 0 : index
    %swap3A_49 = vector.load %arg2[%swap3A_46, %swap3A_47, %swap3A_48] : memref<8x256x128xf32, #tpu.memory_space<vmem>>, vector<8x8x128xf32>
    tpu.vector_store %arg2[%swap3A_46, %swap3A_47, %swap3A_48], %reshape3A_45 {strides = array<i32>} : memref<8x256x128xf32, #tpu.memory_space<vmem>>, vector<8x8x128xf32>,
    %get3A_50 = arith.constant 768 : index
    %get3A_51 = arith.constant 0 : index
    %get3A_52 = vector.load %arg1[%get3A_50, %get3A_51] : memref<4096x64xf32, #tpu.memory_space<vmem>>, vector<128x64xf32>
    %transpose3A_53 = tpu.transpose %get3A_52, [1, 0] : vector<128x64xf32> -> vector<64x128xf32>
    %reshape3A_54 = vector.shape_cast %transpose3A_53 : vector<64x128xf32> to vector<8x8x128xf32>
    %swap3A_55 = arith.constant 0 : index
    %swap3A_56 = arith.constant 48 : index
    %swap3A_57 = arith.constant 0 : index
    %swap3A_58 = vector.load %arg2[%swap3A_55, %swap3A_56, %swap3A_57] : memref<8x256x128xf32, #tpu.memory_space<vmem>>, vector<8x8x128xf32>
    tpu.vector_store %arg2[%swap3A_55, %swap3A_56, %swap3A_57], %reshape3A_54 {strides = array<i32>} : memref<8x256x128xf32, #tpu.memory_space<vmem>>, vector<8x8x128xf32>,
    %get3A_59 = arith.constant 896 : index
    %get3A_60 = arith.constant 0 : index
    %get3A_61 = vector.load %arg1[%get3A_59, %get3A_60] : memref<4096x64xf32, #tpu.memory_space<vmem>>, vector<128x64xf32>
    %transpose3A_62 = tpu.transpose %get3A_61, [1, 0] : vector<128x64xf32> -> vector<64x128xf32>
    %reshape3A_63 = vector.shape_cast %transpose3A_62 : vector<64x128xf32> to vector<8x8x128xf32>
    %swap3A_64 = arith.constant 0 : index
    %swap3A_65 = arith.constant 56 : index
    %swap3A_66 = arith.constant 0 : index
    %swap3A_67 = vector.load %arg2[%swap3A_64, %swap3A_65, %swap3A_66] : memref<8x256x128xf32, #tpu.memory_space<vmem>>, vector<8x8x128xf32>
    tpu.vector_store %arg2[%swap3A_64, %swap3A_65, %swap3A_66], %reshape3A_63 {strides = array<i32>} : memref<8x256x128xf32, #tpu.memory_space<vmem>>, vector<8x8x128xf32>,
    %get3A_68 = arith.constant 1024 : index
    %get3A_69 = arith.constant 0 : index
    %get3A_70 = vector.load %arg1[%get3A_68, %get3A_69] : memref<4096x64xf32, #tpu.memory_space<vmem>>, vector<128x64xf32>
    %transpose3A_71 = tpu.transpose %get3A_70, [1, 0] : vector<128x64xf32> -> vector<64x128xf32>
    %reshape3A_72 = vector.shape_cast %transpose3A_71 : vector<64x128xf32> to vector<8x8x128xf32>
    %swap3A_73 = arith.constant 0 : index
    %swap3A_74 = arith.constant 64 : index
    %swap3A_75 = arith.constant 0 : index
    %swap3A_76 = vector.load %arg2[%swap3A_73, %swap3A_74, %swap3A_75] : memref<8x256x128xf32, #tpu.memory_space<vmem>>, vector<8x8x128xf32>
    tpu.vector_store %arg2[%swap3A_73, %swap3A_74, %swap3A_75], %reshape3A_72 {strides = array<i32>} : memref<8x256x128xf32, #tpu.memory_space<vmem>>, vector<8x8x128xf32>,
    %get3A_77 = arith.constant 1152 : index
    %get3A_78 = arith.constant 0 : index
    %get3A_79 = vector.load %arg1[%get3A_77, %get3A_78] : memref<4096x64xf32, #tpu.memory_space<vmem>>, vector<128x64xf32>
    %transpose3A_80 = tpu.transpose %get3A_79, [1, 0] : vector<128x64xf32> -> vector<64x128xf32>
    %reshape3A_81 = vector.shape_cast %transpose3A_80 : vector<64x128xf32> to vector<8x8x128xf32>
    %swap3A_82 = arith.constant 0 : index
    %swap3A_83 = arith.constant 72 : index
    %swap3A_84 = arith.constant 0 : index
    %swap3A_85 = vector.load %arg2[%swap3A_82, %swap3A_83, %swap3A_84] : memref<8x256x128xf32, #tpu.memory_space<vmem>>, vector<8x8x128xf32>
    tpu.vector_store %arg2[%swap3A_82, %swap3A_83, %swap3A_84], %reshape3A_81 {strides = array<i32>} : memref<8x256x128xf32, #tpu.memory_space<vmem>>, vector<8x8x128xf32>,
    %get3A_86 = arith.constant 1280 : index
    %get3A_87 = arith.constant 0 : index
    %get3A_88 = vector.load %arg1[%get3A_86, %get3A_87] : memref<4096x64xf32, #tpu.memory_space<vmem>>, vector<128x64xf32>
    %transpose3A_89 = tpu.transpose %get3A_88, [1, 0] : vector<128x64xf32> -> vector<64x128xf32>
    %reshape3A_90 = vector.shape_cast %transpose3A_89 : vector<64x128xf32> to vector<8x8x128xf32>
    %swap3A_91 = arith.constant 0 : index
    %swap3A_92 = arith.constant 80 : index
    %swap3A_93 = arith.constant 0 : index
    %swap3A_94 = vector.load %arg2[%swap3A_91, %swap3A_92, %swap3A_93] : memref<8x256x128xf32, #tpu.memory_space<vmem>>, vector<8x8x128xf32>
    tpu.vector_store %arg2[%swap3A_91, %swap3A_92, %swap3A_93], %reshape3A_90 {strides = array<i32>} : memref<8x256x128xf32, #tpu.memory_space<vmem>>, vector<8x8x128xf32>,
    %get3A_95 = arith.constant 1408 : index
    %get3A_96 = arith.constant 0 : index
    %get3A_97 = vector.load %arg1[%get3A_95, %get3A_96] : memref<4096x64xf32, #tpu.memory_space<vmem>>, vector<128x64xf32>
    %transpose3A_98 = tpu.transpose %get3A_97, [1, 0] : vector<128x64xf32> -> vector<64x128xf32>
    %reshape3A_99 = vector.shape_cast %transpose3A_98 : vector<64x128xf32> to vector<8x8x128xf32>
    %swap3A_100 = arith.constant 0 : index
    %swap3A_101 = arith.constant 88 : index
    %swap3A_102 = arith.constant 0 : index
    %swap3A_103 = vector.load %arg2[%swap3A_100, %swap3A_101, %swap3A_102] : memref<8x256x128xf32, #tpu.memory_space<vmem>>, vector<8x8x128xf32>
    tpu.vector_store %arg2[%swap3A_100, %swap3A_101, %swap3A_102], %reshape3A_99 {strides = array<i32>} : memref<8x256x128xf32, #tpu.memory_space<vmem>>, vector<8x8x128xf32>,
    %get3A_104 = arith.constant 1536 : index
    %get3A_105 = arith.constant 0 : index
    %get3A_106 = vector.load %arg1[%get3A_104, %get3A_105] : memref<4096x64xf32, #tpu.memory_space<vmem>>, vector<128x64xf32>
    %transpose3A_107 = tpu.transpose %get3A_106, [1, 0] : vector<128x64xf32> -> vector<64x128xf32>
    %reshape3A_108 = vector.shape_cast %transpose3A_107 : vector<64x128xf32> to vector<8x8x128xf32>
    %swap3A_109 = arith.constant 0 : index
    %swap3A_110 = arith.constant 96 : index
    %swap3A_111 = arith.constant 0 : index
    %swap3A_112 = vector.load %arg2[%swap3A_109, %swap3A_110, %swap3A_111] : memref<8x256x128xf32, #tpu.memory_space<vmem>>, vector<8x8x128xf32>
    tpu.vector_store %arg2[%swap3A_109, %swap3A_110, %swap3A_111], %reshape3A_108 {strides = array<i32>} : memref<8x256x128xf32, #tpu.memory_space<vmem>>, vector<8x8x128xf32>,
    %get3A_113 = arith.constant 1664 : index
    %get3A_114 = arith.constant 0 : index
    %get3A_115 = vector.load %arg1[%get3A_113, %get3A_114] : memref<4096x64xf32, #tpu.memory_space<vmem>>, vector<128x64xf32>
    %transpose3A_116 = tpu.transpose %get3A_115, [1, 0] : vector<128x64xf32> -> vector<64x128xf32>
    %reshape3A_117 = vector.shape_cast %transpose3A_116 : vector<64x128xf32> to vector<8x8x128xf32>
    %swap3A_118 = arith.constant 0 : index
    %swap3A_119 = arith.constant 104 : index
    %swap3A_120 = arith.constant 0 : index
    %swap3A_121 = vector.load %arg2[%swap3A_118, %swap3A_119, %swap3A_120] : memref<8x256x128xf32, #tpu.memory_space<vmem>>, vector<8x8x128xf32>
    tpu.vector_store %arg2[%swap3A_118, %swap3A_119, %swap3A_120], %reshape3A_117 {strides = array<i32>} : memref<8x256x128xf32, #tpu.memory_space<vmem>>, vector<8x8x128xf32>,
    %get3A_122 = arith.constant 1792 : index
    %get3A_123 = arith.constant 0 : index
    %get3A_124 = vector.load %arg1[%get3A_122, %get3A_123] : memref<4096x64xf32, #tpu.memory_space<vmem>>, vector<128x64xf32>
    %transpose3A_125 = tpu.transpose %get3A_124, [1, 0] : vector<128x64xf32> -> vector<64x128xf32>
    %reshape3A_126 = vector.shape_cast %transpose3A_125 : vector<64x128xf32> to vector<8x8x128xf32>
    %swap3A_127 = arith.constant 0 : index
    %swap3A_128 = arith.constant 112 : index
    %swap3A_129 = arith.constant 0 : index
    %swap3A_130 = vector.load %arg2[%swap3A_127, %swap3A_128, %swap3A_129] : memref<8x256x128xf32, #tpu.memory_space<vmem>>, vector<8x8x128xf32>
    tpu.vector_store %arg2[%swap3A_127, %swap3A_128, %swap3A_129], %reshape3A_126 {strides = array<i32>} : memref<8x256x128xf32, #tpu.memory_space<vmem>>, vector<8x8x128xf32>,
    %get3A_131 = arith.constant 1920 : index
    %get3A_132 = arith.constant 0 : index
    %get3A_133 = vector.load %arg1[%get3A_131, %get3A_132] : memref<4096x64xf32, #tpu.memory_space<vmem>>, vector<128x64xf32>
    %transpose3A_134 = tpu.transpose %get3A_133, [1, 0] : vector<128x64xf32> -> vector<64x128xf32>
    %reshape3A_135 = vector.shape_cast %transpose3A_134 : vector<64x128xf32> to vector<8x8x128xf32>
    %swap3A_136 = arith.constant 0 : index
    %swap3A_137 = arith.constant 120 : index
    %swap3A_138 = arith.constant 0 : index
    %swap3A_139 = vector.load %arg2[%swap3A_136, %swap3A_137, %swap3A_138] : memref<8x256x128xf32, #tpu.memory_space<vmem>>, vector<8x8x128xf32>
    tpu.vector_store %arg2[%swap3A_136, %swap3A_137, %swap3A_138], %reshape3A_135 {strides = array<i32>} : memref<8x256x128xf32, #tpu.memory_space<vmem>>, vector<8x8x128xf32>,
    %get3A_140 = arith.constant 2048 : index
    %get3A_141 = arith.constant 0 : index
    %get3A_142 = vector.load %arg1[%get3A_140, %get3A_141] : memref<4096x64xf32, #tpu.memory_space<vmem>>, vector<128x64xf32>
    %transpose3A_143 = tpu.transpose %get3A_142, [1, 0] : vector<128x64xf32> -> vector<64x128xf32>
    %reshape3A_144 = vector.shape_cast %transpose3A_143 : vector<64x128xf32> to vector<8x8x128xf32>
    %swap3A_145 = arith.constant 0 : index
    %swap3A_146 = arith.constant 128 : index
    %swap3A_147 = arith.constant 0 : index
    %swap3A_148 = vector.load %arg2[%swap3A_145, %swap3A_146, %swap3A_147] : memref<8x256x128xf32, #tpu.memory_space<vmem>>, vector<8x8x128xf32>
    tpu.vector_store %arg2[%swap3A_145, %swap3A_146, %swap3A_147], %reshape3A_144 {strides = array<i32>} : memref<8x256x128xf32, #tpu.memory_space<vmem>>, vector<8x8x128xf32>,
    %get3A_149 = arith.constant 2176 : index
    %get3A_150 = arith.constant 0 : index
    %get3A_151 = vector.load %arg1[%get3A_149, %get3A_150] : memref<4096x64xf32, #tpu.memory_space<vmem>>, vector<128x64xf32>
    %transpose3A_152 = tpu.transpose %get3A_151, [1, 0] : vector<128x64xf32> -> vector<64x128xf32>
    %reshape3A_153 = vector.shape_cast %transpose3A_152 : vector<64x128xf32> to vector<8x8x128xf32>
    %swap3A_154 = arith.constant 0 : index
    %swap3A_155 = arith.constant 136 : index
    %swap3A_156 = arith.constant 0 : index
    %swap3A_157 = vector.load %arg2[%swap3A_154, %swap3A_155, %swap3A_156] : memref<8x256x128xf32, #tpu.memory_space<vmem>>, vector<8x8x128xf32>
    tpu.vector_store %arg2[%swap3A_154, %swap3A_155, %swap3A_156], %reshape3A_153 {strides = array<i32>} : memref<8x256x128xf32, #tpu.memory_space<vmem>>, vector<8x8x128xf32>,
    %get3A_158 = arith.constant 2304 : index
    %get3A_159 = arith.constant 0 : index
    %get3A_160 = vector.load %arg1[%get3A_158, %get3A_159] : memref<4096x64xf32, #tpu.memory_space<vmem>>, vector<128x64xf32>
    %transpose3A_161 = tpu.transpose %get3A_160, [1, 0] : vector<128x64xf32> -> vector<64x128xf32>
    %reshape3A_162 = vector.shape_cast %transpose3A_161 : vector<64x128xf32> to vector<8x8x128xf32>
    %swap3A_163 = arith.constant 0 : index
    %swap3A_164 = arith.constant 144 : index
    %swap3A_165 = arith.constant 0 : index
    %swap3A_166 = vector.load %arg2[%swap3A_163, %swap3A_164, %swap3A_165] : memref<8x256x128xf32, #tpu.memory_space<vmem>>, vector<8x8x128xf32>
    tpu.vector_store %arg2[%swap3A_163, %swap3A_164, %swap3A_165], %reshape3A_162 {strides = array<i32>} : memref<8x256x128xf32, #tpu.memory_space<vmem>>, vector<8x8x128xf32>,
    %get3A_167 = arith.constant 2432 : index
    %get3A_168 = arith.constant 0 : index
    %get3A_169 = vector.load %arg1[%get3A_167, %get3A_168] : memref<4096x64xf32, #tpu.memory_space<vmem>>, vector<128x64xf32>
    %transpose3A_170 = tpu.transpose %get3A_169, [1, 0] : vector<128x64xf32> -> vector<64x128xf32>
    %reshape3A_171 = vector.shape_cast %transpose3A_170 : vector<64x128xf32> to vector<8x8x128xf32>
    %swap3A_172 = arith.constant 0 : index
    %swap3A_173 = arith.constant 152 : index
    %swap3A_174 = arith.constant 0 : index
    %swap3A_175 = vector.load %arg2[%swap3A_172, %swap3A_173, %swap3A_174] : memref<8x256x128xf32, #tpu.memory_space<vmem>>, vector<8x8x128xf32>
    tpu.vector_store %arg2[%swap3A_172, %swap3A_173, %swap3A_174], %reshape3A_171 {strides = array<i32>} : memref<8x256x128xf32, #tpu.memory_space<vmem>>, vector<8x8x128xf32>,
    %get3A_176 = arith.constant 2560 : index
    %get3A_177 = arith.constant 0 : index
    %get3A_178 = vector.load %arg1[%get3A_176, %get3A_177] : memref<4096x64xf32, #tpu.memory_space<vmem>>, vector<128x64xf32>
    %transpose3A_179 = tpu.transpose %get3A_178, [1, 0] : vector<128x64xf32> -> vector<64x128xf32>
    %reshape3A_180 = vector.shape_cast %transpose3A_179 : vector<64x128xf32> to vector<8x8x128xf32>
    %swap3A_181 = arith.constant 0 : index
    %swap3A_182 = arith.constant 160 : index
    %swap3A_183 = arith.constant 0 : index
    %swap3A_184 = vector.load %arg2[%swap3A_181, %swap3A_182, %swap3A_183] : memref<8x256x128xf32, #tpu.memory_space<vmem>>, vector<8x8x128xf32>
    tpu.vector_store %arg2[%swap3A_181, %swap3A_182, %swap3A_183], %reshape3A_180 {strides = array<i32>} : memref<8x256x128xf32, #tpu.memory_space<vmem>>, vector<8x8x128xf32>,
    %get3A_185 = arith.constant 2688 : index
    %get3A_186 = arith.constant 0 : index
    %get3A_187 = vector.load %arg1[%get3A_185, %get3A_186] : memref<4096x64xf32, #tpu.memory_space<vmem>>, vector<128x64xf32>
    %transpose3A_188 = tpu.transpose %get3A_187, [1, 0] : vector<128x64xf32> -> vector<64x128xf32>
    %reshape3A_189 = vector.shape_cast %transpose3A_188 : vector<64x128xf32> to vector<8x8x128xf32>
    %swap3A_190 = arith.constant 0 : index
    %swap3A_191 = arith.constant 168 : index
    %swap3A_192 = arith.constant 0 : index
    %swap3A_193 = vector.load %arg2[%swap3A_190, %swap3A_191, %swap3A_192] : memref<8x256x128xf32, #tpu.memory_space<vmem>>, vector<8x8x128xf32>
    tpu.vector_store %arg2[%swap3A_190, %swap3A_191, %swap3A_192], %reshape3A_189 {strides = array<i32>} : memref<8x256x128xf32, #tpu.memory_space<vmem>>, vector<8x8x128xf32>,
    %get3A_194 = arith.constant 2816 : index
    %get3A_195 = arith.constant 0 : index
    %get3A_196 = vector.load %arg1[%get3A_194, %get3A_195] : memref<4096x64xf32, #tpu.memory_space<vmem>>, vector<128x64xf32>
    %transpose3A_197 = tpu.transpose %get3A_196, [1, 0] : vector<128x64xf32> -> vector<64x128xf32>
    %reshape3A_198 = vector.shape_cast %transpose3A_197 : vector<64x128xf32> to vector<8x8x128xf32>
    %swap3A_199 = arith.constant 0 : index
    %swap3A_200 = arith.constant 176 : index
    %swap3A_201 = arith.constant 0 : index
    %swap3A_202 = vector.load %arg2[%swap3A_199, %swap3A_200, %swap3A_201] : memref<8x256x128xf32, #tpu.memory_space<vmem>>, vector<8x8x128xf32>
    tpu.vector_store %arg2[%swap3A_199, %swap3A_200, %swap3A_201], %reshape3A_198 {strides = array<i32>} : memref<8x256x128xf32, #tpu.memory_space<vmem>>, vector<8x8x128xf32>,
    %get3A_203 = arith.constant 2944 : index
    %get3A_204 = arith.constant 0 : index
    %get3A_205 = vector.load %arg1[%get3A_203, %get3A_204] : memref<4096x64xf32, #tpu.memory_space<vmem>>, vector<128x64xf32>
    %transpose3A_206 = tpu.transpose %get3A_205, [1, 0] : vector<128x64xf32> -> vector<64x128xf32>
    %reshape3A_207 = vector.shape_cast %transpose3A_206 : vector<64x128xf32> to vector<8x8x128xf32>
    %swap3A_208 = arith.constant 0 : index
    %swap3A_209 = arith.constant 184 : index
    %swap3A_210 = arith.constant 0 : index
    %swap3A_211 = vector.load %arg2[%swap3A_208, %swap3A_209, %swap3A_210] : memref<8x256x128xf32, #tpu.memory_space<vmem>>, vector<8x8x128xf32>
    tpu.vector_store %arg2[%swap3A_208, %swap3A_209, %swap3A_210], %reshape3A_207 {strides = array<i32>} : memref<8x256x128xf32, #tpu.memory_space<vmem>>, vector<8x8x128xf32>,
    %get3A_212 = arith.constant 3072 : index
    %get3A_213 = arith.constant 0 : index
    %get3A_214 = vector.load %arg1[%get3A_212, %get3A_213] : memref<4096x64xf32, #tpu.memory_space<vmem>>, vector<128x64xf32>
    %transpose3A_215 = tpu.transpose %get3A_214, [1, 0] : vector<128x64xf32> -> vector<64x128xf32>
    %reshape3A_216 = vector.shape_cast %transpose3A_215 : vector<64x128xf32> to vector<8x8x128xf32>
    %swap3A_217 = arith.constant 0 : index
    %swap3A_218 = arith.constant 192 : index
    %swap3A_219 = arith.constant 0 : index
    %swap3A_220 = vector.load %arg2[%swap3A_217, %swap3A_218, %swap3A_219] : memref<8x256x128xf32, #tpu.memory_space<vmem>>, vector<8x8x128xf32>
    tpu.vector_store %arg2[%swap3A_217, %swap3A_218, %swap3A_219], %reshape3A_216 {strides = array<i32>} : memref<8x256x128xf32, #tpu.memory_space<vmem>>, vector<8x8x128xf32>,
    %get3A_221 = arith.constant 3200 : index
    %get3A_222 = arith.constant 0 : index
    %get3A_223 = vector.load %arg1[%get3A_221, %get3A_222] : memref<4096x64xf32, #tpu.memory_space<vmem>>, vector<128x64xf32>
    %transpose3A_224 = tpu.transpose %get3A_223, [1, 0] : vector<128x64xf32> -> vector<64x128xf32>
    %reshape3A_225 = vector.shape_cast %transpose3A_224 : vector<64x128xf32> to vector<8x8x128xf32>
    %swap3A_226 = arith.constant 0 : index
    %swap3A_227 = arith.constant 200 : index
    %swap3A_228 = arith.constant 0 : index
    %swap3A_229 = vector.load %arg2[%swap3A_226, %swap3A_227, %swap3A_228] : memref<8x256x128xf32, #tpu.memory_space<vmem>>, vector<8x8x128xf32>
    tpu.vector_store %arg2[%swap3A_226, %swap3A_227, %swap3A_228], %reshape3A_225 {strides = array<i32>} : memref<8x256x128xf32, #tpu.memory_space<vmem>>, vector<8x8x128xf32>,
    %get3A_230 = arith.constant 3328 : index
    %get3A_231 = arith.constant 0 : index
    %get3A_232 = vector.load %arg1[%get3A_230, %get3A_231] : memref<4096x64xf32, #tpu.memory_space<vmem>>, vector<128x64xf32>
    %transpose3A_233 = tpu.transpose %get3A_232, [1, 0] : vector<128x64xf32> -> vector<64x128xf32>
    %reshape3A_234 = vector.shape_cast %transpose3A_233 : vector<64x128xf32> to vector<8x8x128xf32>
    %swap3A_235 = arith.constant 0 : index
    %swap3A_236 = arith.constant 208 : index
    %swap3A_237 = arith.constant 0 : index
    %swap3A_238 = vector.load %arg2[%swap3A_235, %swap3A_236, %swap3A_237] : memref<8x256x128xf32, #tpu.memory_space<vmem>>, vector<8x8x128xf32>
    tpu.vector_store %arg2[%swap3A_235, %swap3A_236, %swap3A_237], %reshape3A_234 {strides = array<i32>} : memref<8x256x128xf32, #tpu.memory_space<vmem>>, vector<8x8x128xf32>,
    %get3A_239 = arith.constant 3456 : index
    %get3A_240 = arith.constant 0 : index
    %get3A_241 = vector.load %arg1[%get3A_239, %get3A_240] : memref<4096x64xf32, #tpu.memory_space<vmem>>, vector<128x64xf32>
    %transpose3A_242 = tpu.transpose %get3A_241, [1, 0] : vector<128x64xf32> -> vector<64x128xf32>
    %reshape3A_243 = vector.shape_cast %transpose3A_242 : vector<64x128xf32> to vector<8x8x128xf32>
    %swap3A_244 = arith.constant 0 : index
    %swap3A_245 = arith.constant 216 : index
    %swap3A_246 = arith.constant 0 : index
    %swap3A_247 = vector.load %arg2[%swap3A_244, %swap3A_245, %swap3A_246] : memref<8x256x128xf32, #tpu.memory_space<vmem>>, vector<8x8x128xf32>
    tpu.vector_store %arg2[%swap3A_244, %swap3A_245, %swap3A_246], %reshape3A_243 {strides = array<i32>} : memref<8x256x128xf32, #tpu.memory_space<vmem>>, vector<8x8x128xf32>,
    %get3A_248 = arith.constant 3584 : index
    %get3A_249 = arith.constant 0 : index
    %get3A_250 = vector.load %arg1[%get3A_248, %get3A_249] : memref<4096x64xf32, #tpu.memory_space<vmem>>, vector<128x64xf32>
    %transpose3A_251 = tpu.transpose %get3A_250, [1, 0] : vector<128x64xf32> -> vector<64x128xf32>
    %reshape3A_252 = vector.shape_cast %transpose3A_251 : vector<64x128xf32> to vector<8x8x128xf32>
    %swap3A_253 = arith.constant 0 : index
    %swap3A_254 = arith.constant 224 : index
    %swap3A_255 = arith.constant 0 : index
    %swap3A_256 = vector.load %arg2[%swap3A_253, %swap3A_254, %swap3A_255] : memref<8x256x128xf32, #tpu.memory_space<vmem>>, vector<8x8x128xf32>
    tpu.vector_store %arg2[%swap3A_253, %swap3A_254, %swap3A_255], %reshape3A_252 {strides = array<i32>} : memref<8x256x128xf32, #tpu.memory_space<vmem>>, vector<8x8x128xf32>,
    %get3A_257 = arith.constant 3712 : index
    %get3A_258 = arith.constant 0 : index
    %get3A_259 = vector.load %arg1[%get3A_257, %get3A_258] : memref<4096x64xf32, #tpu.memory_space<vmem>>, vector<128x64xf32>
    %transpose3A_260 = tpu.transpose %get3A_259, [1, 0] : vector<128x64xf32> -> vector<64x128xf32>
    %reshape3A_261 = vector.shape_cast %transpose3A_260 : vector<64x128xf32> to vector<8x8x128xf32>
    %swap3A_262 = arith.constant 0 : index
    %swap3A_263 = arith.constant 232 : index
    %swap3A_264 = arith.constant 0 : index
    %swap3A_265 = vector.load %arg2[%swap3A_262, %swap3A_263, %swap3A_264] : memref<8x256x128xf32, #tpu.memory_space<vmem>>, vector<8x8x128xf32>
    tpu.vector_store %arg2[%swap3A_262, %swap3A_263, %swap3A_264], %reshape3A_261 {strides = array<i32>} : memref<8x256x128xf32, #tpu.memory_space<vmem>>, vector<8x8x128xf32>,
    %get3A_266 = arith.constant 3840 : index
    %get3A_267 = arith.constant 0 : index
    %get3A_268 = vector.load %arg1[%get3A_266, %get3A_267] : memref<4096x64xf32, #tpu.memory_space<vmem>>, vector<128x64xf32>
    %transpose3A_269 = tpu.transpose %get3A_268, [1, 0] : vector<128x64xf32> -> vector<64x128xf32>
    %reshape3A_270 = vector.shape_cast %transpose3A_269 : vector<64x128xf32> to vector<8x8x128xf32>
    %swap3A_271 = arith.constant 0 : index
    %swap3A_272 = arith.constant 240 : index
    %swap3A_273 = arith.constant 0 : index
    %swap3A_274 = vector.load %arg2[%swap3A_271, %swap3A_272, %swap3A_273] : memref<8x256x128xf32, #tpu.memory_space<vmem>>, vector<8x8x128xf32>
    tpu.vector_store %arg2[%swap3A_271, %swap3A_272, %swap3A_273], %reshape3A_270 {strides = array<i32>} : memref<8x256x128xf32, #tpu.memory_space<vmem>>, vector<8x8x128xf32>,
    %get3A_275 = arith.constant 3968 : index
    %get3A_276 = arith.constant 0 : index
    %get3A_277 = vector.load %arg1[%get3A_275, %get3A_276] : memref<4096x64xf32, #tpu.memory_space<vmem>>, vector<128x64xf32>
    %transpose3A_278 = tpu.transpose %get3A_277, [1, 0] : vector<128x64xf32> -> vector<64x128xf32>
    %reshape3A_279 = vector.shape_cast %transpose3A_278 : vector<64x128xf32> to vector<8x8x128xf32>
    %swap3A_280 = arith.constant 0 : index
    %swap3A_281 = arith.constant 248 : index
    %swap3A_282 = arith.constant 0 : index
    %swap3A_283 = vector.load %arg2[%swap3A_280, %swap3A_281, %swap3A_282] : memref<8x256x128xf32, #tpu.memory_space<vmem>>, vector<8x8x128xf32>
    tpu.vector_store %arg2[%swap3A_280, %swap3A_281, %swap3A_282], %reshape3A_279 {strides = array<i32>} : memref<8x256x128xf32, #tpu.memory_space<vmem>>, vector<8x8x128xf32>,
    return
  }
  func.func @transform_0(%arg0: i32) -> (i32, i32) {
    %c0_i32 = arith.constant 0 : i32
    %c0_i32_0 = arith.constant 0 : i32
    return %arg0, %c0_i32 : i32, i32
  }
  func.func @transform_1(%arg0: i32) -> (i32, i32, i32) {
    %c0_i32 = arith.constant 0 : i32
    %c0_i32_0 = arith.constant 0 : i32
    %c0_i32_1 = arith.constant 0 : i32
    return %c0_i32, %arg0, %c0_i32_0 : i32, i32, i32
  }
}

</mosaic_0001>

<sc_bundles>
// kernel: kernel.4.cloned.1.call-start
scs
__scs_entry_jumppad:
0x0: {  	(pc) =	sbr.rel $0x88, $3  }
0x1: {  	(tag) =	ssettag $0x0;
	lr =	simm.s32 $0x1  }
0x2: {  	[smem:$0x3F9F] =	sst lr;
	_ =	strace $0xD0000000  }
0x3: {  	_ = 	snop  }
0x4: {  	_ = 	snop  }
0x5: {  	_ = 	snop  }
0x6: {  	_ = 	snop  }
0x7: {  	_ = 	snop  }
__scs_overlays_trampoline_lowered:
0x8: {  	[smem:$0x3FAE] =	sst s0  }
0x9: {  	[smem:$0x3FAF] =	sst s1  }
0xa: {  	[smem:$0x3FB0] =	sst s2  }
0xb: {  	[smem:$0x3FB1] =	sst s3  }
0xc: {  	[smem:$0x3FB2] =	sst s4  }
0xd: {  	[smem:$0x3FB3] =	sst s5  }
0xe: {  	[smem:$0x3FB4] =	sst s6  }
0xf: {  	[smem:$0x3FB5] =	sst s7  }
0x10: {  	[smem:$0x3FB6] =	sst s8  }
0x11: {  	[smem:$0x3FB7] =	sst s9;
	s0 =	simm.s32 @!p0 $0x0  }
0x12: {  	s1 =	sld [smem:$0x3F9D];
	s0 =	simm.s32 @p0 $0x1  }
0x13: {  	[smem:$0x3FB8] =	sst s0;
	s0 =	simm.s32 @!p1 $0x0  }
0x14: {  	s2 =	sld [smem:$0x3F9C];
	s0 =	simm.s32 @p1 $0x1  }
0x15: {  	[smem:$0x3FB9] =	sst s0;
	s0 =	simm.s32 @!p2 $0x0  }
0x16: {  	s3 =	sld [smem:$0x3FDB];
	s0 =	simm.s32 @p2 $0x1  }
0x17: {  	s4 =	simm.s32 $0x1BF5;
	[smem:$0x3FBB] =	sst s0  }
0x18: {  	s0 =	sld [smem:$0x3F9E];
	_ =	swait.ge [sflag:s4], $0x0  }
0x19: {  	s7 =	sld [smem:$0x3F9F]  }
0x1a: {  	s8 =	sadd.s32 $0xFFFFE003, lr  }
0x1b: {  	s9 =	sadd.s32 $0xFFFFFEF7, lr;
	s5 =	simm.s32 $0xFFFFFFFF;
	p2 =	slt.u32 s8, $0xFFFFF086  }
0x1c: {  	p1 =	slt.u32 s9, $0xF7A;
	s5 =	simm.s32 @!p2 $0x0  }
0x1d: {  	s5 =	simm.s32 @p1 $0x1;
	p0 =	seq.s32 s7, s2  }
0x1e: {  	s7 =	smul.u32 @!p0 $0xF7A, s2;
	p2 =	seq.s32 @!p0 s5, $0x0  }
0x1f: {  	s9 =	smul.u32 $0xF7A, s1;
	s8 =	simm.s32 @!p0 $0x1BF5;
	p2 =	por !p2, p0  }
0x20: {  	[sflag:s8] =	ssyncset.s32 @!p0 $0xFFFFF086;
	s6 =	sadd.s32 @!p0 s3, s7;
	s7 =	simm.s32 @!p0 $0x108  }
0x21: {  	s3 =	sadd.s32 s3, s9;
	s6 =	sadd.s32 @!p0 $0x88, s6;
	s7 =	simm.s32 @p2 $0x1082  }
0x22: {  	[simem:s7], [sflag:s8] =	dma.local @!p0 [hbm:s6], $0xF7A  }
0x23: {  	s9 =	sor.u32 $0xD0000000, s2;
	s6 =	simm.s32 $0x108;
	_ =	swait.ge @!p0 [sflag:s8], $0x0  }
0x24: {  	s3 =	sadd.s32 $0x88, s3;
	s6 =	simm.s32 @!p1 $0x1082;
	[sflag:s4] =	ssyncset.s32 $0xFFFFF086  }
0x25: {  	[simem:s6], [sflag:s4] =	dma.local [hbm:s3], $0xF7A  }
0x26: {  	[smem:$0x3F9F] =	sst s1;
	(tag) =	ssettag s2;
	_ =	strace s9  }
0x27: {  	s1 =	sld [smem:$0x3FAF]  }
0x28: {  	s2 =	sld [smem:$0x3FB0]  }
0x29: {  	s4 =	sld [smem:$0x3FB2]  }
0x2a: {  	p0 =	seq.s32 s5, $0x0;
	s5 =	sld [smem:$0x3FB3]  }
0x2b: {  	s6 =	sld [smem:$0x3FB4]  }
0x2c: {  	s7 =	sld [smem:$0x3FB5]  }
0x2d: {  	s3 =	simm.s32 $0x108;
	s8 =	sld [smem:$0x3FB6]  }
0x2e: {  	s3 =	simm.s32 @!p0 $0x1082;
	s9 =	sld [smem:$0x3FB7]  }
0x2f: {  	lr =	sadd.s32 s0, s3;
	s0 =	sld [smem:$0x3FAE]  }
0x30: {  	s3 =	sld [smem:$0x3FB1]  }
0x31: {  	[smem:$0x3FBA] =	sst s10  }
0x32: {  	s10 =	sld [smem:$0x3FB8];
	_ =	sdelay $0x3  }
0x33: {  	p0 =	seq.s32 s10, $0x1;
	s10 =	sld [smem:$0x3FBA];
	_ =	sdelay $0x3  }
0x34: {  	[smem:$0x3FBA] =	sst s10  }
0x35: {  	s10 =	sld [smem:$0x3FB9];
	_ =	sdelay $0x3  }
0x36: {  	p1 =	seq.s32 s10, $0x1;
	s10 =	sld [smem:$0x3FBA];
	_ =	sdelay $0x3  }
0x37: {  	[smem:$0x3FBA] =	sst s10  }
0x38: {  	s10 =	sld [smem:$0x3FBB]  }
0x39: {  	_ = 	snop;
	(pc) =	sbr.ind lr, $3  }
0x3a: {  	_ = 	snop  }
0x3b: {  	_ = 	snop  }
0x3c: {  	p2 =	seq.s32 s10, $0x1;
	s10 =	sld [smem:$0x3FBA]  }
0x3d: {  	_ =	shalt  }
0x3e: {  	_ =	shalt  }
0x3f: {  	_ =	shalt  }
0x40: {  	_ =	shalt  }
0x41: {  	_ =	shalt  }
0x42: {  	_ =	shalt  }
0x43: {  	_ =	shalt  }
0x44: {  	_ =	shalt  }
0x45: {  	_ =	shalt  }
0x46: {  	_ =	shalt  }
0x47: {  	_ =	shalt  }
0x48: {  	_ =	shalt  }
0x49: {  	_ =	shalt  }
0x4a: {  	_ =	shalt  }
0x4b: {  	_ =	shalt  }
0x4c: {  	_ =	shalt  }
0x4d: {  	_ =	shalt  }
0x4e: {  	_ =	shalt  }
0x4f: {  	_ =	shalt  }
0x50: {  	_ =	shalt  }
0x51: {  	_ =	shalt  }
0x52: {  	_ =	shalt  }
0x53: {  	_ =	shalt  }
0x54: {  	_ =	shalt  }
0x55: {  	_ =	shalt  }
0x56: {  	_ =	shalt  }
0x57: {  	_ =	shalt  }
0x58: {  	_ =	shalt  }
0x59: {  	_ =	shalt  }
0x5a: {  	_ =	shalt  }
0x5b: {  	_ =	shalt  }
0x5c: {  	_ =	shalt  }
0x5d: {  	_ =	shalt  }
0x5e: {  	_ =	shalt  }
0x5f: {  	_ =	shalt  }
0x60: {  	_ =	shalt  }
0x61: {  	_ =	shalt  }
0x62: {  	_ =	shalt  }
0x63: {  	_ =	shalt  }
0x64: {  	_ =	shalt  }
0x65: {  	_ =	shalt  }
0x66: {  	_ =	shalt  }
0x67: {  	_ =	shalt  }
0x68: {  	_ =	shalt  }
0x69: {  	_ =	shalt  }
0x6a: {  	_ =	shalt  }
0x6b: {  	_ =	shalt  }
0x6c: {  	_ =	shalt  }
0x6d: {  	_ =	shalt  }
0x6e: {  	_ =	shalt  }
0x6f: {  	_ =	shalt  }
0x70: {  	_ =	shalt  }
0x71: {  	_ =	shalt  }
0x72: {  	_ =	shalt  }
0x73: {  	_ =	shalt  }
0x74: {  	_ =	shalt  }
0x75: {  	_ =	shalt  }
0x76: {  	_ =	shalt  }
0x77: {  	_ =	shalt  }
0x78: {  	_ =	shalt  }
0x79: {  	_ =	shalt  }
0x7a: {  	_ =	shalt  }
0x7b: {  	_ =	shalt  }
0x7c: {  	_ =	shalt  }
0x7d: {  	_ =	shalt  }
0x7e: {  	_ =	shalt  }
0x7f: {  	_ =	shalt  }
0x80: {  	_ =	shalt  }
0x81: {  	_ =	shalt  }
0x82: {  	_ =	shalt  }
0x83: {  	_ =	shalt  }
0x84: {  	_ =	shalt  }
0x85: {  	_ =	shalt  }
0x86: {  	_ =	shalt  }
0x87: {  	_ =	shalt  }
.Lfunc_end0:
.L_simem_size_0:
called_computation_lowered:
.L_overlay_start_0:
0x88: {  	s2 =	sld [smem:$0x3FD9]  }
0x89: {  	s3 =	sld [smem:$0x3FFE];
	_ =	sdelay $0x1  }
0x8a: {  	s1 =	srdreg.scid  }
0x8b: {  	s0 =	sand.u32 $0x1, s1  }
0x8c: {  	s17 =	sshll.u32 s0, $0xA;
	s2 =	sadd.s32 s3, s2  }
0x8d: {  	s2 =	sadd.s32 s2, s17  }
0x8e: {  	[smem:$0x3FC6] =	sst s2  }
0x8f: {  	_ = 	snop  }
0x90: {  	s2 =	sld [smem:$0x3FC9]  }
0x91: {  	s18 =	sld [smem:$0x3FD0];
	(tm) =	ssettm $0x1  }
0x92: {  	s4 =	sld [smem:$0x3FFB];
	_ =	sdelay $0x3  }
0x93: {  	_ =	strace s4  }
0x94: {  	s4 =	sld [smem:$0x3FFC];
	_ =	sdelay $0x3  }
0x95: {  	_ =	strace s4  }
0x96: {  	s4 =	sld [smem:$0x3FFD];
	_ =	sdelay $0x3  }
0x97: {  	_ =	strace s4  }
0x98: {  	_ =	strace $0x8FFFFFFF  }
0x99: {  	s19 =	sld [smem:$0x3FDB];
	_ =	sdelay $0x1  }
0x9a: {  	s5 =	simm.s32 $_scs_section_size  }
0x9b: {  	s6 =	simm.s32 $_size__tile_overlayer_lowered;
	s7 =	simm.s32 $_tile_overlayer_lowered  }
0x9c: {  	s22 =	simm.s32 $0x1BFF;
	s21 =	sshll.u32 s7, $0x1;
	s4 =	sadd.s32 s5, s19  }
0x9d: {  	s8 =	simm.s32 $0x0;
	s20 =	sshll.u32 s6, $0x1;
	s6 =	sadd.s32 s21, s4  }
0x9e: {  	[timem:s8], [sflag:s22] =	dma.local [hbm:s6], s20  }
0x9f: {  	_ =	swait.ge [sflag:s22], s20  }
0xa0: {  	s5 =	ssub.s32 $0x0, s20;
	[sflag:s22] =	ssyncset.done $0x0  }
0xa1: {  	[sflag:s22] =	ssyncadd.s32 s5;
	_ =	sdelay $0x1  }
0xa2: {  	s23 =	simm.s32 $0x1B8B  }
0xa3: {  	_ =	swait.ge [sflag:s23], $0x1  }
0xa4: {  	[sflag:s23] =	ssyncset.done $0x0  }
0xa5: {  	s25 =	simm.s32 $0x1B8E;
	s24 =	sld [smem:$0x3FFE];
	[sflag:s23] =	ssyncadd.s32 $0xFFFFFFFF  }
0xa6: {  	s26 =	simm.s32 $execute0_lowered;
	[smem:$0x3FD2] =	sst s25  }
0xa7: {  	s6 =	sshll.u32 s26, $0x1;
	_ =	strace $0x80000046;
	[dreg:$0x1] =	wrdreg $0xFFFFFFFF  }
0xa8: {  	s28 =	simm.s32 $_size_execute0_lowered;
	s4 =	sadd.s32 s4, s6;
	[dreg:$0x0] =	wrdreg $0x0  }
0xa9: {  	s6 =	sshll.u32 s28, $0x1;
	[dreg:$0x2] =	wrdreg s4  }
0xaa: {  	[dreg:$0x3] =	wrdreg s6  }
0xab: {  	[dreg:$0x4] =	wrdreg $0xC0  }
0xac: {  	_ =	task [dreg:s8], $0x5FFFF  }
0xad: {  	[dreg:$0x1] =	wrdreg $0xFFFFFFFF  }
0xae: {  	[dreg:$0x0] =	wrdreg $0x60  }
0xaf: {  	[dreg:$0x2] =	wrdreg s24  }
0xb0: {  	[dreg:$0x3] =	wrdreg s2  }
0xb1: {  	[dreg:$0x4] =	wrdreg s18  }
0xb2: {  	[dreg:$0x5] =	wrdreg $0x9  }
0xb3: {  	_ =	task.clear_ibuf [dreg:s8], $0x6FFFF;
	_ =	strace $0x90000046  }
0xb4: {  	s29 =	simm.s32 $0x9;
	_ =	strace $0x80000048  }
0xb5: {  	_ =	swait.ge [sflag:s29], $0x1  }
0xb6: {  	[sflag:s29] =	ssyncadd.s32 $0xFFFFFFFF  }
0xb7: {  	_ =	strace $0x90000048  }
0xb8: {  	_ =	sfence  }
0xb9: {  	s30 =	sld [smem:$0x0];
	_ =	sdelay $0x2  }
0xba: {  	s31 =	sshll.u32 s1, $0xD;
	s1 =	sshrl.u32 s1, $0x2  }
0xbb: {  	s3 =	sand.u32 $0x4000, s31;
	s1 =	sadd.s32 s1, s30  }
0xbc: {  	s0 =	sor.u32 s3, s0;
	s1 =	sshll.u32 s1, $0x11  }
0xbd: {  	s0 =	sor.u32 s1, s0  }
0xbe: {  	s0 =	sadd.s32 $0x8F2B, s0  }
0xbf: {  	[sflag:s0] =	ssyncadd.remote.s32 $0x1  }
0xc0: {  	_ =	sfence.sel $0xFFFF  }
0xc1: {  	[dreg:$0x0] =	wrdreg $0xFFFFFFFF;
	(pc) =	sbr.abs _section_cstart, $3  }
0xc2: {  	[dreg:$0x1] =	wrdreg $0xFFFFFFFF  }
0xc3: {  	_ =	task.clear_ibuf [dreg:s8], $0x2FFFF;
	_ =	strace $0x9FFFFFFF  }
0xc4: {  	(tm) =	ssettm $0x7FFFFFFF  }
0xc5: {  	_ =	shalt  }
tec
execute0_lowered:
.L_overlay_start_1:
0x0: {  	(tag) =	ssettag $0x1  }
0x1: {  	s0 =	rddreg [dreg:$0x0]  }
0x2: {  	s1 =	rddreg [dreg:$0x1]  }
0x3: {  	s2 =	rddreg [dreg:$0x2];
	s7 =	stileid.u32  }
0x4: {  	s3 =	simm.s32 $0x0;
	s4 =	srdreg.scid;
	s23 =	simm.s32 $0x1  }
0x5: {  	s21 =	simm.s32 $0x15000;
	s22 =	simm.s32 $0x15800;
	s19 =	simm.s32 $0x17000  }
0x6: {  	s20 =	simm.s32 $0x18000;
	s24 =	simm.s32 $0x18800;
	s5 =	sshll.u32 s7, $0x1  }
0x7: {  	[smem:$0x7FF] =	sst s3;
	s6 =	sand.u32 $0x1, s4;
	s4 =	sshrl.u32 s7, $0x1  }
0x8: {  	s11 =	sadd.s32 $0x800, s2;
	s12 =	sadd.s32 $0x1000, s2;
	s13 =	sadd.s32 $0x1800, s2  }
0x9: {  	s14 =	sadd.s32 $0x2000, s2;
	s15 =	sadd.s32 $0x2800, s2;
	s16 =	sadd.s32 $0x3000, s2  }
0xa: {  	s17 =	sadd.s32 $0x3800, s2;
	s18 =	sadd.s32 $0x300, s1;
	s7 =	simm.s32 $0x17800  }
0xb: {  	s5 =	sand.u32 $0x2, s5;
	s26 =	ssub.s32 $0x2, s6;
	s28 =	sshll.u32 s4, $0xD  }
0xc: {  	_ =	strace $0x80000047;
	s10 =	sshll.u32 s4, $0x11;
	s5 =	sor.u32 s6, s5  }
0xd: {  	s8 =	sshrl.u32 s26, $0x1;
	s0 =	sadd.s32 s28, s0;
	s6 =	simm.s32 $0x16000  }
0xe: {  	s9 =	smul.u32 $0x6000, s5;
	s29 =	ssub.s32 s26, s8;
	s0 =	sadd.s32 $0x600, s0  }
0xf: {  	s5 =	smul.u32 $0x60, s5;
	[dreg:$0x4] =	wrdreg s0;
	s31 =	smax.u32 s29, $0x1  }
0x10: {  	s8 =	simm.s32 $0x16800;
	s30 =	sadd.s32 s1, s9;
	[dreg:$0x7] =	wrdreg s31  }
0x11: {  	s26 =	simm.s32 $0x0;
	[dreg:$0x5] =	wrdreg s30;
	s0 =	sadd.s32 $0x100, s30  }
0x12: {  	v0 =	vimm.s32 $0x0;
	s9 =	sadd.s32 $0x200, s1;
	s1 =	simm.s32 $0x2;
	[dreg:$0x6] =	wrdreg s0  }
.LBB2_1:
0x13: {  	[dreg:$0x8] =	wrdreg s26  }
0x14: {  	s0 =	rddreg [dreg:$0x4];
	s28 =	simm.s32 $0x5  }
0x15: {  	[tilespmem:s3], [sflag:$0x5] =	stream.linear.gather [hbm4b:s0+s3], $0x10000, $0x38;
	[tilespmem:$0x19000] =	vst v63  }
0x16: {  	_ =	swait.ge [sflag:s28], $0x10000  }
0x17: {  	[sflag:s28] =	ssyncset.done $0x0  }
0x18: {  	s25 =	simm.s32 $0x10000;
	s29 =	rddreg [dreg:$0x5];
	[sflag:s28] =	ssyncadd.s32 $0xFFFF0000  }
0x19: {  	[tilespmem:s25], [sflag:$0x1] =	stream.linear.gather [hbm4b:s29+s3], $0x800, $0x38;
	[tilespmem:$0x19000] =	vst v63  }
0x1a: {  	s31 =	simm.s32 $0x10800;
	s30 =	rddreg [dreg:$0x6];
	s25 =	simm.s32 $0x0  }
0x1b: {  	[tilespmem:s31], [sflag:$0x2] =	stream.linear.gather [hbm4b:s30+s3], $0x800, $0x38;
	[tilespmem:$0x19000] =	vst v63  }
.LBB2_2:
0x1c: {  	_ =	swait.ge [sflag:s23], $0x800  }
0x1d: {  	p0 =	seq.s32 s25, $0x0;
	[sflag:s23] =	ssyncset.done $0x0  }
0x1e: {  	s26 =	simm.s32 @!p0 $0x3;
	[sflag:s23] =	ssyncadd.s32 $0xFFFFF800  }
0x1f: {  	_ =	swait.ge @!p0 [sflag:s26], $0x800  }
0x20: {  	[sflag:s26] =	ssyncset.done @!p0 $0x0  }
0x21: {  	[sflag:s26] =	ssyncadd.s32 @!p0 $0xFFFFF800  }
0x22: {  	_ =	swait.ge @!p0 [sflag:s26], $0x800  }
0x23: {  	[sflag:s26] =	ssyncset.done @!p0 $0x0  }
0x24: {  	[sflag:s26] =	ssyncadd.s32 @!p0 $0xFFFFF800  }
0x25: {  	_ =	swait.ge @!p0 [sflag:s26], $0x800  }
0x26: {  	[sflag:s26] =	ssyncset.done @!p0 $0x0  }
0x27: {  	[sflag:s26] =	ssyncadd.s32 @!p0 $0xFFFFF800  }
0x28: {  	_ =	swait.ge @!p0 [sflag:s26], $0x800  }
0x29: {  	[sflag:s26] =	ssyncset.done @!p0 $0x0  }
0x2a: {  	[sflag:s26] =	ssyncadd.s32 @!p0 $0xFFFFF800  }
0x2b: {  	_ =	swait.ge @!p0 [sflag:s26], $0x800  }
0x2c: {  	[sflag:s26] =	ssyncset.done @!p0 $0x0  }
0x2d: {  	[sflag:s26] =	ssyncadd.s32 @!p0 $0xFFFFF800  }
0x2e: {  	_ =	swait.ge @!p0 [sflag:s26], $0x800  }
0x2f: {  	[sflag:s26] =	ssyncset.done @!p0 $0x0  }
0x30: {  	[sflag:s26] =	ssyncadd.s32 @!p0 $0xFFFFF800  }
0x31: {  	_ =	swait.ge @!p0 [sflag:s26], $0x800  }
0x32: {  	[sflag:s26] =	ssyncset.done @!p0 $0x0  }
0x33: {  	[sflag:s26] =	ssyncadd.s32 @!p0 $0xFFFFF800  }
0x34: {  	_ =	swait.ge @!p0 [sflag:s26], $0x800  }
0x35: {  	[sflag:s26] =	ssyncset.done @!p0 $0x0  }
0x36: {  	s0 =	simm.s32 $0x10040;
	[sflag:s26] =	ssyncadd.s32 @!p0 $0xFFFFF800  }
0x37: {  	v1 =	vld [tilespmem:s0+$0x10];
	_ =	sdelay $0x4  }
0x38: {  	v2 =	vshra.s32 v1, $0x1F;
	v3 =	vand.u32 $0x7F, v1  }
0x39: {  	vm0 =	vlt.s32 v1, $0x1;
	v2 =	vshrl.u32 v2, $0x19;
	vm1 =	vne.s32 v3, $0x0  }
0x3a: {  	v2 =	vadd.s32 v2, v1;
	vm0 =	vmand vm0, vm1  }
0x3b: {  	v2 =	vshrl.u32 v2, $0x7;
	v4 =	vsel vm0, $0xFFFFFFFF, v0  }
0x3c: {  	v2 =	vadd.s32 v4, v2  }
0x3d: {  	v2 =	vmul.u32 $0x380, v2  }
0x3e: {  	v4 =	vld [tilespmem:s0+$0xFFFFFFC0]  }
0x3f: {  	v1 =	vadd.s32 v1, v2;
	_ =	sdelay $0x2  }
0x40: {  	v2 =	vand.u32 $0xFFFFFF80, v1  }
0x41: {  	v5 =	vor.u32 v3, v2;
	v2 =	vshra.s32 v4, $0x1F;
	v7 =	vand.u32 $0x7F, v4  }
0x42: {  	vm0 =	vlt.s32 v4, $0x1;
	v2 =	vshrl.u32 v2, $0x19;
	vm1 =	vne.s32 v7, $0x0;
	v1 =	vld.idx.msk [tilespmem:v1+s3+$0x0], $0xffff  }
0x43: {  	v6 =	vld [tilespmem:s0+$0xFFFFFFD0];
	v8 =	vadd.s32 $0x80, v5;
	v2 =	vadd.s32 v2, v4;
	vm0 =	vmand vm0, vm1  }
0x44: {  	v9 =	vld [tilespmem:s0+$0x30];
	v2 =	vshrl.u32 v2, $0x7;
	v3 =	vsel vm0, $0xFFFFFFFF, v0  }
0x45: {  	v11 =	vld [tilespmem:s0+$0x20];
	v2 =	vadd.s32 v3, v2  }
0x46: {  	s28 =	simm.s32 $0x13000;
	v21 =	vld [tilespmem:s0+$0x0];
	v2 =	vmul.u32 $0x380, v2  }
0x47: {  	[tilespmem:s28+$0xFFFFE050] =	vst v1  }
0x48: {  	v1 =	vadd.s32 v4, v2;
	v2 =	vld.idx.msk [tilespmem:v8+s3+$0x0], $0xffff  }
0x49: {  	v15 =	vshra.s32 v9, $0x1F;
	v17 =	vand.u32 $0x7F, v9;
	v8 =	vadd.s32 $0x100, v5  }
0x4a: {  	v19 =	vshra.s32 v11, $0x1F;
	vm3 =	vlt.s32 v11, $0x1;
	v20 =	vand.u32 $0x7F, v11  }
0x4b: {  	v18 =	vld [tilespmem:s0+$0xFFFFFFF0];
	v25 =	vand.u32 $0x7F, v21;
	v26 =	vshra.s32 v6, $0x1F;
	v29 =	vand.u32 $0x7F, v6  }
0x4c: {  	v15 =	vshrl.u32 v15, $0x19;
	vm2 =	vne.s32 v17, $0x0;
	v19 =	vshrl.u32 v19, $0x19;
	v3 =	vld [tilespmem:s0+$0xFFFFFFE0];
	s0 =	simm.s32 $0x100C0  }
0x4d: {  	vm4 =	vne.s32 v20, $0x0;
	vm13 =	vne.s32 v29, $0x0;
	v15 =	vadd.s32 v15, v9;
	v24 =	vld [tilespmem:s0+$0x10];
	[tilespmem:s28+$0xFFFFE850] =	vst v2  }
0x4e: {  	v19 =	vadd.s32 v19, v11;
	vm3 =	vmand vm3, vm4;
	v4 =	vand.u32 $0xFFFFFF80, v1;
	v8 =	vld.idx.msk [tilespmem:v8+s3+$0x0], $0xffff  }
0x4f: {  	v19 =	vshrl.u32 v19, $0x7;
	v10 =	vor.u32 v7, v4;
	v7 =	vadd.s32 $0x180, v5;
	v1 =	vld.idx.msk [tilespmem:v1+s3+$0x0], $0xffff  }
0x50: {  	v15 =	vshrl.u32 v15, $0x7;
	vm1 =	vlt.s32 v9, $0x1;
	v4 =	vadd.s32 $0x80, v10  }
0x51: {  	v14 =	vadd.s32 $0x300, v5;
	v12 =	vadd.s32 $0x280, v5;
	vm1 =	vmand vm1, vm2  }
0x52: {  	vm0 =	vlt.s32 v6, $0x1;
	vm2 =	vlt.s32 v21, $0x1;
	v22 =	vsel vm1, $0xFFFFFFFF, v0  }
0x53: {  	vm1 =	vlt.s32 v18, $0x1;
	vm0 =	vmand vm0, vm13;
	v13 =	vshra.s32 v3, $0x1F;
	[tilespmem:s28+$0xFFFFF050] =	vst v8  }
0x54: {  	vm12 =	vlt.s32 v24, $0x1;
	v16 =	vadd.s32 $0x200, v10;
	[tilespmem:s28+$0xFFFFE000] =	vst v1;
	v8 =	vsel vm3, $0xFFFFFFFF, v0;
	v7 =	vld.idx.msk [tilespmem:v7+s3+$0x0], $0xffff  }
0x55: {  	v23 =	vadd.s32 $0x100, v10;
	v2 =	vadd.s32 $0x200, v5;
	v4 =	vld.idx.msk [tilespmem:v4+s3+$0x0], $0xffff;
	v8 =	vadd.s32 v8, v19  }
0x56: {  	v5 =	vadd.s32 $0x380, v5;
	v1 =	vmul.u32 $0x380, v8;
	v8 =	vadd.s32 v22, v15  }
0x57: {  	vm3 =	vne.s32 v25, $0x0;
	v19 =	vand.u32 $0x7F, v18;
	v8 =	vmul.u32 $0x380, v8  }
0x58: {  	vm2 =	vmand vm2, vm3;
	vm3 =	vlt.s32 v3, $0x1;
	v15 =	vshra.s32 v18, $0x1F  }
0x59: {  	v22 =	vshra.s32 v21, $0x1F;
	v27 =	vsel vm2, $0xFFFFFFFF, v0;
	v8 =	vadd.s32 v9, v8;
	[tilespmem:s28+$0xFFFFF850] =	vst v7  }
0x5a: {  	vm2 =	vne.s32 v19, $0x0;
	v22 =	vshrl.u32 v22, $0x19;
	[tilespmem:s28+$0xFFFFE800] =	vst v4;
	v7 =	vand.u32 $0xFFFFFF80, v8;
	v2 =	vld.idx.msk [tilespmem:v2+s3+$0x0], $0xffff  }
0x5b: {  	vm1 =	vmand vm1, vm2;
	v4 =	vadd.s32 v11, v1;
	v11 =	vor.u32 v17, v7;
	v17 =	vld.idx.msk [tilespmem:v23+s3+$0x0], $0xffff  }
0x5c: {  	v22 =	vadd.s32 v22, v21;
	v1 =	vshra.s32 v24, $0x1F;
	v7 =	vadd.s32 $0x180, v10  }
0x5d: {  	v1 =	vshrl.u32 v1, $0x19;
	v23 =	vshrl.u32 v26, $0x19;
	v26 =	vand.u32 $0x7F, v24  }
0x5e: {  	v9 =	vand.u32 $0x7F, v3;
	v1 =	vadd.s32 v1, v24;
	vm5 =	vne.s32 v26, $0x0;
	v8 =	vld.idx.msk [tilespmem:v8+s3+$0x0], $0xffff  }
0x5f: {  	v28 =	vand.u32 $0xFFFFFF80, v4;
	v30 =	vshrl.u32 v1, $0x7;
	v1 =	vld [tilespmem:s0+$0xFFFFFFD0];
	vm4 =	vmand vm12, vm5;
	[tilespmem:s28+$0x50] =	vst v2  }
0x60: {  	v22 =	vshrl.u32 v22, $0x7;
	v31 =	vadd.s32 $0x80, v11;
	v2 =	vsel vm4, $0xFFFFFFFF, v0;
	[tilespmem:s28+$0xFFFFF000] =	vst v17;
	v32 =	vld.idx.msk [tilespmem:v12+s3+$0x0], $0xffff  }
0x61: {  	v17 =	vadd.s32 v23, v6;
	v23 =	vsel vm0, $0xFFFFFFFF, v0;
	v12 =	vor.u32 v20, v28;
	v7 =	vld.idx.msk [tilespmem:v7+s3+$0x0], $0xffff  }
0x62: {  	v17 =	vshrl.u32 v17, $0x7;
	v28 =	vld.idx.msk [tilespmem:v4+s3+$0x0], $0xffff;
	v4 =	vshrl.u32 v13, $0x19;
	v13 =	vshrl.u32 v15, $0x19  }
0x63: {  	v20 =	vadd.s32 v2, v30;
	v2 =	vld [tilespmem:s0+$0x0];
	v17 =	vadd.s32 v23, v17;
	[tilespmem:s28+$0xFFFFE070] =	vst v8;
	v8 =	vadd.s32 v13, v18  }
0x64: {  	v23 =	vadd.s32 v4, v3;
	v4 =	vld [tilespmem:s0+$0xFFFFFFF0];
	v13 =	vsel vm1, $0xFFFFFFFF, v0;
	v8 =	vshrl.u32 v8, $0x7  }
0x65: {  	vm14 =	vne.s32 v9, $0x0;
	v30 =	vld.idx.msk [tilespmem:v31+s3+$0x0], $0xffff;
	v31 =	vadd.s32 $0x80, v12;
	v13 =	vadd.s32 v13, v8;
	[tilespmem:s28+$0x850] =	vst v32  }
0x66: {  	vm3 =	vmand vm3, vm14;
	[tilespmem:s28+$0xFFFFF800] =	vst v7;
	v7 =	vmul.u32 $0x380, v17;
	v13 =	vmul.u32 $0x380, v13;
	v14 =	vld.idx.msk [tilespmem:v14+s3+$0x0], $0xffff  }
0x67: {  	v22 =	vadd.s32 v27, v22;
	v15 =	vsel vm3, $0xFFFFFFFF, v0;
	v20 =	vmul.u32 $0x380, v20;
	v8 =	vld [tilespmem:s0+$0x30]  }
0x68: {  	v17 =	vshrl.u32 v23, $0x7;
	v6 =	vadd.s32 v6, v7;
	v13 =	vadd.s32 v18, v13;
	v18 =	vld [tilespmem:s0+$0xFFFFFFC0]  }
0x69: {  	v22 =	vmul.u32 $0x380, v22;
	[tilespmem:s28+$0xFFFFE060] =	vst v28;
	v16 =	vld.idx.msk [tilespmem:v16+s3+$0x0], $0xffff;
	v7 =	vadd.s32 v15, v17  }
0x6a: {  	v17 =	vadd.s32 v24, v20;
	v20 =	vld.idx.msk [tilespmem:v31+s3+$0x0], $0xffff;
	v15 =	vmul.u32 $0x380, v7  }
0x6b: {  	v21 =	vadd.s32 v21, v22;
	v27 =	vadd.s32 $0x100, v12;
	v7 =	vld [tilespmem:s0+$0x20];
	v22 =	vand.u32 $0xFFFFFF80, v6;
	[tilespmem:s28+$0x1050] =	vst v14  }
0x6c: {  	v3 =	vadd.s32 v3, v15;
	v15 =	vor.u32 v29, v22;
	v14 =	vadd.s32 $0x100, v11;
	v24 =	vld.idx.msk [tilespmem:v5+s3+$0x0], $0xffff  }
0x6d: {  	v5 =	vand.u32 $0xFFFFFF80, v3;
	v28 =	vld.idx.msk [tilespmem:v6+s3+$0x0], $0xffff;
	v6 =	vand.u32 $0xFFFFFF80, v13;
	v29 =	vand.u32 $0x7F, v18  }
0x6e: {  	v13 =	vld.idx.msk [tilespmem:v13+s3+$0x0], $0xffff;
	vm0 =	vlt.s32 v18, $0x1;
	v23 =	vor.u32 v9, v5;
	v5 =	vand.u32 $0xFFFFFF80, v17  }
0x6f: {  	v9 =	vld.idx.msk [tilespmem:v17+s3+$0x0], $0xffff;
	v22 =	vor.u32 v19, v6;
	v17 =	vadd.s32 $0x80, v15;
	v6 =	vshra.s32 v18, $0x1F  }
0x70: {  	v19 =	vld.idx.msk [tilespmem:v21+s3+$0x0], $0xffff;
	vm1 =	vne.s32 v29, $0x0;
	v21 =	vand.u32 $0xFFFFFF80, v21;
	[tilespmem:s28+$0xFFFFE860] =	vst v20;
	v5 =	vor.u32 v26, v5  }
0x71: {  	[tilespmem:s28+$0xFFFFE870] =	vst v30;
	v26 =	vadd.s32 $0x280, v10;
	v6 =	vshrl.u32 v6, $0x19;
	v21 =	vor.u32 v25, v21;
	v25 =	vld.idx.msk [tilespmem:v27+s3+$0x0], $0xffff  }
0x72: {  	[tilespmem:s28+$0x0] =	vst v16;
	vm0 =	vmand vm0, vm1;
	v30 =	vadd.s32 $0x80, v22;
	v3 =	vld.idx.msk [tilespmem:v3+s3+$0x0], $0xffff;
	v6 =	vadd.s32 v6, v18  }
0x73: {  	v33 =	vsel vm0, $0xFFFFFFFF, v0;
	v27 =	vadd.s32 $0x80, v21;
	v14 =	vld.idx.msk [tilespmem:v14+s3+$0x0], $0xffff;
	v58 =	vshrl.u32 v6, $0x7;
	[tilespmem:s28+$0xFFFFE010] =	vst v28  }
0x74: {  	v31 =	vadd.s32 $0x80, v23;
	v6 =	vld [tilespmem:s0+$0xFFFFFFE0];
	v20 =	vadd.s32 v33, v58;
	[tilespmem:s28+$0xFFFFE030] =	vst v13  }
0x75: {  	v28 =	vadd.s32 $0x80, v5;
	[tilespmem:s28+$0x1850] =	vst v24;
	v17 =	vld.idx.msk [tilespmem:v17+s3+$0x0], $0xffff;
	v20 =	vmul.u32 $0x380, v20  }
0x76: {  	v16 =	vadd.s32 $0x180, v11;
	[tilespmem:s28+$0xFFFFE040] =	vst v19;
	v26 =	vld.idx.msk [tilespmem:v26+s3+$0x0], $0xffff  }
0x77: {  	s29 =	simm.s32 $0x13080;
	v13 =	vadd.s32 v18, v20;
	[tilespmem:s28+$0xFFFFE020] =	vst v3;
	v3 =	vld.idx.msk [tilespmem:v30+s3+$0x0], $0xffff  }
0x78: {  	[tilespmem:s29+$0xFFFFE050] =	vst v9;
	v9 =	vadd.s32 $0x300, v10;
	v24 =	vld.idx.msk [tilespmem:v27+s3+$0x0], $0xffff  }
0x79: {  	v20 =	vadd.s32 $0x100, v15;
	v18 =	vld.idx.msk [tilespmem:v31+s3+$0x0], $0xffff  }
0x7a: {  	v27 =	vadd.s32 $0x180, v12;
	[tilespmem:s28+$0xFFFFF070] =	vst v14;
	v14 =	vld.idx.msk [tilespmem:v28+s3+$0x0], $0xffff  }
0x7b: {  	v28 =	vadd.s32 $0x100, v22;
	v16 =	vld.idx.msk [tilespmem:v16+s3+$0x0], $0xffff  }
0x7c: {  	v19 =	vadd.s32 $0x100, v23;
	[tilespmem:s28+$0x800] =	vst v26;
	v30 =	vld.idx.msk [tilespmem:v13+s3+$0x0], $0xffff  }
0x7d: {  	[tilespmem:s28+$0xFFFFE810] =	vst v17;
	v26 =	vadd.s32 $0x200, v11;
	v31 =	vld.idx.msk [tilespmem:v9+s3+$0x0], $0xffff  }
0x7e: {  	[tilespmem:s28+$0xFFFFF060] =	vst v25;
	v9 =	vadd.s32 $0x100, v21;
	v17 =	vld.idx.msk [tilespmem:v20+s3+$0x0], $0xffff  }
0x7f: {  	[tilespmem:s28+$0xFFFFE830] =	vst v3;
	v20 =	vadd.s32 $0x100, v5;
	v3 =	vand.u32 $0xFFFFFF80, v13;
	v27 =	vld.idx.msk [tilespmem:v27+s3+$0x0], $0xffff  }
0x80: {  	v13 =	vadd.s32 $0x180, v15;
	[tilespmem:s28+$0xFFFFE820] =	vst v18;
	v3 =	vor.u32 v29, v3;
	v18 =	vld.idx.msk [tilespmem:v28+s3+$0x0], $0xffff  }
0x81: {  	v19 =	vld.idx.msk [tilespmem:v19+s3+$0x0], $0xffff;
	[tilespmem:s28+$0xFFFFF870] =	vst v16;
	v16 =	vadd.s32 $0x80, v3  }
0x82: {  	v25 =	vadd.s32 $0x180, v22;
	[tilespmem:s28+$0xFFFFE840] =	vst v24;
	v24 =	vld.idx.msk [tilespmem:v26+s3+$0x0], $0xffff  }
0x83: {  	[tilespmem:s29+$0xFFFFE850] =	vst v14;
	v14 =	vadd.s32 $0x180, v23;
	v9 =	vld.idx.msk [tilespmem:v9+s3+$0x0], $0xffff  }
0x84: {  	v26 =	vadd.s32 $0x200, v12;
	v20 =	vld.idx.msk [tilespmem:v20+s3+$0x0], $0xffff;
	[tilespmem:s28+$0xFFFFF010] =	vst v17  }
0x85: {  	v17 =	vadd.s32 $0x180, v21;
	[tilespmem:s29+$0xFFFFE000] =	vst v30;
	v13 =	vld.idx.msk [tilespmem:v13+s3+$0x0], $0xffff  }
0x86: {  	[tilespmem:s28+$0xFFFFF030] =	vst v18;
	v18 =	vadd.s32 $0x180, v5;
	v16 =	vld.idx.msk [tilespmem:v16+s3+$0x0], $0xffff  }
0x87: {  	[tilespmem:s28+$0xFFFFF020] =	vst v19;
	v19 =	vadd.s32 $0x280, v11;
	v25 =	vld.idx.msk [tilespmem:v25+s3+$0x0], $0xffff  }
0x88: {  	[tilespmem:s28+$0xFFFFF860] =	vst v27;
	v27 =	vadd.s32 $0x200, v15;
	v28 =	vld.idx.msk [tilespmem:v14+s3+$0x0], $0xffff  }
0x89: {  	v29 =	vadd.s32 $0x200, v22;
	v26 =	vld.idx.msk [tilespmem:v26+s3+$0x0], $0xffff;
	[tilespmem:s28+$0xFFFFF040] =	vst v9  }
0x8a: {  	v30 =	vadd.s32 $0x200, v23;
	[tilespmem:s29+$0xFFFFF050] =	vst v20;
	v59 =	vld.idx.msk [tilespmem:v17+s3+$0x0], $0xffff  }
0x8b: {  	v38 =	vadd.s32 $0x300, v11;
	v42 =	vadd.s32 $0x300, v12;
	[tilespmem:s28+$0x70] =	vst v24;
	v24 =	vadd.s32 $0x380, v10;
	v34 =	vld.idx.msk [tilespmem:v18+s3+$0x0], $0xffff  }
0x8c: {  	v39 =	vadd.s32 $0x280, v15;
	v61 =	vshra.s32 v7, $0x1F;
	[tilespmem:s28+$0xFFFFF810] =	vst v13;
	v18 =	vadd.s32 $0x280, v12;
	v35 =	vld.idx.msk [tilespmem:v19+s3+$0x0], $0xffff  }
0x8d: {  	vm3 =	vlt.s32 v7, $0x1;
	v36 =	vadd.s32 $0x280, v22;
	v60 =	vadd.s32 $0x200, v21;
	[tilespmem:s28+$0xFFFFF830] =	vst v25;
	v25 =	vld.idx.msk [tilespmem:v27+s3+$0x0], $0xffff  }
0x8e: {  	vm1 =	vlt.s32 v8, $0x1;
	vm0 =	vlt.s32 v1, $0x1;
	v40 =	vadd.s32 $0x280, v21;
	[tilespmem:s28+$0xFFFFF820] =	vst v28;
	v37 =	vld.idx.msk [tilespmem:v29+s3+$0x0], $0xffff  }
0x8f: {  	v43 =	vadd.s32 $0x200, v5;
	[tilespmem:s28+$0x1000] =	vst v31;
	v14 =	vadd.s32 $0x380, v11;
	v11 =	vadd.s32 $0x300, v5;
	v30 =	vld.idx.msk [tilespmem:v30+s3+$0x0], $0xffff  }
0x90: {  	v10 =	vadd.s32 $0x380, v21;
	v9 =	vadd.s32 $0x300, v21;
	v20 =	vadd.s32 $0x380, v12;
	[tilespmem:s28+$0x60] =	vst v26;
	v28 =	vld.idx.msk [tilespmem:v24+s3+$0x0], $0xffff  }
0x91: {  	v21 =	vadd.s32 $0x380, v22;
	v13 =	vshra.s32 v6, $0x1F;
	v17 =	vadd.s32 $0x380, v23;
	[tilespmem:s28+$0xFFFFF840] =	vst v59;
	v41 =	vld.idx.msk [tilespmem:v18+s3+$0x0], $0xffff  }
0x92: {  	v27 =	vadd.s32 $0x280, v23;
	v24 =	vadd.s32 $0x300, v23;
	v23 =	vshra.s32 v8, $0x1F;
	v31 =	vld.idx.msk [tilespmem:v60+s3+$0x0], $0xffff;
	[tilespmem:s28+$0x870] =	vst v35  }
0x93: {  	v19 =	vadd.s32 $0x380, v15;
	v12 =	vadd.s32 $0x200, v3;
	v23 =	vshrl.u32 v23, $0x19;
	[tilespmem:s29+$0xFFFFF850] =	vst v34;
	v38 =	vld.idx.msk [tilespmem:v38+s3+$0x0], $0xffff  }
0x94: {  	v29 =	vadd.s32 $0x300, v22;
	v22 =	vand.u32 $0x7F, v7;
	v62 =	vadd.s32 v23, v8;
	[tilespmem:s28+$0x10] =	vst v25;
	v23 =	vld.idx.msk [tilespmem:v43+s3+$0x0], $0xffff  }
0x95: {  	v26 =	vadd.s32 $0x300, v15;
	v15 =	vand.u32 $0x7F, v8;
	vm15 =	vne.s32 v22, $0x0;
	v25 =	vld.idx.msk [tilespmem:v39+s3+$0x0], $0xffff;
	[tilespmem:s28+$0x30] =	vst v37  }
0x96: {  	vm2 =	vne.s32 v15, $0x0;
	vm3 =	vmand vm3, vm15;
	[tilespmem:s28+$0x20] =	vst v30;
	v30 =	vshrl.u32 v61, $0x19;
	v32 =	vld.idx.msk [tilespmem:v36+s3+$0x0], $0xffff  }
0x97: {  	vm1 =	vmand vm1, vm2;
	v18 =	vadd.s32 $0x280, v5;
	v33 =	vld.idx.msk [tilespmem:v27+s3+$0x0], $0xffff;
	v27 =	vadd.s32 v30, v7;
	[tilespmem:s28+$0x40] =	vst v31  }
0x98: {  	s0 =	sshll.u32 s25, $0x1;
	v63 =	vsel vm3, $0xFFFFFFFF, v0;
	v35 =	vsel vm1, $0xFFFFFFFF, v0;
	v27 =	vshrl.u32 v27, $0x7;
	[tilespmem:s28+$0x860] =	vst v41;
	v31 =	vld.idx.msk [tilespmem:v40+s3+$0x0], $0xffff  }
0x99: {  	s30 =	simm.s32 $0x8;
	s31 =	simm.s32 $0x10140;
	s26 =	sadd.s32 s5, s0;
	v37 =	vshrl.u32 v62, $0x7;
	v30 =	vadd.s32 $0x100, v3;
	v36 =	vadd.s32 v63, v27;
	v34 =	vld.idx.msk [tilespmem:v42+s3+$0x0], $0xffff;
	[tilespmem:s28+$0x1070] =	vst v38  }
.LBB2_3:
0x9a: {  	v27 =	vld [tilespmem:s31+$0x10];
	s30 =	sadd.s32 $0x8, s30;
	vm1 =	vlt.s32 v4, $0x1;
	v36 =	vmul.u32 $0x380, v36;
	v35 =	vadd.s32 v35, v37;
	[tilespmem:s28+$0x810] =	vst v25  }
0x9b: {  	v37 =	vshra.s32 v4, $0x1F;
	v25 =	vand.u32 $0x7F, v4;
	p1 =	slt.u32 s30, $0x78;
	v35 =	vmul.u32 $0x380, v35;
	v38 =	vld.idx.msk [tilespmem:v26+s3+$0x0], $0xffff;
	[tilespmem:s28+$0x830] =	vst v32  }
0x9c: {  	vm2 =	vlt.s32 v2, $0x1;
	v32 =	vshra.s32 v2, $0x1F;
	v26 =	vand.u32 $0x7F, v2;
	[tilespmem:s28+$0x820] =	vst v33;
	v29 =	vld.idx.msk [tilespmem:v29+s3+$0x0], $0xffff  }
0x9d: {  	v32 =	vshrl.u32 v32, $0x19;
	vm3 =	vne.s32 v26, $0x0;
	v8 =	vadd.s32 v8, v35;
	[tilespmem:s28+$0x1800] =	vst v28;
	v28 =	vld.idx.msk [tilespmem:v24+s3+$0x0], $0xffff  }
0x9e: {  	v24 =	vand.u32 $0x7F, v6;
	vm3 =	vmand vm2, vm3;
	v33 =	vld [tilespmem:s31+$0xFFFFFFD0];
	v35 =	vand.u32 $0xFFFFFF80, v8;
	[tilespmem:s28+$0x840] =	vst v31  }
0x9f: {  	vm2 =	vlt.s32 v6, $0x1;
	v31 =	vshra.s32 v1, $0x1F;
	v39 =	vsel vm3, $0xFFFFFFFF, v0;
	v9 =	vld.idx.msk [tilespmem:v9+s3+$0x0], $0xffff;
	[tilespmem:s28+$0x1060] =	vst v34  }
0xa0: {  	v7 =	vadd.s32 v7, v36;
	vm3 =	vne.s32 v25, $0x0;
	v15 =	vor.u32 v15, v35;
	[tilespmem:s29+$0xFFFFE800] =	vst v16;
	v16 =	vld.idx.msk [tilespmem:v20+s3+$0x0], $0xffff  }
0xa1: {  	v32 =	vadd.s32 v32, v2;
	v31 =	vshrl.u32 v31, $0x19;
	v20 =	vld.idx.msk [tilespmem:v30+s3+$0x0], $0xffff;
	v30 =	vadd.s32 $0x180, v3;
	[tilespmem:s28+$0x1010] =	vst v38  }
0xa2: {  	v34 =	vshra.s32 v27, $0x1F;
	vm4 =	vlt.s32 v27, $0x1;
	v35 =	vand.u32 $0x7F, v27;
	v19 =	vld.idx.msk [tilespmem:v19+s3+$0x0], $0xffff;
	[tilespmem:s28+$0x1030] =	vst v29  }
0xa3: {  	vm5 =	vne.s32 v35, $0x0;
	v29 =	vshrl.u32 v34, $0x19;
	v34 =	vand.u32 $0xFFFFFF80, v7;
	[tilespmem:s28+$0x1020] =	vst v28;
	v21 =	vld.idx.msk [tilespmem:v21+s3+$0x0], $0xffff  }
0xa4: {  	vm4 =	vmand vm4, vm5;
	v28 =	vadd.s32 v29, v27;
	v29 =	vand.u32 $0x7F, v1;
	v8 =	vld.idx.msk [tilespmem:v8+s3+$0x0], $0xffff  }
0xa5: {  	vm5 =	vne.s32 v24, $0x0;
	v28 =	vshrl.u32 v28, $0x7;
	[tilespmem:s29+$0x50] =	vst v23;
	v23 =	vadd.s32 $0x80, v15;
	v17 =	vld.idx.msk [tilespmem:v17+s3+$0x0], $0xffff  }
0xa6: {  	v36 =	vsel vm4, $0xFFFFFFFF, v0;
	vm4 =	vne.s32 v29, $0x0;
	v38 =	vld.idx.msk [tilespmem:v18+s3+$0x0], $0xffff;
	v18 =	vor.u32 v22, v34;
	[tilespmem:s28+$0x1860] =	vst v16  }
0xa7: {  	vm1 =	vmand vm1, vm3;
	vm2 =	vmand vm2, vm5;
	vm0 =	vmand vm0, vm4;
	[tilespmem:s29+$0xFFFFF000] =	vst v20;
	v14 =	vld.idx.msk [tilespmem:v14+s3+$0x0], $0xffff  }
0xa8: {  	v16 =	vadd.s32 v36, v28;
	v22 =	vadd.s32 v31, v1;
	v28 =	vsel vm0, $0xFFFFFFFF, v0;
	v20 =	vld.idx.msk [tilespmem:v30+s3+$0x0], $0xffff;
	[tilespmem:s28+$0x1810] =	vst v19  }
0xa9: {  	v13 =	vshrl.u32 v13, $0x19;
	v19 =	vshrl.u32 v22, $0x7;
	v22 =	vshrl.u32 v37, $0x19;
	v7 =	vld.idx.msk [tilespmem:v7+s3+$0x0], $0xffff;
	[tilespmem:s28+$0x1830] =	vst v21  }
0xaa: {  	v31 =	vsel vm1, $0xFFFFFFFF, v0;
	v30 =	vsel vm2, $0xFFFFFFFF, v0;
	v22 =	vadd.s32 v22, v4;
	v21 =	vld [tilespmem:s31+$0x0];
	[tilespmem:s29+$0xFFFFE070] =	vst v8  }
0xab: {  	v13 =	vadd.s32 v13, v6;
	v8 =	vadd.s32 v28, v19;
	v19 =	vshrl.u32 v32, $0x7;
	v28 =	vld.idx.msk [tilespmem:v23+s3+$0x0], $0xffff;
	[tilespmem:s28+$0x1040] =	vst v9  }
0xac: {  	v9 =	vmul.u32 $0x380, v16;
	v16 =	vshrl.u32 v22, $0x7;
	v22 =	vadd.s32 $0x80, v18;
	[tilespmem:s29+$0x850] =	vst v38;
	v10 =	vld.idx.msk [tilespmem:v10+s3+$0x0], $0xffff  }
0xad: {  	v5 =	vadd.s32 $0x380, v5;
	v13 =	vshrl.u32 v13, $0x7;
	v16 =	vadd.s32 v31, v16;
	v11 =	vld.idx.msk [tilespmem:v11+s3+$0x0], $0xffff;
	[tilespmem:s28+$0x1870] =	vst v14  }
0xae: {  	v14 =	vld [tilespmem:s31+$0xFFFFFFF0];
	[tilespmem:s29+$0xFFFFF800] =	vst v20;
	v20 =	vmul.u32 $0x380, v8;
	v8 =	vadd.s32 v30, v13;
	v13 =	vadd.s32 v39, v19  }
0xaf: {  	v16 =	vmul.u32 $0x380, v16;
	v30 =	vadd.s32 $0x100, v15;
	v19 =	vld.idx.msk [tilespmem:v12+s3+$0x0], $0xffff;
	v12 =	vmul.u32 $0x380, v8;
	[tilespmem:s29+$0xFFFFE060] =	vst v7  }
0xb0: {  	v27 =	vadd.s32 v27, v9;
	v13 =	vmul.u32 $0x380, v13;
	v8 =	vld [tilespmem:s31+$0x30];
	v9 =	vadd.s32 v1, v20;
	[tilespmem:s28+$0x1820] =	vst v17;
	v1 =	vmovc v33  }
0xb1: {  	v31 =	vadd.s32 $0x100, v18;
	v16 =	vadd.s32 v4, v16;
	v17 =	vand.u32 $0xFFFFFF80, v9;
	v20 =	vld.idx.msk [tilespmem:v22+s3+$0x0], $0xffff  }
0xb2: {  	v6 =	vadd.s32 v6, v12;
	v13 =	vadd.s32 v2, v13;
	v7 =	vld [tilespmem:s31+$0x20];
	v22 =	vor.u32 v29, v17;
	[tilespmem:s28+$0x1840] =	vst v10;
	s28 =	smov.u32 s29;
	s29 =	sadd.s32 $0x80, s29  }
0xb3: {  	v2 =	vmovc v21;
	v12 =	vand.u32 $0xFFFFFF80, v6;
	v17 =	vand.u32 $0xFFFFFF80, v16;
	v29 =	vand.u32 $0xFFFFFF80, v13;
	v10 =	vld [tilespmem:s31+$0xFFFFFFC0];
	[tilespmem:s28+$0x1050] =	vst v11;
	v4 =	vmovc v14  }
0xb4: {  	v24 =	vor.u32 v24, v12;
	v23 =	vor.u32 v25, v17;
	v12 =	vor.u32 v26, v29;
	v11 =	vld.idx.msk [tilespmem:v5+s3+$0x0], $0xffff  }
0xb5: {  	v5 =	vand.u32 $0xFFFFFF80, v27;
	[tilespmem:s28+$0x0] =	vst v19;
	v14 =	vld.idx.msk [tilespmem:v9+s3+$0x0], $0xffff;
	v9 =	vadd.s32 $0x300, v12  }
0xb6: {  	v5 =	vor.u32 v35, v5;
	v19 =	vadd.s32 $0x180, v15;
	v17 =	vld.idx.msk [tilespmem:v27+s3+$0x0], $0xffff  }
0xb7: {  	v21 =	vadd.s32 $0x280, v3;
	v25 =	vadd.s32 $0x80, v22;
	v13 =	vld.idx.msk [tilespmem:v13+s3+$0x0], $0xffff  }
0xb8: {  	v26 =	vshra.s32 v10, $0x1F;
	vm0 =	vlt.s32 v10, $0x1;
	v27 =	vand.u32 $0x7F, v10;
	v16 =	vld.idx.msk [tilespmem:v16+s3+$0x0], $0xffff  }
0xb9: {  	v32 =	vadd.s32 $0x80, v24;
	v26 =	vshrl.u32 v26, $0x19;
	vm1 =	vne.s32 v27, $0x0;
	v29 =	vld.idx.msk [tilespmem:v6+s3+$0x0], $0xffff;
	[tilespmem:s28+$0xFFFFE870] =	vst v28  }
0xba: {  	v6 =	vadd.s32 v26, v10;
	vm0 =	vmand vm0, vm1;
	v26 =	vadd.s32 $0x80, v23;
	[tilespmem:s28+$0xFFFFE860] =	vst v20;
	v20 =	vld.idx.msk [tilespmem:v30+s3+$0x0], $0xffff  }
0xbb: {  	v28 =	vshrl.u32 v6, $0x7;
	v30 =	vsel vm0, $0xFFFFFFFF, v0;
	v6 =	vld [tilespmem:s31+$0xFFFFFFE0];
	[tilespmem:s28+$0xFFFFE010] =	vst v14;
	v14 =	vadd.s32 $0x80, v12  }
0xbc: {  	v28 =	vadd.s32 v30, v28;
	v30 =	vadd.s32 $0x80, v5;
	v25 =	vld.idx.msk [tilespmem:v25+s3+$0x0], $0xffff;
	[tilespmem:s28+$0x1850] =	vst v11  }
0xbd: {  	v11 =	vmul.u32 $0x380, v28;
	[tilespmem:s29+$0xFFFFE050] =	vst v17;
	v17 =	vld.idx.msk [tilespmem:v31+s3+$0x0], $0xffff;
	v28 =	vadd.s32 $0x200, v15  }
0xbe: {  	v31 =	vadd.s32 $0x100, v22;
	v21 =	vld.idx.msk [tilespmem:v21+s3+$0x0], $0xffff;
	[tilespmem:s28+$0xFFFFE030] =	vst v16  }
0xbf: {  	v10 =	vadd.s32 v10, v11;
	v11 =	vadd.s32 $0x300, v3;
	[tilespmem:s28+$0xFFFFE020] =	vst v29;
	v16 =	vld.idx.msk [tilespmem:v26+s3+$0x0], $0xffff  }
0xc0: {  	v33 =	vadd.s32 $0x100, v23;
	v26 =	vand.u32 $0xFFFFFF80, v10;
	v29 =	vld.idx.msk [tilespmem:v32+s3+$0x0], $0xffff;
	v32 =	vadd.s32 $0x100, v24;
	[tilespmem:s28+$0xFFFFF070] =	vst v20  }
0xc1: {  	v20 =	vor.u32 v27, v26;
	v26 =	vld.idx.msk [tilespmem:v30+s3+$0x0], $0xffff;
	[tilespmem:s28+$0xFFFFE040] =	vst v13  }
0xc2: {  	v13 =	vadd.s32 $0x100, v12;
	[tilespmem:s28+$0xFFFFE810] =	vst v25;
	v25 =	vadd.s32 $0x200, v18;
	v19 =	vld.idx.msk [tilespmem:v19+s3+$0x0], $0xffff  }
0xc3: {  	v27 =	vadd.s32 $0x100, v5;
	v14 =	vld.idx.msk [tilespmem:v14+s3+$0x0], $0xffff;
	[tilespmem:s28+$0xFFFFF060] =	vst v17;
	v17 =	vadd.s32 $0x180, v18  }
0xc4: {  	v10 =	vld.idx.msk [tilespmem:v10+s3+$0x0], $0xffff;
	[tilespmem:s28+$0x800] =	vst v21  }
0xc5: {  	v21 =	vld.idx.msk [tilespmem:v11+s3+$0x0], $0xffff;
	v11 =	vadd.s32 $0x180, v22;
	[tilespmem:s28+$0xFFFFE830] =	vst v16  }
0xc6: {  	v16 =	vadd.s32 $0x80, v20;
	v30 =	vld.idx.msk [tilespmem:v31+s3+$0x0], $0xffff;
	[tilespmem:s28+$0xFFFFE820] =	vst v29  }
0xc7: {  	v31 =	vadd.s32 $0x180, v23;
	[tilespmem:s29+$0xFFFFE850] =	vst v26;
	v26 =	vadd.s32 $0x180, v24;
	v29 =	vld.idx.msk [tilespmem:v33+s3+$0x0], $0xffff  }
0xc8: {  	v32 =	vld.idx.msk [tilespmem:v32+s3+$0x0], $0xffff;
	[tilespmem:s28+$0xFFFFF870] =	vst v19  }
0xc9: {  	[tilespmem:s28+$0xFFFFE840] =	vst v14;
	v14 =	vadd.s32 $0x180, v12;
	v17 =	vld.idx.msk [tilespmem:v17+s3+$0x0], $0xffff  }
0xca: {  	[tilespmem:s29+$0xFFFFE000] =	vst v10;
	v10 =	vadd.s32 $0x180, v5;
	v19 =	vld.idx.msk [tilespmem:v28+s3+$0x0], $0xffff  }
0xcb: {  	v13 =	vld.idx.msk [tilespmem:v13+s3+$0x0], $0xffff  }
0xcc: {  	v27 =	vld.idx.msk [tilespmem:v27+s3+$0x0], $0xffff;
	[tilespmem:s28+$0xFFFFF010] =	vst v30  }
0xcd: {  	v11 =	vld.idx.msk [tilespmem:v11+s3+$0x0], $0xffff;
	[tilespmem:s28+$0xFFFFF030] =	vst v29  }
0xce: {  	v28 =	vadd.s32 $0x200, v24;
	v30 =	vadd.s32 $0x200, v23;
	[tilespmem:s28+$0xFFFFF020] =	vst v32;
	v29 =	vld.idx.msk [tilespmem:v31+s3+$0x0], $0xffff  }
0xcf: {  	v16 =	vld.idx.msk [tilespmem:v16+s3+$0x0], $0xffff;
	[tilespmem:s28+$0xFFFFF860] =	vst v17;
	v17 =	vadd.s32 $0x280, v15  }
0xd0: {  	v31 =	vadd.s32 $0x200, v22;
	v32 =	vadd.s32 $0x200, v12;
	v26 =	vld.idx.msk [tilespmem:v26+s3+$0x0], $0xffff;
	[tilespmem:s28+$0x70] =	vst v19  }
0xd1: {  	[tilespmem:s28+$0xFFFFF040] =	vst v13;
	v19 =	vld.idx.msk [tilespmem:v25+s3+$0x0], $0xffff  }
0xd2: {  	[tilespmem:s29+$0xFFFFF050] =	vst v27;
	v25 =	vld.idx.msk [tilespmem:v14+s3+$0x0], $0xffff  }
0xd3: {  	v33 =	vadd.s32 $0x280, v18;
	v27 =	vld.idx.msk [tilespmem:v10+s3+$0x0], $0xffff;
	[tilespmem:s28+$0xFFFFF810] =	vst v11  }
0xd4: {  	v34 =	vadd.s32 $0x380, v3;
	vm0 =	vlt.s32 v1, $0x1;
	v3 =	vmovc v20;
	v13 =	vshra.s32 v6, $0x1F;
	[tilespmem:s28+$0xFFFFF830] =	vst v29;
	v29 =	vld.idx.msk [tilespmem:v17+s3+$0x0], $0xffff  }
0xd5: {  	v36 =	vadd.s32 $0x280, v23;
	v35 =	vadd.s32 $0x280, v24;
	v14 =	vadd.s32 $0x380, v15;
	v31 =	vld.idx.msk [tilespmem:v31+s3+$0x0], $0xffff  }
0xd6: {  	v37 =	vadd.s32 $0x300, v15;
	v20 =	vadd.s32 $0x380, v18;
	v10 =	vadd.s32 $0x380, v12;
	[tilespmem:s28+$0xFFFFF820] =	vst v26;
	v30 =	vld.idx.msk [tilespmem:v30+s3+$0x0], $0xffff  }
0xd7: {  	v38 =	vadd.s32 $0x280, v22;
	v40 =	vadd.s32 $0x280, v12;
	v11 =	vadd.s32 $0x300, v5;
	v39 =	vld.idx.msk [tilespmem:v28+s3+$0x0], $0xffff;
	[tilespmem:s28+$0x60] =	vst v19  }
0xd8: {  	v42 =	vadd.s32 $0x300, v18;
	v17 =	vadd.s32 $0x380, v24;
	v19 =	vadd.s32 $0x380, v22;
	[tilespmem:s28+$0xFFFFF840] =	vst v25;
	v41 =	vld.idx.msk [tilespmem:v33+s3+$0x0], $0xffff  }
0xd9: {  	v43 =	vadd.s32 $0x200, v5;
	v18 =	vadd.s32 $0x280, v5;
	[tilespmem:s28+$0x1000] =	vst v21;
	v21 =	vadd.s32 $0x380, v23;
	v44 =	vld.idx.msk [tilespmem:v32+s3+$0x0], $0xffff  }
0xda: {  	v12 =	vadd.s32 $0x200, v3;
	v24 =	vadd.s32 $0x300, v24;
	v26 =	vadd.s32 $0x300, v22;
	v28 =	vld.idx.msk [tilespmem:v34+s3+$0x0], $0xffff;
	[tilespmem:s28+$0x870] =	vst v29  }
0xdb: {  	v15 =	vand.u32 $0x7F, v8;
	v22 =	vshra.s32 v8, $0x1F;
	v29 =	vadd.s32 $0x300, v23;
	[tilespmem:s28+$0x10] =	vst v31;
	v45 =	vld.idx.msk [tilespmem:v37+s3+$0x0], $0xffff  }
0xdc: {  	vm1 =	vlt.s32 v8, $0x1;
	vm2 =	vne.s32 v15, $0x0;
	v23 =	vshrl.u32 v22, $0x19;
	v25 =	vld.idx.msk [tilespmem:v38+s3+$0x0], $0xffff;
	[tilespmem:s28+$0x30] =	vst v30  }
.Ltmp0:
0xdd: {  	vm3 =	vlt.s32 v7, $0x1;
	v22 =	vand.u32 $0x7F, v7;
	v30 =	vshra.s32 v7, $0x1F;
	[tilespmem:s28+$0x20] =	vst v39;
	v32 =	vld.idx.msk [tilespmem:v36+s3+$0x0], $0xffff;
	(pc) =	sbr.rel @p1 .LBB2_3-.Ltmp0, $4  }
0xde: {  	vm4 =	vne.s32 v22, $0x0;
	v34 =	vadd.s32 v23, v8;
	[tilespmem:s29+$0xFFFFF850] =	vst v27;
	v27 =	vshrl.u32 v30, $0x19;
	v33 =	vld.idx.msk [tilespmem:v35+s3+$0x0], $0xffff  }
0xdf: {  	vm1 =	vmand vm1, vm2;
	vm3 =	vmand vm3, vm4;
	v23 =	vld.idx.msk [tilespmem:v43+s3+$0x0], $0xffff;
	v27 =	vadd.s32 v27, v7;
	[tilespmem:s28+$0x40] =	vst v44  }
0xe0: {  	v36 =	vsel vm3, $0xFFFFFFFF, v0;
	v35 =	vsel vm1, $0xFFFFFFFF, v0;
	v27 =	vshrl.u32 v27, $0x7;
	v31 =	vld.idx.msk [tilespmem:v40+s3+$0x0], $0xffff;
	[tilespmem:s28+$0x860] =	vst v41  }
0xe1: {  	s31 =	sadd.s32 $0x80, s31;
	v37 =	vshrl.u32 v34, $0x7;
	v30 =	vadd.s32 $0x100, v3;
	v36 =	vadd.s32 v36, v27;
	v34 =	vld.idx.msk [tilespmem:v42+s3+$0x0], $0xffff;
	[tilespmem:s28+$0x1070] =	vst v45  }
0xe2: {  	_ = 	snop  }
0xe3: {  	[tilespmem:s28+$0x810] =	vst v25  }
0xe4: {  	[tilespmem:s28+$0x830] =	vst v32  }
0xe5: {  	vm1 =	vlt.s32 v4, $0x1;
	v25 =	vmul.u32 $0x380, v36;
	v27 =	vadd.s32 v35, v37;
	[tilespmem:s28+$0x1800] =	vst v28  }
0xe6: {  	v54 =	vshra.s32 v4, $0x1F;
	v55 =	vand.u32 $0x7F, v4;
	v56 =	vshra.s32 v2, $0x1F;
	[tilespmem:s29+$0xFFFFE800] =	vst v16;
	v26 =	vld.idx.msk [tilespmem:v26+s3+$0x0], $0xffff  }
0xe7: {  	vm2 =	vlt.s32 v2, $0x1;
	v57 =	vand.u32 $0x7F, v2;
	v27 =	vmul.u32 $0x380, v27;
	[tilespmem:s28+$0x820] =	vst v33;
	v29 =	vld.idx.msk [tilespmem:v29+s3+$0x0], $0xffff  }
0xe8: {  	v58 =	vshra.s32 v1, $0x1F;
	vm8 =	vlt.s32 v6, $0x1;
	v13 =	vshrl.u32 v13, $0x19;
	v24 =	vld.idx.msk [tilespmem:v24+s3+$0x0], $0xffff;
	[tilespmem:s29+$0x50] =	vst v23  }
0xe9: {  	v5 =	vadd.s32 $0x380, v5;
	v28 =	vshrl.u32 v56, $0x19;
	v8 =	vadd.s32 v8, v27;
	v18 =	vld.idx.msk [tilespmem:v18+s3+$0x0], $0xffff;
	[tilespmem:s28+$0x1060] =	vst v34  }
0xea: {  	vm3 =	vne.s32 v57, $0x0;
	v13 =	vadd.s32 v13, v6;
	[tilespmem:s28+$0x840] =	vst v31;
	v31 =	vand.u32 $0xFFFFFF80, v8;
	v16 =	vld.idx.msk [tilespmem:v20+s3+$0x0], $0xffff  }
0xeb: {  	vm9 =	vne.s32 v55, $0x0;
	v20 =	vadd.s32 v7, v25;
	v7 =	vor.u32 v15, v31;
	v15 =	vld.idx.msk [tilespmem:v30+s3+$0x0], $0xffff;
	[tilespmem:s28+$0x1010] =	vst v26  }
0xec: {  	vm2 =	vmand vm2, vm3;
	v27 =	vand.u32 $0x7F, v6;
	v25 =	vadd.s32 $0x180, v3;
	[tilespmem:s28+$0x1030] =	vst v29;
	v19 =	vld.idx.msk [tilespmem:v19+s3+$0x0], $0xffff  }
0xed: {  	v28 =	vadd.s32 v28, v2;
	vm1 =	vmand vm1, vm9;
	vm4 =	vne.s32 v27, $0x0;
	v9 =	vld.idx.msk [tilespmem:v9+s3+$0x0], $0xffff;
	[tilespmem:s28+$0x1020] =	vst v24  }
0xee: {  	v13 =	vshrl.u32 v13, $0x7;
	v59 =	vsel vm2, $0xFFFFFFFF, v0;
	vm3 =	vmand vm8, vm4;
	v21 =	vld.idx.msk [tilespmem:v21+s3+$0x0], $0xffff;
	[tilespmem:s29+$0x850] =	vst v18  }
0xef: {  	v14 =	vld.idx.msk [tilespmem:v14+s3+$0x0], $0xffff;
	v26 =	vshrl.u32 v58, $0x19;
	v29 =	vand.u32 $0xFFFFFF80, v20;
	v24 =	vand.u32 $0x7F, v1;
	[tilespmem:s28+$0x1860] =	vst v16  }
0xf0: {  	v23 =	vadd.s32 $0x80, v7;
	v30 =	vld.idx.msk [tilespmem:v8+s3+$0x0], $0xffff;
	vm5 =	vne.s32 v24, $0x0;
	v8 =	vor.u32 v22, v29;
	[tilespmem:s29+$0xFFFFF000] =	vst v15  }
0xf1: {  	vm0 =	vmand vm0, vm5;
	v16 =	vadd.s32 v26, v1;
	v22 =	vld.idx.msk [tilespmem:v25+s3+$0x0], $0xffff;
	[tilespmem:s28+$0x1810] =	vst v19;
	v19 =	vshrl.u32 v54, $0x19  }
0xf2: {  	[tilespmem:s28+$0x1040] =	vst v9;
	v15 =	vsel vm0, $0xFFFFFFFF, v0;
	v16 =	vshrl.u32 v16, $0x7;
	v19 =	vadd.s32 v19, v4  }
0xf3: {  	v9 =	vld.idx.msk [tilespmem:v11+s3+$0x0], $0xffff;
	[tilespmem:s28+$0x1830] =	vst v21;
	v21 =	vsel vm1, $0xFFFFFFFF, v0;
	v15 =	vadd.s32 v15, v16;
	v19 =	vshrl.u32 v19, $0x7  }
0xf4: {  	v25 =	vsel vm3, $0xFFFFFFFF, v0;
	v16 =	vld.idx.msk [tilespmem:v20+s3+$0x0], $0xffff;
	v15 =	vmul.u32 $0x380, v15;
	v19 =	vadd.s32 v21, v19  }
0xf5: {  	[tilespmem:s28+$0x1870] =	vst v14;
	v17 =	vld.idx.msk [tilespmem:v17+s3+$0x0], $0xffff;
	v18 =	vadd.s32 $0x80, v8;
	v11 =	vadd.s32 v25, v13;
	v13 =	vmul.u32 $0x380, v19  }
0xf6: {  	v10 =	vld.idx.msk [tilespmem:v10+s3+$0x0], $0xffff;
	v11 =	vmul.u32 $0x380, v11;
	v1 =	vadd.s32 v1, v15;
	v15 =	vshrl.u32 v28, $0x7;
	[tilespmem:s29+$0xFFFFF800] =	vst v22  }
0xf7: {  	[tilespmem:s29+$0xFFFFE070] =	vst v30;
	v14 =	vadd.s32 v59, v15;
	v12 =	vld.idx.msk [tilespmem:v12+s3+$0x0], $0xffff;
	v4 =	vadd.s32 v4, v13  }
0xf8: {  	[tilespmem:s29+$0x1050] =	vst v9;
	v6 =	vadd.s32 v6, v11;
	v14 =	vmul.u32 $0x380, v14;
	v13 =	vld.idx.msk [tilespmem:v23+s3+$0x0], $0xffff  }
0xf9: {  	v11 =	vadd.s32 $0x100, v7;
	v5 =	vld.idx.msk [tilespmem:v5+s3+$0x0], $0xffff;
	[tilespmem:s29+$0xFFFFE060] =	vst v16  }
0xfa: {  	[tilespmem:s28+$0x1820] =	vst v17;
	v15 =	vand.u32 $0xFFFFFF80, v1;
	v16 =	vld.idx.msk [tilespmem:v18+s3+$0x0], $0xffff;
	v2 =	vadd.s32 v2, v14  }
0xfb: {  	[tilespmem:s28+$0x1840] =	vst v10;
	v15 =	vor.u32 v24, v15;
	v9 =	vand.u32 $0xFFFFFF80, v4;
	v14 =	vadd.s32 $0x100, v8;
	v1 =	vld.idx.msk [tilespmem:v1+s3+$0x0], $0xffff  }
0xfc: {  	v17 =	vand.u32 $0xFFFFFF80, v6;
	v10 =	vadd.s32 $0x80, v15;
	v9 =	vor.u32 v55, v9;
	[tilespmem:s29+$0x0] =	vst v12;
	v4 =	vld.idx.msk [tilespmem:v4+s3+$0x0], $0xffff  }
0xfd: {  	v6 =	vld.idx.msk [tilespmem:v6+s3+$0x0], $0xffff;
	v12 =	vor.u32 v27, v17;
	[tilespmem:s29+$0xFFFFE870] =	vst v13;
	v13 =	vadd.s32 $0x80, v9  }
0xfe: {  	[tilespmem:s29+$0x1850] =	vst v5;
	v17 =	vand.u32 $0xFFFFFF80, v2;
	v18 =	vadd.s32 $0x80, v12;
	v11 =	vld.idx.msk [tilespmem:v11+s3+$0x0], $0xffff  }
0xff: {  	[tilespmem:s29+$0xFFFFE860] =	vst v16;
	v16 =	vor.u32 v57, v17;
	v17 =	vadd.s32 $0x280, v3;
	v2 =	vld.idx.msk [tilespmem:v2+s3+$0x0], $0xffff  }
0x100: {  	v14 =	vld.idx.msk [tilespmem:v14+s3+$0x0], $0xffff;
	[tilespmem:s29+$0xFFFFE010] =	vst v1;
	v1 =	vadd.s32 $0x80, v16  }
0x101: {  	v5 =	vadd.s32 $0x180, v7;
	v10 =	vld.idx.msk [tilespmem:v10+s3+$0x0], $0xffff;
	[tilespmem:s29+$0xFFFFE030] =	vst v4  }
0x102: {  	[tilespmem:s29+$0xFFFFE020] =	vst v6;
	v4 =	vadd.s32 $0x100, v15;
	v6 =	vld.idx.msk [tilespmem:v13+s3+$0x0], $0xffff  }
0x103: {  	v13 =	vld.idx.msk [tilespmem:v18+s3+$0x0], $0xffff;
	v18 =	vadd.s32 $0x100, v9;
	[tilespmem:s29+$0xFFFFF070] =	vst v11  }
0x104: {  	v11 =	vld.idx.msk [tilespmem:v17+s3+$0x0], $0xffff;
	v17 =	vadd.s32 $0x100, v12;
	[tilespmem:s29+$0xFFFFE040] =	vst v2  }
0x105: {  	v2 =	vadd.s32 $0x180, v8;
	[tilespmem:s29+$0xFFFFF060] =	vst v14;
	v1 =	vld.idx.msk [tilespmem:v1+s3+$0x0], $0xffff  }
0x106: {  	v5 =	vld.idx.msk [tilespmem:v5+s3+$0x0], $0xffff;
	[tilespmem:s29+$0xFFFFE810] =	vst v10;
	v10 =	vadd.s32 $0x100, v16  }
0x107: {  	v14 =	vadd.s32 $0x200, v7;
	v4 =	vld.idx.msk [tilespmem:v4+s3+$0x0], $0xffff;
	[tilespmem:s29+$0xFFFFE830] =	vst v6  }
0x108: {  	v6 =	vadd.s32 $0x180, v15;
	[tilespmem:s29+$0xFFFFE820] =	vst v13;
	v13 =	vld.idx.msk [tilespmem:v18+s3+$0x0], $0xffff  }
0x109: {  	[tilespmem:s29+$0x800] =	vst v11;
	v11 =	vadd.s32 $0x180, v9;
	v17 =	vld.idx.msk [tilespmem:v17+s3+$0x0], $0xffff  }
0x10a: {  	v18 =	vadd.s32 $0x180, v12;
	[tilespmem:s29+$0xFFFFE840] =	vst v1;
	v1 =	vld.idx.msk [tilespmem:v2+s3+$0x0], $0xffff  }
0x10b: {  	v2 =	vadd.s32 $0x200, v8;
	[tilespmem:s29+$0xFFFFF870] =	vst v5;
	v5 =	vld.idx.msk [tilespmem:v10+s3+$0x0], $0xffff  }
0x10c: {  	v10 =	vadd.s32 $0x180, v16;
	v14 =	vld.idx.msk [tilespmem:v14+s3+$0x0], $0xffff;
	[tilespmem:s29+$0xFFFFF010] =	vst v4  }
0x10d: {  	v4 =	vadd.s32 $0x300, v3;
	v6 =	vld.idx.msk [tilespmem:v6+s3+$0x0], $0xffff;
	[tilespmem:s29+$0xFFFFF030] =	vst v13  }
0x10e: {  	[tilespmem:s29+$0xFFFFF020] =	vst v17;
	v13 =	vadd.s32 $0x200, v15;
	v11 =	vld.idx.msk [tilespmem:v11+s3+$0x0], $0xffff  }
0x10f: {  	v17 =	vadd.s32 $0x200, v9;
	[tilespmem:s29+$0xFFFFF860] =	vst v1;
	v1 =	vld.idx.msk [tilespmem:v18+s3+$0x0], $0xffff  }
0x110: {  	v18 =	vadd.s32 $0x280, v7;
	[tilespmem:s29+$0xFFFFF040] =	vst v5;
	v2 =	vld.idx.msk [tilespmem:v2+s3+$0x0], $0xffff  }
0x111: {  	v5 =	vadd.s32 $0x200, v12;
	[tilespmem:s29+$0x70] =	vst v14;
	v10 =	vld.idx.msk [tilespmem:v10+s3+$0x0], $0xffff  }
0x112: {  	v4 =	vld.idx.msk [tilespmem:v4+s3+$0x0], $0xffff;
	[tilespmem:s29+$0xFFFFF810] =	vst v6  }
0x113: {  	v14 =	vadd.s32 $0x200, v16;
	[tilespmem:s29+$0xFFFFF830] =	vst v11;
	v11 =	vld.idx.msk [tilespmem:v13+s3+$0x0], $0xffff  }
0x114: {  	v6 =	vadd.s32 $0x280, v8;
	[tilespmem:s29+$0xFFFFF820] =	vst v1;
	v1 =	vld.idx.msk [tilespmem:v17+s3+$0x0], $0xffff  }
0x115: {  	v13 =	vadd.s32 $0x280, v15;
	[tilespmem:s29+$0x60] =	vst v2;
	v17 =	vld.idx.msk [tilespmem:v18+s3+$0x0], $0xffff  }
0x116: {  	v18 =	vadd.s32 $0x280, v9;
	v5 =	vld.idx.msk [tilespmem:v5+s3+$0x0], $0xffff;
	[tilespmem:s29+$0xFFFFF840] =	vst v10  }
0x117: {  	v10 =	vadd.s32 $0x280, v12;
	[tilespmem:s29+$0x1000] =	vst v4  }
0x118: {  	v2 =	vadd.s32 $0x300, v7;
	v4 =	vld.idx.msk [tilespmem:v14+s3+$0x0], $0xffff;
	[tilespmem:s29+$0x10] =	vst v11  }
0x119: {  	v14 =	vadd.s32 $0x280, v16;
	v6 =	vld.idx.msk [tilespmem:v6+s3+$0x0], $0xffff;
	[tilespmem:s29+$0x30] =	vst v1  }
0x11a: {  	v11 =	vadd.s32 $0x300, v8;
	v13 =	vld.idx.msk [tilespmem:v13+s3+$0x0], $0xffff;
	[tilespmem:s29+$0x870] =	vst v17  }
0x11b: {  	v3 =	vadd.s32 $0x380, v3;
	[tilespmem:s29+$0x20] =	vst v5;
	v17 =	vld.idx.msk [tilespmem:v18+s3+$0x0], $0xffff  }
0x11c: {  	v1 =	vadd.s32 $0x300, v15;
	v5 =	vld.idx.msk [tilespmem:v10+s3+$0x0], $0xffff  }
0x11d: {  	v18 =	vadd.s32 $0x300, v9;
	v2 =	vld.idx.msk [tilespmem:v2+s3+$0x0], $0xffff;
	[tilespmem:s29+$0x40] =	vst v4  }
0x11e: {  	v4 =	vadd.s32 $0x300, v12;
	v10 =	vld.idx.msk [tilespmem:v14+s3+$0x0], $0xffff;
	[tilespmem:s29+$0x860] =	vst v6  }
0x11f: {  	v6 =	vadd.s32 $0x300, v16;
	v11 =	vld.idx.msk [tilespmem:v11+s3+$0x0], $0xffff;
	[tilespmem:s29+$0x810] =	vst v13  }
0x120: {  	v3 =	vld.idx.msk [tilespmem:v3+s3+$0x0], $0xffff;
	v8 =	vadd.s32 $0x380, v8;
	[tilespmem:s29+$0x830] =	vst v17  }
0x121: {  	v1 =	vld.idx.msk [tilespmem:v1+s3+$0x0], $0xffff;
	[tilespmem:s29+$0x820] =	vst v5;
	v5 =	vadd.s32 $0x380, v7  }
0x122: {  	v13 =	vadd.s32 $0x380, v15;
	[tilespmem:s29+$0x1070] =	vst v2;
	v2 =	vld.idx.msk [tilespmem:v18+s3+$0x0], $0xffff  }
0x123: {  	v9 =	vadd.s32 $0x380, v9;
	v4 =	vld.idx.msk [tilespmem:v4+s3+$0x0], $0xffff;
	[tilespmem:s29+$0x840] =	vst v10  }
0x124: {  	v7 =	vadd.s32 $0x380, v12;
	v6 =	vld.idx.msk [tilespmem:v6+s3+$0x0], $0xffff;
	[tilespmem:s29+$0x1060] =	vst v11  }
0x125: {  	[tilespmem:s29+$0x1800] =	vst v3;
	v10 =	vadd.s32 $0x380, v16;
	v8 =	vld.idx.msk [tilespmem:v8+s3+$0x0], $0xffff  }
0x126: {  	[tilespmem:s29+$0x1010] =	vst v1;
	v3 =	vld.idx.msk [tilespmem:v5+s3+$0x0], $0xffff  }
0x127: {  	v1 =	vld.idx.msk [tilespmem:v13+s3+$0x0], $0xffff;
	[tilespmem:s29+$0x1030] =	vst v2  }
0x128: {  	[tilespmem:s29+$0x1020] =	vst v4;
	v2 =	vld.idx.msk [tilespmem:v9+s3+$0x0], $0xffff  }
0x129: {  	v4 =	vld.idx.msk [tilespmem:v7+s3+$0x0], $0xffff;
	[tilespmem:s29+$0x1040] =	vst v6  }
0x12a: {  	v5 =	vld.idx.msk [tilespmem:v10+s3+$0x0], $0xffff;
	[tilespmem:s29+$0x1860] =	vst v8  }
0x12b: {  	[tilespmem:s29+$0x1870] =	vst v3  }
0x12c: {  	[tilespmem:s29+$0x1810] =	vst v1  }
0x12d: {  	p1 =	seq.s32 s25, $0x2F;
	[tilespmem:s29+$0x1830] =	vst v2  }
0x12e: {  	s28 =	sshll.u32 @!p1 s26, $0x8;
	[tilespmem:s29+$0x1820] =	vst v4  }
0x12f: {  	s30 =	simm.s32 @!p1 $0x10000;
	s28 =	sadd.s32 @!p1 s28, s9;
	[tilespmem:s29+$0x1840] =	vst v5;
	s29 =	simm.s32 @!p1 $0x0  }
0x130: {  	[tilespmem:s30], [sflag:$0x1] =	stream.linear.gather @!p1 [hbm4b:s28+s29], $0x800, $0x38;
	[tilespmem:$0x19000] =	vst v63  }
0x131: {  	s28 =	sand.u32 $0x3, s25  }
0x132: {  	p2 =	seq.s32 s26, $0x0;
	p3 =	sne.s32 s28, $0x0  }
0x133: {  	p2 =	por !p3, !p2  }
0x134: {  	s28 =	simm.s32 $0x1;
	p2 =	por !p2, !p2  }
0x135: {  	s29 =	sshrl.u32 s26, $0x3;
	s28 =	simm.s32 @!p2 $0x0  }
0x136: {  	s28 =	ssub.s32 s29, s28  }
0x137: {  	s29 =	sshll.u32 s25, $0xC;
	s28 =	sshll.u32 s28, $0x14  }
0x138: {  	s29 =	sand.u32 $0x3000, s29;
	s28 =	sor.u32 s10, s28  }
0x139: {  	s28 =	sor.u32 s29, s28  }
0x13a: {  	s28 =	sshrl.u32 s28, $0x3  }
0x13b: {  	s0 =	simm.s32 $0x11000;
	s29 =	sadd.s32 s2, s28  }
0x13c: {  	[hbm4b:s29+s3] =	stream.linear.scatter [tilespmem:s0], [sflag:$0x3], $0x800, $0x38;
	[tilespmem:$0x19000] =	vst v63  }
0x13d: {  	s29 =	sadd.s32 s28, s11;
	s0 =	simm.s32 $0x11800  }
0x13e: {  	[hbm4b:s29+s3] =	stream.linear.scatter [tilespmem:s0], [sflag:$0x3], $0x800, $0x38;
	[tilespmem:$0x19000] =	vst v63  }
0x13f: {  	s29 =	sadd.s32 s28, s12;
	s0 =	simm.s32 $0x12000  }
0x140: {  	[hbm4b:s29+s3] =	stream.linear.scatter [tilespmem:s0], [sflag:$0x3], $0x800, $0x38;
	[tilespmem:$0x19000] =	vst v63  }
0x141: {  	s29 =	sadd.s32 s28, s13;
	s0 =	simm.s32 $0x12800  }
0x142: {  	[hbm4b:s29+s3] =	stream.linear.scatter [tilespmem:s0], [sflag:$0x3], $0x800, $0x38;
	[tilespmem:$0x19000] =	vst v63  }
0x143: {  	s29 =	sadd.s32 s28, s14;
	s0 =	simm.s32 $0x13000  }
0x144: {  	[hbm4b:s29+s3] =	stream.linear.scatter [tilespmem:s0], [sflag:$0x3], $0x800, $0x38;
	[tilespmem:$0x19000] =	vst v63  }
0x145: {  	s29 =	sadd.s32 s28, s15;
	s0 =	simm.s32 $0x13800  }
0x146: {  	[hbm4b:s29+s3] =	stream.linear.scatter [tilespmem:s0], [sflag:$0x3], $0x800, $0x38;
	[tilespmem:$0x19000] =	vst v63  }
0x147: {  	s29 =	sadd.s32 s28, s16;
	s0 =	simm.s32 $0x14000  }
0x148: {  	[hbm4b:s29+s3] =	stream.linear.scatter [tilespmem:s0], [sflag:$0x3], $0x800, $0x38;
	[tilespmem:$0x19000] =	vst v63  }
0x149: {  	s28 =	sadd.s32 s28, s17;
	s0 =	simm.s32 $0x14800  }
0x14a: {  	[hbm4b:s28+s3] =	stream.linear.scatter [tilespmem:s0], [sflag:$0x3], $0x800, $0x38;
	[tilespmem:$0x19000] =	vst v63  }
0x14b: {  	_ =	swait.ge [sflag:s1], $0x800  }
0x14c: {  	[sflag:s1] =	ssyncset.done $0x0  }
0x14d: {  	s28 =	simm.s32 @!p0 $0x4;
	[sflag:s1] =	ssyncadd.s32 $0xFFFFF800  }
0x14e: {  	_ =	swait.ge @!p0 [sflag:s28], $0x800  }
0x14f: {  	[sflag:s28] =	ssyncset.done @!p0 $0x0  }
0x150: {  	[sflag:s28] =	ssyncadd.s32 @!p0 $0xFFFFF800  }
0x151: {  	_ =	swait.ge @!p0 [sflag:s28], $0x800  }
0x152: {  	[sflag:s28] =	ssyncset.done @!p0 $0x0  }
0x153: {  	[sflag:s28] =	ssyncadd.s32 @!p0 $0xFFFFF800  }
0x154: {  	_ =	swait.ge @!p0 [sflag:s28], $0x800  }
0x155: {  	[sflag:s28] =	ssyncset.done @!p0 $0x0  }
0x156: {  	[sflag:s28] =	ssyncadd.s32 @!p0 $0xFFFFF800  }
0x157: {  	_ =	swait.ge @!p0 [sflag:s28], $0x800  }
0x158: {  	[sflag:s28] =	ssyncset.done @!p0 $0x0  }
0x159: {  	[sflag:s28] =	ssyncadd.s32 @!p0 $0xFFFFF800  }
0x15a: {  	_ =	swait.ge @!p0 [sflag:s28], $0x800  }
0x15b: {  	[sflag:s28] =	ssyncset.done @!p0 $0x0  }
0x15c: {  	[sflag:s28] =	ssyncadd.s32 @!p0 $0xFFFFF800  }
0x15d: {  	_ =	swait.ge @!p0 [sflag:s28], $0x800  }
0x15e: {  	[sflag:s28] =	ssyncset.done @!p0 $0x0  }
0x15f: {  	[sflag:s28] =	ssyncadd.s32 @!p0 $0xFFFFF800  }
0x160: {  	_ =	swait.ge @!p0 [sflag:s28], $0x800  }
0x161: {  	[sflag:s28] =	ssyncset.done @!p0 $0x0  }
0x162: {  	[sflag:s28] =	ssyncadd.s32 @!p0 $0xFFFFF800  }
0x163: {  	_ =	swait.ge @!p0 [sflag:s28], $0x800  }
0x164: {  	[sflag:s28] =	ssyncset.done @!p0 $0x0  }
0x165: {  	[sflag:s28] =	ssyncadd.s32 @!p0 $0xFFFFF800;
	s28 =	simm.s32 $0x0  }
0x166: {  	v1 =	vld [tilespmem:s28+$0x10870]  }
0x167: {  	v2 =	vld [tilespmem:s28+$0x10800]  }
0x168: {  	v3 =	vld [tilespmem:s28+$0x10810]  }
0x169: {  	v4 =	vld [tilespmem:s28+$0x10820]  }
0x16a: {  	v5 =	vld [tilespmem:s28+$0x10830]  }
0x16b: {  	v8 =	vld [tilespmem:s28+$0x10840]  }
0x16c: {  	v9 =	vld [tilespmem:s28+$0x10850]  }
0x16d: {  	v11 =	vld [tilespmem:s28+$0x10860];
	v6 =	vshra.s32 v1, $0x1F  }
0x16e: {  	v7 =	vand.u32 $0x7F, v1;
	vm10 =	vlt.s32 v1, $0x1;
	v10 =	vshra.s32 v2, $0x1F  }
0x16f: {  	v12 =	vand.u32 $0x7F, v2;
	v14 =	vshra.s32 v3, $0x1F;
	v15 =	vand.u32 $0x7F, v3  }
0x170: {  	v16 =	vand.u32 $0x7F, v4;
	v17 =	vshra.s32 v5, $0x1F;
	v18 =	vand.u32 $0x7F, v5  }
0x171: {  	v19 =	vshra.s32 v8, $0x1F;
	v20 =	vand.u32 $0x7F, v8;
	v21 =	vshra.s32 v9, $0x1F  }
0x172: {  	v22 =	vshra.s32 v11, $0x1F;
	v23 =	vand.u32 $0x7F, v11;
	vm6 =	vlt.s32 v2, $0x1  }
0x173: {  	vm8 =	vlt.s32 v3, $0x1;
	vm9 =	vlt.s32 v4, $0x1;
	vm12 =	vlt.s32 v9, $0x1  }
0x174: {  	vm13 =	vlt.s32 v11, $0x1;
	v6 =	vshrl.u32 v6, $0x19;
	vm11 =	vne.s32 v7, $0x0  }
0x175: {  	v10 =	vshrl.u32 v10, $0x19;
	v14 =	vshrl.u32 v14, $0x19;
	vm1 =	vne.s32 v15, $0x0  }
0x176: {  	vm2 =	vne.s32 v16, $0x0;
	v6 =	vadd.s32 v6, v1;
	vm0 =	vmand vm10, vm11  }
0x177: {  	v17 =	vshrl.u32 v17, $0x19;
	v6 =	vshrl.u32 v6, $0x7;
	v13 =	vsel vm0, $0xFFFFFFFF, v0  }
0x178: {  	vm3 =	vne.s32 v18, $0x0;
	v19 =	vshrl.u32 v19, $0x19;
	v6 =	vadd.s32 v13, v6  }
0x179: {  	vm4 =	vne.s32 v20, $0x0;
	v21 =	vshrl.u32 v21, $0x19;
	v6 =	vmul.u32 $0x380, v6  }
0x17a: {  	v22 =	vshrl.u32 v22, $0x19;
	vm7 =	vne.s32 v23, $0x0;
	vm10 =	vlt.s32 v5, $0x1  }
0x17b: {  	vm11 =	vlt.s32 v8, $0x1;
	v10 =	vadd.s32 v10, v2;
	v1 =	vadd.s32 v1, v6  }
0x17c: {  	v14 =	vadd.s32 v14, v3;
	vm1 =	vmand vm8, vm1;
	vm2 =	vmand vm9, vm2  }
0x17d: {  	v17 =	vadd.s32 v17, v5;
	v19 =	vadd.s32 v19, v8;
	v21 =	vadd.s32 v21, v9  }
0x17e: {  	v22 =	vadd.s32 v22, v11;
	vm0 =	vne.s32 v12, $0x0;
	vm3 =	vmand vm10, vm3  }
0x17f: {  	vm4 =	vmand vm11, vm4;
	v10 =	vshrl.u32 v10, $0x7;
	v24 =	vand.u32 $0xFFFFFF80, v1  }
0x180: {  	v14 =	vshrl.u32 v14, $0x7;
	v26 =	vsel vm1, $0xFFFFFFFF, v0;
	v25 =	vld.idx.msk [tilespmem:v1+s3+$0x0], $0xffff;
	v1 =	vor.u32 v7, v24  }
0x181: {  	v27 =	vsel vm2, $0xFFFFFFFF, v0;
	v17 =	vshrl.u32 v17, $0x7;
	v7 =	vadd.s32 $0x80, v1  }
0x182: {  	v19 =	vshrl.u32 v19, $0x7;
	v21 =	vshrl.u32 v21, $0x7;
	v13 =	vshra.s32 v4, $0x1F  }
0x183: {  	vm0 =	vmand vm6, vm0;
	v28 =	vsel vm3, $0xFFFFFFFF, v0;
	v14 =	vadd.s32 v26, v14  }
0x184: {  	v13 =	vshrl.u32 v13, $0x19;
	v14 =	vmul.u32 $0x380, v14;
	v17 =	vadd.s32 v28, v17  }
0x185: {  	v13 =	vadd.s32 v13, v4;
	v17 =	vmul.u32 $0x380, v17;
	v6 =	vand.u32 $0x7F, v9;
	[tilespmem:s28+$0x15070] =	vst v25  }
0x186: {  	v13 =	vshrl.u32 v13, $0x7;
	v3 =	vadd.s32 v3, v14;
	vm5 =	vne.s32 v6, $0x0;
	v7 =	vld.idx.msk [tilespmem:v7+s3+$0x0], $0xffff  }
0x187: {  	v13 =	vadd.s32 v27, v13;
	vm5 =	vmand vm12, vm5;
	v25 =	vsel vm0, $0xFFFFFFFF, v0  }
0x188: {  	v13 =	vmul.u32 $0x380, v13;
	v24 =	vadd.s32 $0x100, v1;
	v10 =	vadd.s32 v25, v10  }
0x189: {  	v5 =	vadd.s32 v5, v17;
	v26 =	vsel vm5, $0xFFFFFFFF, v0;
	v10 =	vmul.u32 $0x380, v10  }
0x18a: {  	vm12 =	vmand vm13, vm7;
	v4 =	vadd.s32 v4, v13;
	v13 =	vadd.s32 v26, v21  }
0x18b: {  	v13 =	vmul.u32 $0x380, v13;
	v2 =	vadd.s32 v2, v10;
	[tilespmem:s28+$0x15870] =	vst v7;
	v7 =	vsel vm4, $0xFFFFFFFF, v0  }
0x18c: {  	v14 =	vsel vm12, $0xFFFFFFFF, v0;
	v10 =	vshrl.u32 v22, $0x7;
	v7 =	vadd.s32 v7, v19  }
0x18d: {  	v9 =	vadd.s32 v9, v13;
	v10 =	vadd.s32 v14, v10;
	v24 =	vld.idx.msk [tilespmem:v24+s3+$0x0], $0xffff;
	v7 =	vmul.u32 $0x380, v7  }
0x18e: {  	v13 =	vld.idx.msk [tilespmem:v3+s3+$0x0], $0xffff;
	v3 =	vand.u32 $0xFFFFFF80, v3;
	v25 =	vadd.s32 $0x180, v1;
	v10 =	vmul.u32 $0x380, v10  }
0x18f: {  	v3 =	vor.u32 v15, v3;
	v15 =	vld.idx.msk [tilespmem:v5+s3+$0x0], $0xffff;
	v7 =	vadd.s32 v8, v7  }
0x190: {  	v5 =	vand.u32 $0xFFFFFF80, v5;
	v10 =	vadd.s32 v11, v10;
	v8 =	vld.idx.msk [tilespmem:v2+s3+$0x0], $0xffff  }
0x191: {  	v5 =	vor.u32 v18, v5;
	v11 =	vld.idx.msk [tilespmem:v4+s3+$0x0], $0xffff;
	v4 =	vand.u32 $0xFFFFFF80, v4;
	v2 =	vand.u32 $0xFFFFFF80, v2  }
0x192: {  	v18 =	vld.idx.msk [tilespmem:v9+s3+$0x0], $0xffff;
	v4 =	vor.u32 v16, v4;
	v16 =	vadd.s32 $0x80, v3;
	v2 =	vor.u32 v12, v2;
	[tilespmem:s28+$0x16070] =	vst v24  }
0x193: {  	v9 =	vand.u32 $0xFFFFFF80, v9;
	v12 =	vadd.s32 $0x80, v2;
	v17 =	vld.idx.msk [tilespmem:v25+s3+$0x0], $0xffff  }
0x194: {  	[tilespmem:s28+$0x15010] =	vst v13;
	v6 =	vor.u32 v6, v9;
	v14 =	vadd.s32 $0x200, v1;
	v19 =	vld.idx.msk [tilespmem:v7+s3+$0x0], $0xffff;
	v7 =	vand.u32 $0xFFFFFF80, v7  }
0x195: {  	[tilespmem:s28+$0x15000] =	vst v8;
	v8 =	vld.idx.msk [tilespmem:v10+s3+$0x0], $0xffff;
	v10 =	vand.u32 $0xFFFFFF80, v10;
	v7 =	vor.u32 v20, v7;
	v20 =	vadd.s32 $0x80, v5  }
0x196: {  	[tilespmem:s28+$0x15030] =	vst v15;
	v13 =	vor.u32 v23, v10;
	v10 =	vadd.s32 $0x80, v6  }
0x197: {  	[tilespmem:s28+$0x15020] =	vst v11;
	v11 =	vld.idx.msk [tilespmem:v16+s3+$0x0], $0xffff;
	v9 =	vadd.s32 $0x80, v7  }
0x198: {  	v12 =	vld.idx.msk [tilespmem:v12+s3+$0x0], $0xffff;
	v16 =	vadd.s32 $0x80, v13;
	[tilespmem:s28+$0x16870] =	vst v17  }
0x199: {  	[tilespmem:s28+$0x15050] =	vst v18;
	v17 =	vadd.s32 $0x80, v4;
	v14 =	vld.idx.msk [tilespmem:v14+s3+$0x0], $0xffff  }
0x19a: {  	[tilespmem:s28+$0x15040] =	vst v19;
	v19 =	vld.idx.msk [tilespmem:v20+s3+$0x0], $0xffff  }
0x19b: {  	v21 =	vadd.s32 $0x280, v1;
	[tilespmem:s28+$0x15060] =	vst v8;
	v8 =	vld.idx.msk [tilespmem:v10+s3+$0x0], $0xffff  }
0x19c: {  	v10 =	vadd.s32 $0x100, v5;
	v9 =	vld.idx.msk [tilespmem:v9+s3+$0x0], $0xffff  }
0x19d: {  	[tilespmem:s28+$0x15800] =	vst v12;
	v12 =	vld.idx.msk [tilespmem:v16+s3+$0x0], $0xffff;
	v16 =	vadd.s32 $0x100, v7  }
0x19e: {  	s29 =	simm.s32 $0x80;
	v17 =	vld.idx.msk [tilespmem:v17+s3+$0x0], $0xffff;
	[tilespmem:s28+$0x17070] =	vst v14;
	v14 =	vadd.s32 $0x100, v2  }
0x19f: {  	v38 =	vld [tilespmem:s29+$0x10870];
	[tilespmem:s28+$0x15810] =	vst v11;
	v20 =	vadd.s32 $0x100, v4  }
0x1a0: {  	v15 =	vld.idx.msk [tilespmem:v21+s3+$0x0], $0xffff;
	v21 =	vadd.s32 $0x100, v3;
	[tilespmem:s28+$0x15830] =	vst v19  }
0x1a1: {  	v18 =	vadd.s32 $0x300, v1;
	[tilespmem:s28+$0x15840] =	vst v9;
	v9 =	vld.idx.msk [tilespmem:v10+s3+$0x0], $0xffff  }
0x1a2: {  	[tilespmem:s28+$0x15850] =	vst v8;
	v8 =	vld.idx.msk [tilespmem:v16+s3+$0x0], $0xffff  }
0x1a3: {  	[tilespmem:s28+$0x15820] =	vst v17;
	v11 =	vld.idx.msk [tilespmem:v14+s3+$0x0], $0xffff  }
0x1a4: {  	v14 =	vadd.s32 $0x100, v6;
	v19 =	vld.idx.msk [tilespmem:v20+s3+$0x0], $0xffff  }
0x1a5: {  	v21 =	vld.idx.msk [tilespmem:v21+s3+$0x0], $0xffff;
	[tilespmem:s28+$0x17870] =	vst v15  }
0x1a6: {  	v15 =	vadd.s32 $0x100, v13;
	v17 =	vld.idx.msk [tilespmem:v18+s3+$0x0], $0xffff  }
0x1a7: {  	v16 =	vadd.s32 $0x180, v4;
	[tilespmem:s28+$0x16030] =	vst v9;
	v9 =	vld [tilespmem:s29+$0x10800]  }
0x1a8: {  	v18 =	vadd.s32 $0x180, v2;
	[tilespmem:s28+$0x16040] =	vst v8;
	v8 =	vld [tilespmem:s29+$0x10820]  }
0x1a9: {  	v1 =	vadd.s32 $0x380, v1;
	v26 =	vadd.s32 $0x200, v4;
	v10 =	vadd.s32 $0x180, v3;
	[tilespmem:s28+$0x15860] =	vst v12;
	v12 =	vld.idx.msk [tilespmem:v14+s3+$0x0], $0xffff  }
0x1aa: {  	v63 =	vadd.s32 $0x280, v4;
	v43 =	vadd.s32 $0x300, v4;
	[tilespmem:s28+$0x16020] =	vst v19;
	v19 =	vadd.s32 $0x380, v4;
	v4 =	vld [tilespmem:s29+$0x10850]  }
0x1ab: {  	v14 =	vadd.s32 $0x180, v5;
	[tilespmem:s28+$0x16000] =	vst v11;
	v11 =	vld.idx.msk [tilespmem:v15+s3+$0x0], $0xffff  }
0x1ac: {  	v15 =	vadd.s32 $0x180, v7;
	v25 =	vld.idx.msk [tilespmem:v16+s3+$0x0], $0xffff  }
0x1ad: {  	v48 =	vand.u32 $0x7F, v38;
	[tilespmem:s28+$0x16010] =	vst v21;
	v18 =	vld.idx.msk [tilespmem:v18+s3+$0x0], $0xffff  }
0x1ae: {  	vm14 =	vne.s32 v48, $0x0;
	[tilespmem:s28+$0x18070] =	vst v17;
	v17 =	vadd.s32 $0x180, v6;
	v24 =	vld.idx.msk [tilespmem:v10+s3+$0x0], $0xffff  }
0x1af: {  	vm13 =	vlt.s32 v38, $0x1;
	v61 =	vadd.s32 $0x280, v3;
	v41 =	vadd.s32 $0x300, v3;
	v23 =	vld.idx.msk [tilespmem:v1+s3+$0x0], $0xffff  }
0x1b0: {  	v27 =	vadd.s32 $0x200, v5;
	v54 =	vadd.s32 $0x280, v5;
	v44 =	vadd.s32 $0x300, v5;
	v14 =	vld.idx.msk [tilespmem:v14+s3+$0x0], $0xffff  }
0x1b1: {  	vm0 =	vmand vm13, vm14;
	v31 =	vadd.s32 $0x200, v6;
	v1 =	vadd.s32 $0x180, v13;
	[tilespmem:s28+$0x16050] =	vst v12;
	v12 =	vld.idx.msk [tilespmem:v15+s3+$0x0], $0xffff  }
0x1b2: {  	v21 =	vadd.s32 $0x380, v3;
	v10 =	vadd.s32 $0x200, v2;
	v15 =	vadd.s32 $0x200, v3;
	[tilespmem:s28+$0x16060] =	vst v11;
	v3 =	vld [tilespmem:s29+$0x10840]  }
0x1b3: {  	v39 =	vadd.s32 $0x280, v6;
	v46 =	vadd.s32 $0x300, v6;
	v29 =	vadd.s32 $0x280, v2;
	[tilespmem:s28+$0x16820] =	vst v25;
	v11 =	vld.idx.msk [tilespmem:v17+s3+$0x0], $0xffff  }
0x1b4: {  	v40 =	vadd.s32 $0x300, v2;
	v22 =	vadd.s32 $0x380, v2;
	[tilespmem:s28+$0x16800] =	vst v18;
	v18 =	vadd.s32 $0x380, v5;
	v5 =	vld [tilespmem:s29+$0x10860]  }
0x1b5: {  	v28 =	vadd.s32 $0x200, v7;
	v60 =	vadd.s32 $0x200, v13;
	v2 =	vshra.s32 v38, $0x1F;
	v26 =	vld.idx.msk [tilespmem:v26+s3+$0x0], $0xffff  }
0x1b6: {  	v55 =	vadd.s32 $0x280, v7;
	v42 =	vadd.s32 $0x280, v13;
	v2 =	vshrl.u32 v2, $0x19;
	v30 =	vld.idx.msk [tilespmem:v1+s3+$0x0], $0xffff  }
0x1b7: {  	v45 =	vadd.s32 $0x300, v7;
	v47 =	vadd.s32 $0x300, v13;
	v2 =	vadd.s32 v2, v38;
	v62 =	vld.idx.msk [tilespmem:v10+s3+$0x0], $0xffff  }
0x1b8: {  	v16 =	vadd.s32 $0x380, v6;
	v6 =	vsel vm0, $0xFFFFFFFF, v0;
	v2 =	vshrl.u32 v2, $0x7;
	[tilespmem:s28+$0x16810] =	vst v24;
	v10 =	vld [tilespmem:s29+$0x10810]  }
0x1b9: {  	v20 =	vadd.s32 $0x380, v7;
	vm7 =	vlt.s32 v9, $0x1;
	v2 =	vadd.s32 v6, v2;
	v1 =	vld [tilespmem:s29+$0x10830];
	[tilespmem:s28+$0x18870] =	vst v23  }
0x1ba: {  	v50 =	vshra.s32 v8, $0x1F;
	vm9 =	vlt.s32 v8, $0x1;
	v2 =	vmul.u32 $0x380, v2;
	[tilespmem:s28+$0x16830] =	vst v14;
	v24 =	vld.idx.msk [tilespmem:v15+s3+$0x0], $0xffff  }
0x1bb: {  	v57 =	vshra.s32 v4, $0x1F;
	v7 =	vand.u32 $0x7F, v4;
	vm12 =	vlt.s32 v4, $0x1;
	[tilespmem:s28+$0x16840] =	vst v12;
	v27 =	vld.idx.msk [tilespmem:v27+s3+$0x0], $0xffff  }
0x1bc: {  	v25 =	vshra.s32 v9, $0x1F;
	v58 =	vshrl.u32 v57, $0x19;
	v2 =	vadd.s32 v38, v2;
	[tilespmem:s28+$0x16850] =	vst v11;
	v28 =	vld.idx.msk [tilespmem:v28+s3+$0x0], $0xffff  }
0x1bd: {  	vm5 =	vne.s32 v7, $0x0;
	v17 =	vadd.s32 $0x380, v13;
	v13 =	vand.u32 $0x7F, v8;
	[tilespmem:s28+$0x17020] =	vst v26;
	v31 =	vld.idx.msk [tilespmem:v31+s3+$0x0], $0xffff  }
0x1be: {  	v25 =	vshrl.u32 v25, $0x19;
	v35 =	vadd.s32 v58, v4;
	vm5 =	vmand vm12, vm5;
	[tilespmem:s28+$0x16860] =	vst v30;
	v26 =	vld.idx.msk [tilespmem:v63+s3+$0x0], $0xffff  }
0x1bf: {  	v23 =	vshrl.u32 v50, $0x19;
	vm2 =	vne.s32 v13, $0x0;
	v25 =	vadd.s32 v25, v9;
	[tilespmem:s28+$0x17000] =	vst v62;
	v32 =	vld.idx.msk [tilespmem:v60+s3+$0x0], $0xffff  }
0x1c0: {  	v35 =	vshrl.u32 v35, $0x7;
	v23 =	vadd.s32 v23, v8;
	vm2 =	vmand vm9, vm2;
	[tilespmem:s28+$0x17010] =	vst v24;
	v24 =	vld.idx.msk [tilespmem:v29+s3+$0x0], $0xffff  }
0x1c1: {  	v25 =	vshrl.u32 v25, $0x7;
	v14 =	vand.u32 $0x7F, v9;
	v23 =	vshrl.u32 v23, $0x7;
	[tilespmem:s28+$0x17030] =	vst v27;
	v27 =	vld.idx.msk [tilespmem:v2+s3+$0x0], $0xffff  }
0x1c2: {  	v56 =	vshra.s32 v3, $0x1F;
	v12 =	vand.u32 $0x7F, v3;
	vm0 =	vne.s32 v14, $0x0;
	v33 =	vld.idx.msk [tilespmem:v61+s3+$0x0], $0xffff;
	[tilespmem:s28+$0x17040] =	vst v28  }
0x1c3: {  	vm11 =	vlt.s32 v3, $0x1;
	v51 =	vshra.s32 v5, $0x1F;
	v2 =	vand.u32 $0xFFFFFF80, v2;
	v28 =	vld.idx.msk [tilespmem:v54+s3+$0x0], $0xffff;
	[tilespmem:s28+$0x17050] =	vst v31  }
0x1c4: {  	v6 =	vand.u32 $0x7F, v5;
	v34 =	vshrl.u32 v56, $0x19;
	v2 =	vor.u32 v48, v2;
	v59 =	vld.idx.msk [tilespmem:v55+s3+$0x0], $0xffff;
	[tilespmem:s28+$0x17820] =	vst v26  }
0x1c5: {  	vm4 =	vne.s32 v12, $0x0;
	vm13 =	vlt.s32 v5, $0x1;
	v31 =	vadd.s32 $0x80, v2;
	[tilespmem:s28+$0x17060] =	vst v32;
	v61 =	vld.idx.msk [tilespmem:v39+s3+$0x0], $0xffff  }
0x1c6: {  	vm7 =	vmand vm7, vm0;
	v49 =	vshra.s32 v10, $0x1F;
	v15 =	vand.u32 $0x7F, v10;
	[tilespmem:s28+$0x17800] =	vst v24;
	v24 =	vld.idx.msk [tilespmem:v42+s3+$0x0], $0xffff  }
0x1c7: {  	v30 =	vshra.s32 v1, $0x1F;
	v11 =	vand.u32 $0x7F, v1;
	vm6 =	vne.s32 v6, $0x0;
	[tilespmem:s28+$0x17810] =	vst v33;
	v62 =	vld.idx.msk [tilespmem:v40+s3+$0x0], $0xffff  }
0x1c8: {  	vm8 =	vlt.s32 v10, $0x1;
	vm10 =	vlt.s32 v1, $0x1;
	v34 =	vadd.s32 v34, v3;
	[tilespmem:s28+$0x17830] =	vst v28;
	v28 =	vld.idx.msk [tilespmem:v43+s3+$0x0], $0xffff  }
0x1c9: {  	vm4 =	vmand vm11, vm4;
	vm1 =	vne.s32 v15, $0x0;
	v30 =	vshrl.u32 v30, $0x19;
	[tilespmem:s29+$0x15070] =	vst v27;
	v27 =	vld.idx.msk [tilespmem:v41+s3+$0x0], $0xffff  }
0x1ca: {  	vm3 =	vne.s32 v11, $0x0;
	v60 =	vshrl.u32 v51, $0x19;
	vm15 =	vmand vm13, vm6;
	v26 =	vld.idx.msk [tilespmem:v31+s3+$0x0], $0xffff  }
0x1cb: {  	v50 =	vshrl.u32 v34, $0x7;
	vm1 =	vmand vm8, vm1;
	v30 =	vadd.s32 v30, v1;
	[tilespmem:s28+$0x17840] =	vst v59;
	v63 =	vld.idx.msk [tilespmem:v44+s3+$0x0], $0xffff  }
0x1cc: {  	vm3 =	vmand vm10, vm3;
	v48 =	vsel vm2, $0xFFFFFFFF, v0;
	v31 =	vadd.s32 $0x100, v2;
	[tilespmem:s28+$0x17850] =	vst v61;
	v44 =	vld.idx.msk [tilespmem:v45+s3+$0x0], $0xffff  }
0x1cd: {  	v37 =	vadd.s32 v60, v5;
	v29 =	vshrl.u32 v49, $0x19;
	v23 =	vadd.s32 v48, v23;
	[tilespmem:s28+$0x17860] =	vst v24;
	v24 =	vld.idx.msk [tilespmem:v46+s3+$0x0], $0xffff  }
0x1ce: {  	v29 =	vadd.s32 v29, v10;
	v23 =	vmul.u32 $0x380, v23;
	v45 =	vsel vm7, $0xFFFFFFFF, v0;
	v49 =	vld.idx.msk [tilespmem:v47+s3+$0x0], $0xffff;
	[tilespmem:s28+$0x18000] =	vst v62  }
0x1cf: {  	v29 =	vshrl.u32 v29, $0x7;
	v51 =	vadd.s32 $0x180, v2;
	v25 =	vadd.s32 v45, v25;
	[tilespmem:s28+$0x18020] =	vst v28;
	v22 =	vld.idx.msk [tilespmem:v22+s3+$0x0], $0xffff  }
0x1d0: {  	v8 =	vadd.s32 v8, v23;
	v46 =	vsel vm1, $0xFFFFFFFF, v0;
	v25 =	vmul.u32 $0x380, v25;
	[tilespmem:s29+$0x15870] =	vst v26;
	v19 =	vld.idx.msk [tilespmem:v19+s3+$0x0], $0xffff  }
0x1d1: {  	v28 =	vadd.s32 v46, v29;
	v29 =	vsel vm5, $0xFFFFFFFF, v0;
	v26 =	vshrl.u32 v30, $0x7;
	[tilespmem:s28+$0x18010] =	vst v27;
	v31 =	vld.idx.msk [tilespmem:v31+s3+$0x0], $0xffff  }
0x1d2: {  	v30 =	vsel vm3, $0xFFFFFFFF, v0;
	[tilespmem:s28+$0x18030] =	vst v63;
	v28 =	vmul.u32 $0x380, v28;
	v9 =	vadd.s32 v9, v25;
	v21 =	vld.idx.msk [tilespmem:v21+s3+$0x0], $0xffff  }
0x1d3: {  	v27 =	vsel vm4, $0xFFFFFFFF, v0;
	v25 =	vshrl.u32 v37, $0x7;
	v26 =	vadd.s32 v30, v26;
	[tilespmem:s28+$0x18040] =	vst v44;
	v18 =	vld.idx.msk [tilespmem:v18+s3+$0x0], $0xffff  }
0x1d4: {  	v27 =	vadd.s32 v27, v50;
	v26 =	vmul.u32 $0x380, v26;
	v20 =	vld.idx.msk [tilespmem:v20+s3+$0x0], $0xffff;
	v10 =	vadd.s32 v10, v28;
	[tilespmem:s28+$0x18050] =	vst v24  }
0x1d5: {  	v28 =	vsel vm15, $0xFFFFFFFF, v0;
	v27 =	vmul.u32 $0x380, v27;
	v24 =	vadd.s32 v29, v35;
	[tilespmem:s28+$0x18060] =	vst v49;
	v16 =	vld.idx.msk [tilespmem:v16+s3+$0x0], $0xffff  }
0x1d6: {  	v25 =	vadd.s32 v28, v25;
	v26 =	vadd.s32 v1, v26;
	v24 =	vmul.u32 $0x380, v24;
	v1 =	vld.idx.msk [tilespmem:v17+s3+$0x0], $0xffff;
	[tilespmem:s29+$0x16070] =	vst v31  }
0x1d7: {  	v3 =	vadd.s32 v3, v27;
	v17 =	vmul.u32 $0x380, v25;
	[tilespmem:s28+$0x18810] =	vst v21;
	v21 =	vld.idx.msk [tilespmem:v9+s3+$0x0], $0xffff  }
0x1d8: {  	[tilespmem:s28+$0x18800] =	vst v22;
	v4 =	vadd.s32 v4, v24;
	v23 =	vld.idx.msk [tilespmem:v51+s3+$0x0], $0xffff  }
0x1d9: {  	[tilespmem:s28+$0x18820] =	vst v19;
	v9 =	vand.u32 $0xFFFFFF80, v9;
	v19 =	vld.idx.msk [tilespmem:v10+s3+$0x0], $0xffff;
	v5 =	vadd.s32 v5, v17  }
0x1da: {  	v22 =	vadd.s32 $0x200, v2;
	[tilespmem:s28+$0x18830] =	vst v18;
	v10 =	vand.u32 $0xFFFFFF80, v10;
	v9 =	vor.u32 v14, v9;
	v14 =	vld.idx.msk [tilespmem:v8+s3+$0x0], $0xffff  }
0x1db: {  	v8 =	vand.u32 $0xFFFFFF80, v8;
	[tilespmem:s28+$0x18840] =	vst v20;
	v52 =	vor.u32 v15, v10;
	v10 =	vadd.s32 $0x80, v9;
	v15 =	vld.idx.msk [tilespmem:v26+s3+$0x0], $0xffff  }
0x1dc: {  	v17 =	vand.u32 $0xFFFFFF80, v26;
	v53 =	vor.u32 v13, v8;
	v8 =	vadd.s32 $0x80, v52;
	v20 =	vld.idx.msk [tilespmem:v3+s3+$0x0], $0xffff;
	[tilespmem:s28+$0x18850] =	vst v16  }
0x1dd: {  	v54 =	vor.u32 v11, v17;
	v18 =	vadd.s32 $0x80, v53;
	v3 =	vand.u32 $0xFFFFFF80, v3;
	[tilespmem:s29+$0x15000] =	vst v21;
	v11 =	vld.idx.msk [tilespmem:v4+s3+$0x0], $0xffff  }
0x1de: {  	v3 =	vor.u32 v12, v3;
	v12 =	vadd.s32 $0x80, v54;
	v4 =	vand.u32 $0xFFFFFF80, v4;
	[tilespmem:s29+$0x16870] =	vst v23;
	v17 =	vld.idx.msk [tilespmem:v5+s3+$0x0], $0xffff  }
0x1df: {  	[tilespmem:s29+$0x15010] =	vst v19;
	v5 =	vand.u32 $0xFFFFFF80, v5;
	v55 =	vor.u32 v7, v4;
	v4 =	vadd.s32 $0x80, v3;
	v13 =	vld.idx.msk [tilespmem:v22+s3+$0x0], $0xffff  }
0x1e0: {  	[tilespmem:s29+$0x15020] =	vst v14;
	v7 =	vld.idx.msk [tilespmem:v10+s3+$0x0], $0xffff;
	v56 =	vor.u32 v6, v5;
	v5 =	vadd.s32 $0x80, v55  }
0x1e1: {  	v16 =	vadd.s32 $0x280, v2;
	v6 =	vld.idx.msk [tilespmem:v8+s3+$0x0], $0xffff;
	[tilespmem:s29+$0x15030] =	vst v15  }
0x1e2: {  	v8 =	vadd.s32 $0x80, v56;
	v10 =	vld.idx.msk [tilespmem:v18+s3+$0x0], $0xffff;
	[tilespmem:s29+$0x15040] =	vst v20  }
0x1e3: {  	v15 =	vadd.s32 $0x100, v52;
	v12 =	vld.idx.msk [tilespmem:v12+s3+$0x0], $0xffff;
	[tilespmem:s29+$0x15050] =	vst v11  }
0x1e4: {  	v4 =	vld.idx.msk [tilespmem:v4+s3+$0x0], $0xffff;
	[tilespmem:s29+$0x17070] =	vst v13;
	v13 =	vadd.s32 $0x100, v9  }
0x1e5: {  	[tilespmem:s29+$0x15800] =	vst v7;
	v5 =	vld.idx.msk [tilespmem:v5+s3+$0x0], $0xffff;
	v7 =	vadd.s32 $0x100, v54  }
0x1e6: {  	[tilespmem:s29+$0x15060] =	vst v17;
	v14 =	vld.idx.msk [tilespmem:v16+s3+$0x0], $0xffff;
	v16 =	vadd.s32 $0x100, v53  }
0x1e7: {  	v11 =	vadd.s32 $0x300, v2;
	[tilespmem:s29+$0x15810] =	vst v6;
	v6 =	vld.idx.msk [tilespmem:v8+s3+$0x0], $0xffff  }
0x1e8: {  	v8 =	vadd.s32 $0x100, v3;
	[tilespmem:s29+$0x15820] =	vst v10;
	v15 =	vld.idx.msk [tilespmem:v15+s3+$0x0], $0xffff  }
0x1e9: {  	v10 =	vadd.s32 $0x100, v55;
	[tilespmem:s29+$0x15830] =	vst v12;
	v13 =	vld.idx.msk [tilespmem:v13+s3+$0x0], $0xffff  }
0x1ea: {  	[tilespmem:s29+$0x15840] =	vst v4;
	v4 =	vadd.s32 $0x180, v52;
	v7 =	vld.idx.msk [tilespmem:v7+s3+$0x0], $0xffff  }
0x1eb: {  	[tilespmem:s29+$0x17870] =	vst v14;
	v14 =	vadd.s32 $0x100, v56;
	v16 =	vld.idx.msk [tilespmem:v16+s3+$0x0], $0xffff  }
0x1ec: {  	v30 =	vadd.s32 $0x200, v9;
	v12 =	vadd.s32 $0x180, v9;
	[tilespmem:s29+$0x15850] =	vst v5;
	v11 =	vld.idx.msk [tilespmem:v11+s3+$0x0], $0xffff  }
0x1ed: {  	v57 =	vadd.s32 $0x180, v54;
	v28 =	vadd.s32 $0x200, v52;
	v2 =	vadd.s32 $0x380, v2;
	v8 =	vld.idx.msk [tilespmem:v8+s3+$0x0], $0xffff;
	[tilespmem:s29+$0x15860] =	vst v6  }
0x1ee: {  	v29 =	vadd.s32 $0x200, v53;
	v27 =	vadd.s32 $0x200, v54;
	v58 =	vadd.s32 $0x180, v3;
	v6 =	vld.idx.msk [tilespmem:v10+s3+$0x0], $0xffff;
	[tilespmem:s29+$0x16010] =	vst v15  }
0x1ef: {  	v25 =	vadd.s32 $0x200, v3;
	v21 =	vadd.s32 $0x280, v53;
	v5 =	vadd.s32 $0x180, v53;
	v15 =	vld.idx.msk [tilespmem:v4+s3+$0x0], $0xffff;
	[tilespmem:s29+$0x16000] =	vst v13  }
0x1f0: {  	v23 =	vadd.s32 $0x280, v52;
	v19 =	vadd.s32 $0x280, v3;
	v59 =	vadd.s32 $0x180, v55;
	[tilespmem:s29+$0x16030] =	vst v7;
	v61 =	vld.idx.msk [tilespmem:v14+s3+$0x0], $0xffff  }
0x1f1: {  	v22 =	vadd.s32 $0x280, v9;
	v26 =	vadd.s32 $0x200, v55;
	v60 =	vadd.s32 $0x180, v56;
	v62 =	vld.idx.msk [tilespmem:v12+s3+$0x0], $0xffff;
	[tilespmem:s29+$0x18070] =	vst v11  }
0x1f2: {  	v24 =	vadd.s32 $0x200, v56;
	v20 =	vadd.s32 $0x280, v54;
	v18 =	vadd.s32 $0x280, v56;
	[tilespmem:s29+$0x16020] =	vst v16;
	v63 =	vld.idx.msk [tilespmem:v2+s3+$0x0], $0xffff  }
0x1f3: {  	v17 =	vadd.s32 $0x280, v55;
	v10 =	vadd.s32 $0x300, v55;
	v4 =	vadd.s32 $0x380, v54;
	[tilespmem:s29+$0x16040] =	vst v8;
	v33 =	vld.idx.msk [tilespmem:v57+s3+$0x0], $0xffff  }
0x1f4: {  	v13 =	vadd.s32 $0x300, v53;
	v7 =	vadd.s32 $0x380, v52;
	v16 =	vadd.s32 $0x300, v9;
	[tilespmem:s29+$0x16050] =	vst v6;
	v31 =	vld.idx.msk [tilespmem:v5+s3+$0x0], $0xffff  }
0x1f5: {  	v14 =	vadd.s32 $0x300, v52;
	v12 =	vadd.s32 $0x300, v54;
	v8 =	vadd.s32 $0x380, v9;
	v34 =	vld.idx.msk [tilespmem:v58+s3+$0x0], $0xffff;
	[tilespmem:s29+$0x16060] =	vst v61  }
0x1f6: {  	v9 =	vadd.s32 $0x300, v56;
	v6 =	vadd.s32 $0x380, v53;
	v11 =	vadd.s32 $0x300, v3;
	v35 =	vld.idx.msk [tilespmem:v59+s3+$0x0], $0xffff;
	[tilespmem:s29+$0x16800] =	vst v62  }
0x1f7: {  	s31 =	simm.s32 $0x400;
	s30 =	simm.s32 $0x8;
	v5 =	vadd.s32 $0x380, v3;
	v3 =	vadd.s32 $0x380, v55;
	v2 =	vadd.s32 $0x380, v56;
	v36 =	vld.idx.msk [tilespmem:v60+s3+$0x0], $0xffff;
	[tilespmem:s29+$0x18870] =	vst v63  }
.LBB2_5:
0x1f8: {  	s0 =	sshra.s32 s31, $0x2;
	s30 =	sadd.s32 $0x8, s30;
	v37 =	vld.idx.msk [tilespmem:v30+s3+$0x0], $0xffff;
	[tilespmem:s29+$0x16810] =	vst v15  }
0x1f9: {  	v15 =	vld [tilespmem:s0+$0x10870];
	p0 =	slt.u32 s30, $0x78;
	[tilespmem:s29+$0x16820] =	vst v31  }
0x1fa: {  	v32 =	vld [tilespmem:s0+$0x10800];
	[tilespmem:s29+$0x16830] =	vst v33  }
0x1fb: {  	v30 =	vld [tilespmem:s0+$0x10810];
	[tilespmem:s29+$0x16840] =	vst v34  }
0x1fc: {  	v31 =	vld [tilespmem:s0+$0x10820];
	[tilespmem:s29+$0x16850] =	vst v35  }
0x1fd: {  	v34 =	vld [tilespmem:s0+$0x10830];
	[tilespmem:s29+$0x16860] =	vst v36  }
0x1fe: {  	v35 =	vld [tilespmem:s0+$0x10840];
	v33 =	vshra.s32 v15, $0x1F;
	v38 =	vand.u32 $0x7F, v15;
	[tilespmem:s29+$0x17000] =	vst v37  }
0x1ff: {  	vm0 =	vlt.s32 v15, $0x1;
	v36 =	vld [tilespmem:s0+$0x10850];
	v33 =	vshrl.u32 v33, $0x19;
	vm1 =	vne.s32 v38, $0x0;
	[tilespmem:s28+$0x18860] =	vst v1;
	s28 =	smov.u32 s29;
	s29 =	smov.u32 s0  }
0x200: {  	v39 =	vshra.s32 v32, $0x1F;
	v1 =	vld [tilespmem:s29+$0x10860];
	v37 =	vadd.s32 v33, v15;
	vm0 =	vmand vm0, vm1  }
0x201: {  	v33 =	vand.u32 $0x7F, v32;
	v37 =	vshrl.u32 v37, $0x7;
	v40 =	vsel vm0, $0xFFFFFFFF, v0;
	v41 =	vld.idx.msk [tilespmem:v28+s3+$0x0], $0xffff  }
0x202: {  	v42 =	vshra.s32 v30, $0x1F;
	v28 =	vand.u32 $0x7F, v30;
	v37 =	vadd.s32 v40, v37;
	v40 =	vld.idx.msk [tilespmem:v29+s3+$0x0], $0xffff  }
0x203: {  	v43 =	vshra.s32 v31, $0x1F;
	v29 =	vand.u32 $0x7F, v31;
	v37 =	vmul.u32 $0x380, v37;
	v44 =	vld.idx.msk [tilespmem:v27+s3+$0x0], $0xffff  }
0x204: {  	v45 =	vshra.s32 v34, $0x1F;
	v27 =	vand.u32 $0x7F, v34;
	v46 =	vshra.s32 v35, $0x1F;
	v47 =	vld.idx.msk [tilespmem:v25+s3+$0x0], $0xffff  }
0x205: {  	v25 =	vand.u32 $0x7F, v35;
	v48 =	vshra.s32 v36, $0x1F;
	v15 =	vadd.s32 v15, v37;
	v49 =	vld.idx.msk [tilespmem:v26+s3+$0x0], $0xffff  }
0x206: {  	v26 =	vand.u32 $0x7F, v36;
	v50 =	vshra.s32 v1, $0x1F;
	v37 =	vand.u32 $0x7F, v1;
	v24 =	vld.idx.msk [tilespmem:v24+s3+$0x0], $0xffff  }
0x207: {  	v39 =	vshrl.u32 v39, $0x19;
	vm0 =	vne.s32 v33, $0x0;
	v42 =	vshrl.u32 v42, $0x19;
	v22 =	vld.idx.msk [tilespmem:v22+s3+$0x0], $0xffff;
	[tilespmem:s28+$0x17010] =	vst v41  }
0x208: {  	vm1 =	vne.s32 v28, $0x0;
	vm2 =	vne.s32 v29, $0x0;
	v41 =	vshrl.u32 v43, $0x19;
	v23 =	vld.idx.msk [tilespmem:v23+s3+$0x0], $0xffff;
	[tilespmem:s28+$0x17020] =	vst v40  }
0x209: {  	vm3 =	vne.s32 v27, $0x0;
	v43 =	vshrl.u32 v46, $0x19;
	v40 =	vshrl.u32 v45, $0x19;
	v21 =	vld.idx.msk [tilespmem:v21+s3+$0x0], $0xffff;
	[tilespmem:s28+$0x17030] =	vst v44  }
0x20a: {  	vm4 =	vne.s32 v25, $0x0;
	v44 =	vshrl.u32 v48, $0x19;
	v45 =	vld.idx.msk [tilespmem:v15+s3+$0x0], $0xffff;
	v15 =	vand.u32 $0xFFFFFF80, v15;
	[tilespmem:s28+$0x17040] =	vst v47  }
0x20b: {  	vm5 =	vne.s32 v26, $0x0;
	v46 =	vshrl.u32 v50, $0x19;
	v15 =	vor.u32 v38, v15;
	v20 =	vld.idx.msk [tilespmem:v20+s3+$0x0], $0xffff;
	[tilespmem:s28+$0x17050] =	vst v49  }
0x20c: {  	vm7 =	vlt.s32 v32, $0x1;
	vm6 =	vne.s32 v37, $0x0;
	v38 =	vadd.s32 $0x80, v15;
	v19 =	vld.idx.msk [tilespmem:v19+s3+$0x0], $0xffff;
	[tilespmem:s28+$0x17060] =	vst v24  }
0x20d: {  	vm8 =	vlt.s32 v30, $0x1;
	vm9 =	vlt.s32 v31, $0x1;
	vm10 =	vlt.s32 v34, $0x1;
	[tilespmem:s28+$0x17800] =	vst v22;
	v17 =	vld.idx.msk [tilespmem:v17+s3+$0x0], $0xffff  }
0x20e: {  	vm11 =	vlt.s32 v35, $0x1;
	vm12 =	vlt.s32 v36, $0x1;
	vm13 =	vlt.s32 v1, $0x1;
	[tilespmem:s28+$0x17810] =	vst v23;
	v18 =	vld.idx.msk [tilespmem:v18+s3+$0x0], $0xffff  }
0x20f: {  	vm0 =	vmand vm7, vm0;
	v22 =	vadd.s32 v39, v32;
	v23 =	vadd.s32 v42, v30;
	v16 =	vld.idx.msk [tilespmem:v16+s3+$0x0], $0xffff;
	[tilespmem:s28+$0x17820] =	vst v21  }
0x210: {  	vm1 =	vmand vm8, vm1;
	vm2 =	vmand vm9, vm2;
	v21 =	vadd.s32 v41, v31;
	[tilespmem:s29+$0x15070] =	vst v45;
	v14 =	vld.idx.msk [tilespmem:v14+s3+$0x0], $0xffff  }
0x211: {  	vm3 =	vmand vm10, vm3;
	v24 =	vadd.s32 v40, v34;
	v39 =	vadd.s32 v43, v35;
	v38 =	vld.idx.msk [tilespmem:v38+s3+$0x0], $0xffff;
	[tilespmem:s28+$0x17830] =	vst v20  }
0x212: {  	vm4 =	vmand vm11, vm4;
	vm5 =	vmand vm12, vm5;
	v20 =	vadd.s32 v44, v36;
	v13 =	vld.idx.msk [tilespmem:v13+s3+$0x0], $0xffff;
	[tilespmem:s28+$0x17840] =	vst v19  }
0x213: {  	vm6 =	vmand vm13, vm6;
	v40 =	vadd.s32 $0x100, v15;
	v19 =	vadd.s32 v46, v1;
	v12 =	vld.idx.msk [tilespmem:v12+s3+$0x0], $0xffff;
	[tilespmem:s28+$0x17850] =	vst v17  }
0x214: {  	v23 =	vshrl.u32 v23, $0x7;
	v17 =	vshrl.u32 v22, $0x7;
	v22 =	vsel vm0, $0xFFFFFFFF, v0;
	v11 =	vld.idx.msk [tilespmem:v11+s3+$0x0], $0xffff;
	[tilespmem:s28+$0x17860] =	vst v18  }
0x215: {  	v41 =	vsel vm2, $0xFFFFFFFF, v0;
	v21 =	vshrl.u32 v21, $0x7;
	v18 =	vsel vm1, $0xFFFFFFFF, v0;
	[tilespmem:s28+$0x18000] =	vst v16;
	v10 =	vld.idx.msk [tilespmem:v10+s3+$0x0], $0xffff  }
0x216: {  	v39 =	vshrl.u32 v39, $0x7;
	v16 =	vshrl.u32 v24, $0x7;
	v24 =	vsel vm3, $0xFFFFFFFF, v0;
	[tilespmem:s28+$0x18010] =	vst v14;
	v9 =	vld.idx.msk [tilespmem:v9+s3+$0x0], $0xffff  }
0x217: {  	v42 =	vsel vm5, $0xFFFFFFFF, v0;
	v20 =	vshrl.u32 v20, $0x7;
	v14 =	vsel vm4, $0xFFFFFFFF, v0;
	[tilespmem:s29+$0x15870] =	vst v38;
	v8 =	vld.idx.msk [tilespmem:v8+s3+$0x0], $0xffff  }
0x218: {  	v19 =	vshrl.u32 v19, $0x7;
	v17 =	vadd.s32 v22, v17;
	v22 =	vsel vm6, $0xFFFFFFFF, v0;
	v38 =	vld.idx.msk [tilespmem:v40+s3+$0x0], $0xffff;
	[tilespmem:s28+$0x18020] =	vst v13  }
0x219: {  	v16 =	vadd.s32 v24, v16;
	v13 =	vadd.s32 v18, v23;
	v18 =	vadd.s32 v41, v21;
	[tilespmem:s28+$0x18030] =	vst v12  }
0x21a: {  	v12 =	vadd.s32 v14, v39;
	v14 =	vadd.s32 v42, v20;
	v20 =	vadd.s32 $0x180, v15;
	v7 =	vld.idx.msk [tilespmem:v7+s3+$0x0], $0xffff;
	[tilespmem:s28+$0x18040] =	vst v11  }
0x21b: {  	v13 =	vmul.u32 $0x380, v13;
	v11 =	vmul.u32 $0x380, v17;
	v17 =	vadd.s32 v22, v19;
	v6 =	vld.idx.msk [tilespmem:v6+s3+$0x0], $0xffff;
	[tilespmem:s28+$0x18050] =	vst v10  }
0x21c: {  	v16 =	vmul.u32 $0x380, v16;
	v12 =	vmul.u32 $0x380, v12;
	v10 =	vmul.u32 $0x380, v18;
	v4 =	vld.idx.msk [tilespmem:v4+s3+$0x0], $0xffff;
	[tilespmem:s28+$0x18060] =	vst v9  }
0x21d: {  	v9 =	vadd.s32 v32, v11;
	v11 =	vmul.u32 $0x380, v14;
	v14 =	vmul.u32 $0x380, v17;
	[tilespmem:s28+$0x18800] =	vst v8;
	v5 =	vld.idx.msk [tilespmem:v5+s3+$0x0], $0xffff  }
0x21e: {  	v8 =	vadd.s32 v30, v13;
	v10 =	vadd.s32 v31, v10;
	v13 =	vadd.s32 v34, v16;
	[tilespmem:s29+$0x16070] =	vst v38  }
0x21f: {  	v12 =	vadd.s32 v35, v12;
	v11 =	vadd.s32 v36, v11;
	v14 =	vadd.s32 v1, v14;
	v16 =	vld.idx.msk [tilespmem:v20+s3+$0x0], $0xffff  }
0x220: {  	v17 =	vand.u32 $0xFFFFFF80, v9;
	v18 =	vand.u32 $0xFFFFFF80, v8;
	v19 =	vand.u32 $0xFFFFFF80, v10;
	[tilespmem:s28+$0x18810] =	vst v7;
	v3 =	vld.idx.msk [tilespmem:v3+s3+$0x0], $0xffff  }
0x221: {  	v21 =	vadd.s32 $0x200, v15;
	v20 =	vand.u32 $0xFFFFFF80, v12;
	v7 =	vand.u32 $0xFFFFFF80, v13;
	[tilespmem:s28+$0x18820] =	vst v6;
	v1 =	vld.idx.msk [tilespmem:v2+s3+$0x0], $0xffff  }
0x222: {  	v6 =	vor.u32 v33, v17;
	v17 =	vand.u32 $0xFFFFFF80, v14;
	v2 =	vld.idx.msk [tilespmem:v9+s3+$0x0], $0xffff;
	v9 =	vand.u32 $0xFFFFFF80, v11;
	[tilespmem:s28+$0x18830] =	vst v4  }
0x223: {  	v31 =	vor.u32 v28, v18;
	v32 =	vor.u32 v29, v19;
	v33 =	vor.u32 v27, v7;
	v4 =	vld.idx.msk [tilespmem:v8+s3+$0x0], $0xffff  }
0x224: {  	v34 =	vor.u32 v25, v20;
	v36 =	vor.u32 v37, v17;
	v35 =	vor.u32 v26, v9;
	v7 =	vld.idx.msk [tilespmem:v10+s3+$0x0], $0xffff  }
0x225: {  	v8 =	vadd.s32 $0x80, v6;
	v9 =	vadd.s32 $0x80, v31;
	v10 =	vadd.s32 $0x80, v32;
	v13 =	vld.idx.msk [tilespmem:v13+s3+$0x0], $0xffff;
	[tilespmem:s29+$0x16870] =	vst v16  }
0x226: {  	v17 =	vadd.s32 $0x80, v34;
	v18 =	vadd.s32 $0x80, v35;
	v16 =	vadd.s32 $0x80, v33;
	v19 =	vld.idx.msk [tilespmem:v21+s3+$0x0], $0xffff;
	[tilespmem:s28+$0x18840] =	vst v5  }
0x227: {  	v37 =	vadd.s32 $0x100, v31;
	v38 =	vadd.s32 $0x80, v36;
	v5 =	vadd.s32 $0x100, v6;
	v12 =	vld.idx.msk [tilespmem:v12+s3+$0x0], $0xffff;
	[tilespmem:s28+$0x18850] =	vst v3  }
0x228: {  	v39 =	vadd.s32 $0x100, v33;
	[tilespmem:s29+$0x15000] =	vst v2;
	v2 =	vadd.s32 $0x100, v32;
	v3 =	vld.idx.msk [tilespmem:v11+s3+$0x0], $0xffff;
	v11 =	vadd.s32 $0x280, v15  }
0x229: {  	v40 =	vadd.s32 $0x100, v34;
	v42 =	vadd.s32 $0x100, v36;
	v41 =	vadd.s32 $0x100, v35;
	[tilespmem:s29+$0x15010] =	vst v4;
	v4 =	vld.idx.msk [tilespmem:v14+s3+$0x0], $0xffff  }
0x22a: {  	v44 =	vadd.s32 $0x180, v31;
	v45 =	vadd.s32 $0x180, v32;
	v43 =	vadd.s32 $0x180, v6;
	v8 =	vld.idx.msk [tilespmem:v8+s3+$0x0], $0xffff;
	[tilespmem:s29+$0x15020] =	vst v7  }
0x22b: {  	v47 =	vadd.s32 $0x180, v34;
	v46 =	vadd.s32 $0x180, v33;
	v48 =	vadd.s32 $0x180, v35;
	v7 =	vld.idx.msk [tilespmem:v9+s3+$0x0], $0xffff;
	[tilespmem:s29+$0x15030] =	vst v13  }
0x22c: {  	v28 =	vadd.s32 $0x200, v31;
	v30 =	vadd.s32 $0x200, v6;
	v49 =	vadd.s32 $0x180, v36;
	v9 =	vld.idx.msk [tilespmem:v10+s3+$0x0], $0xffff;
	[tilespmem:s29+$0x17070] =	vst v19  }
0x22d: {  	v29 =	vadd.s32 $0x200, v32;
	v25 =	vadd.s32 $0x200, v34;
	v27 =	vadd.s32 $0x200, v33;
	[tilespmem:s29+$0x15040] =	vst v12;
	v50 =	vld.idx.msk [tilespmem:v11+s3+$0x0], $0xffff  }
0x22e: {  	v22 =	vadd.s32 $0x280, v6;
	v24 =	vadd.s32 $0x200, v36;
	v26 =	vadd.s32 $0x200, v35;
	v51 =	vld.idx.msk [tilespmem:v16+s3+$0x0], $0xffff;
	[tilespmem:s29+$0x15050] =	vst v3  }
0x22f: {  	v52 =	vadd.s32 $0x300, v15;
	v23 =	vadd.s32 $0x280, v31;
	v21 =	vadd.s32 $0x280, v32;
	v3 =	vld.idx.msk [tilespmem:v17+s3+$0x0], $0xffff;
	[tilespmem:s29+$0x15060] =	vst v4  }
0x230: {  	v20 =	vadd.s32 $0x280, v33;
	v19 =	vadd.s32 $0x280, v34;
	v17 =	vadd.s32 $0x280, v35;
	[tilespmem:s29+$0x15800] =	vst v8;
	v53 =	vld.idx.msk [tilespmem:v18+s3+$0x0], $0xffff  }
0x231: {  	v14 =	vadd.s32 $0x300, v31;
	v16 =	vadd.s32 $0x300, v6;
	v18 =	vadd.s32 $0x280, v36;
	[tilespmem:s29+$0x15810] =	vst v7;
	v38 =	vld.idx.msk [tilespmem:v38+s3+$0x0], $0xffff  }
0x232: {  	v13 =	vadd.s32 $0x300, v32;
	v12 =	vadd.s32 $0x300, v33;
	v11 =	vadd.s32 $0x300, v34;
	v54 =	vld.idx.msk [tilespmem:v5+s3+$0x0], $0xffff;
	[tilespmem:s29+$0x15820] =	vst v9  }
0x233: {  	v10 =	vadd.s32 $0x300, v35;
	v8 =	vadd.s32 $0x380, v6;
	v9 =	vadd.s32 $0x300, v36;
	v37 =	vld.idx.msk [tilespmem:v37+s3+$0x0], $0xffff;
	[tilespmem:s29+$0x17870] =	vst v50  }
0x234: {  	v4 =	vadd.s32 $0x380, v33;
	v6 =	vadd.s32 $0x380, v32;
	v7 =	vadd.s32 $0x380, v31;
	[tilespmem:s29+$0x15830] =	vst v51;
	v31 =	vld.idx.msk [tilespmem:v52+s3+$0x0], $0xffff  }
0x235: {  	v5 =	vadd.s32 $0x380, v34;
	v32 =	vld.idx.msk [tilespmem:v2+s3+$0x0], $0xffff;
	[tilespmem:s29+$0x15840] =	vst v3;
	v3 =	vadd.s32 $0x380, v35;
	v2 =	vadd.s32 $0x380, v36  }
0x236: {  	v15 =	vadd.s32 $0x380, v15;
	v33 =	vld.idx.msk [tilespmem:v39+s3+$0x0], $0xffff;
	[tilespmem:s29+$0x15850] =	vst v53  }
0x237: {  	v34 =	vld.idx.msk [tilespmem:v40+s3+$0x0], $0xffff;
	[tilespmem:s29+$0x15860] =	vst v38  }
0x238: {  	[tilespmem:s29+$0x16000] =	vst v54;
	v35 =	vld.idx.msk [tilespmem:v41+s3+$0x0], $0xffff  }
0x239: {  	[tilespmem:s29+$0x16010] =	vst v37;
	v36 =	vld.idx.msk [tilespmem:v42+s3+$0x0], $0xffff  }
0x23a: {  	v37 =	vld.idx.msk [tilespmem:v43+s3+$0x0], $0xffff;
	[tilespmem:s29+$0x18070] =	vst v31  }
0x23b: {  	[tilespmem:s29+$0x16020] =	vst v32;
	v32 =	vld.idx.msk [tilespmem:v15+s3+$0x0], $0xffff  }
0x23c: {  	v15 =	vld.idx.msk [tilespmem:v44+s3+$0x0], $0xffff;
	[tilespmem:s29+$0x16030] =	vst v33  }
.Ltmp1:
0x23d: {  	v31 =	vld.idx.msk [tilespmem:v45+s3+$0x0], $0xffff;
	[tilespmem:s29+$0x16040] =	vst v34;
	(pc) =	sbr.rel @p0 .LBB2_5-.Ltmp1, $4  }
0x23e: {  	v33 =	vld.idx.msk [tilespmem:v46+s3+$0x0], $0xffff;
	[tilespmem:s29+$0x16050] =	vst v35  }
0x23f: {  	v34 =	vld.idx.msk [tilespmem:v47+s3+$0x0], $0xffff;
	[tilespmem:s29+$0x16060] =	vst v36  }
0x240: {  	[tilespmem:s29+$0x16800] =	vst v37;
	v35 =	vld.idx.msk [tilespmem:v48+s3+$0x0], $0xffff  }
0x241: {  	s31 =	sadd.s32 $0x200, s31;
	v36 =	vld.idx.msk [tilespmem:v49+s3+$0x0], $0xffff;
	[tilespmem:s29+$0x18870] =	vst v32  }
0x242: {  	_ =	sdelay $0x1  }
0x243: {  	[tilespmem:s29+$0x16810] =	vst v15  }
0x244: {  	[tilespmem:s29+$0x16820] =	vst v31  }
0x245: {  	v61 =	vld.idx.msk [tilespmem:v30+s3+$0x0], $0xffff;
	[tilespmem:s28+$0x18860] =	vst v1  }
0x246: {  	[tilespmem:s29+$0x16830] =	vst v33;
	v28 =	vld.idx.msk [tilespmem:v28+s3+$0x0], $0xffff  }
0x247: {  	v29 =	vld.idx.msk [tilespmem:v29+s3+$0x0], $0xffff;
	[tilespmem:s29+$0x16840] =	vst v34  }
0x248: {  	v27 =	vld.idx.msk [tilespmem:v27+s3+$0x0], $0xffff;
	[tilespmem:s29+$0x16850] =	vst v35  }
0x249: {  	v62 =	vld.idx.msk [tilespmem:v25+s3+$0x0], $0xffff;
	[tilespmem:s29+$0x16860] =	vst v36  }
0x24a: {  	v1 =	vld.idx.msk [tilespmem:v26+s3+$0x0], $0xffff;
	[tilespmem:s29+$0x17000] =	vst v61  }
0x24b: {  	v24 =	vld.idx.msk [tilespmem:v24+s3+$0x0], $0xffff;
	[tilespmem:s29+$0x17010] =	vst v28  }
0x24c: {  	v22 =	vld.idx.msk [tilespmem:v22+s3+$0x0], $0xffff;
	[tilespmem:s29+$0x17020] =	vst v29  }
0x24d: {  	v23 =	vld.idx.msk [tilespmem:v23+s3+$0x0], $0xffff;
	[tilespmem:s29+$0x17030] =	vst v27  }
0x24e: {  	v21 =	vld.idx.msk [tilespmem:v21+s3+$0x0], $0xffff;
	[tilespmem:s29+$0x17040] =	vst v62  }
0x24f: {  	v63 =	vld.idx.msk [tilespmem:v20+s3+$0x0], $0xffff;
	[tilespmem:s29+$0x17050] =	vst v1  }
0x250: {  	v1 =	vld.idx.msk [tilespmem:v19+s3+$0x0], $0xffff;
	[tilespmem:s29+$0x17060] =	vst v24  }
0x251: {  	v17 =	vld.idx.msk [tilespmem:v17+s3+$0x0], $0xffff;
	[tilespmem:s29+$0x17800] =	vst v22  }
0x252: {  	v18 =	vld.idx.msk [tilespmem:v18+s3+$0x0], $0xffff;
	[tilespmem:s29+$0x17810] =	vst v23  }
0x253: {  	v16 =	vld.idx.msk [tilespmem:v16+s3+$0x0], $0xffff;
	[tilespmem:s29+$0x17820] =	vst v21  }
0x254: {  	v14 =	vld.idx.msk [tilespmem:v14+s3+$0x0], $0xffff;
	[tilespmem:s29+$0x17830] =	vst v63  }
0x255: {  	v13 =	vld.idx.msk [tilespmem:v13+s3+$0x0], $0xffff;
	[tilespmem:s29+$0x17840] =	vst v1  }
0x256: {  	v1 =	vld.idx.msk [tilespmem:v12+s3+$0x0], $0xffff;
	[tilespmem:s29+$0x17850] =	vst v17  }
0x257: {  	v11 =	vld.idx.msk [tilespmem:v11+s3+$0x0], $0xffff;
	[tilespmem:s29+$0x17860] =	vst v18  }
0x258: {  	v10 =	vld.idx.msk [tilespmem:v10+s3+$0x0], $0xffff;
	[tilespmem:s29+$0x18000] =	vst v16  }
0x259: {  	v9 =	vld.idx.msk [tilespmem:v9+s3+$0x0], $0xffff;
	[tilespmem:s29+$0x18010] =	vst v14  }
0x25a: {  	v8 =	vld.idx.msk [tilespmem:v8+s3+$0x0], $0xffff;
	[tilespmem:s29+$0x18020] =	vst v13  }
0x25b: {  	[tilespmem:s29+$0x18030] =	vst v1;
	v1 =	vld.idx.msk [tilespmem:v7+s3+$0x0], $0xffff  }
0x25c: {  	v6 =	vld.idx.msk [tilespmem:v6+s3+$0x0], $0xffff;
	[tilespmem:s29+$0x18040] =	vst v11  }
0x25d: {  	v4 =	vld.idx.msk [tilespmem:v4+s3+$0x0], $0xffff;
	[tilespmem:s29+$0x18050] =	vst v10  }
0x25e: {  	v5 =	vld.idx.msk [tilespmem:v5+s3+$0x0], $0xffff;
	[tilespmem:s29+$0x18060] =	vst v9  }
0x25f: {  	v3 =	vld.idx.msk [tilespmem:v3+s3+$0x0], $0xffff;
	[tilespmem:s29+$0x18800] =	vst v8  }
0x260: {  	[tilespmem:s29+$0x18810] =	vst v1;
	v1 =	vld.idx.msk [tilespmem:v2+s3+$0x0], $0xffff  }
0x261: {  	[tilespmem:s29+$0x18820] =	vst v6  }
0x262: {  	[tilespmem:s29+$0x18830] =	vst v4  }
0x263: {  	[tilespmem:s29+$0x18840] =	vst v5  }
0x264: {  	s0 =	sshll.u32 s26, $0x8;
	[tilespmem:s29+$0x18850] =	vst v3  }
0x265: {  	s30 =	simm.s32 @!p1 $0x10800;
	s28 =	sadd.s32 @!p1 s0, s18;
	[tilespmem:s29+$0x18860] =	vst v1;
	s29 =	simm.s32 @!p1 $0x0  }
0x266: {  	[tilespmem:s30], [sflag:$0x2] =	stream.linear.gather @!p1 [hbm4b:s28+s29], $0x800, $0x38;
	[tilespmem:$0x19000] =	vst v63  }
0x267: {  	s28 =	sand.u32 $0x3F8, s26  }
0x268: {  	s26 =	sor.u32 s4, s28  }
0x269: {  	s0 =	sand.u32 $0x600, s0;
	s26 =	sshll.u32 s26, $0xE  }
0x26a: {  	s0 =	sor.u32 s26, s0  }
0x26b: {  	s0 =	sor.u32 $0x100, s0  }
0x26c: {  	s29 =	sadd.s32 s2, s0  }
0x26d: {  	[hbm4b:s29+s3] =	stream.linear.scatter [tilespmem:s21], [sflag:$0x4], $0x800, $0x38;
	[tilespmem:$0x19000] =	vst v63  }
0x26e: {  	s30 =	sadd.s32 s0, s11  }
0x26f: {  	[hbm4b:s30+s3] =	stream.linear.scatter [tilespmem:s22], [sflag:$0x4], $0x800, $0x38;
	[tilespmem:$0x19000] =	vst v63  }
0x270: {  	s31 =	sadd.s32 s0, s12  }
0x271: {  	[hbm4b:s31+s3] =	stream.linear.scatter [tilespmem:s6], [sflag:$0x4], $0x800, $0x38;
	[tilespmem:$0x19000] =	vst v63  }
0x272: {  	s28 =	sadd.s32 s0, s13  }
0x273: {  	[hbm4b:s28+s3] =	stream.linear.scatter [tilespmem:s8], [sflag:$0x4], $0x800, $0x38;
	[tilespmem:$0x19000] =	vst v63  }
0x274: {  	s25 =	sadd.s32 $0x1, s25;
	s29 =	sadd.s32 s0, s14  }
0x275: {  	[hbm4b:s29+s3] =	stream.linear.scatter [tilespmem:s19], [sflag:$0x4], $0x800, $0x38;
	[tilespmem:$0x19000] =	vst v63  }
0x276: {  	p0 =	sne.s32 s25, $0x30;
	s30 =	sadd.s32 s0, s15  }
0x277: {  	[hbm4b:s30+s3] =	stream.linear.scatter [tilespmem:s7], [sflag:$0x4], $0x800, $0x38;
	[tilespmem:$0x19000] =	vst v63  }
.Ltmp2:
0x278: {  	_ = 	snop;
	(pc) =	sbr.rel @p0 .LBB2_2-.Ltmp2, $4  }
0x279: {  	s31 =	sadd.s32 s0, s16  }
0x27a: {  	[hbm4b:s31+s3] =	stream.linear.scatter [tilespmem:s20], [sflag:$0x4], $0x800, $0x38;
	[tilespmem:$0x19000] =	vst v63  }
0x27b: {  	s0 =	sadd.s32 s0, s17  }
0x27c: {  	[hbm4b:s0+s3] =	stream.linear.scatter [tilespmem:s24], [sflag:$0x4], $0x800, $0x38;
	[tilespmem:$0x19000] =	vst v63  }
0x27d: {  	s0 =	simm.s32 $0x3  }
0x27e: {  	_ =	swait.ge [sflag:s0], $0x800  }
0x27f: {  	[sflag:s0] =	ssyncset.done $0x0  }
0x280: {  	[sflag:s0] =	ssyncadd.s32 $0xFFFFF800  }
0x281: {  	_ =	swait.ge [sflag:s0], $0x800  }
0x282: {  	[sflag:s0] =	ssyncset.done $0x0  }
0x283: {  	[sflag:s0] =	ssyncadd.s32 $0xFFFFF800  }
0x284: {  	_ =	swait.ge [sflag:s0], $0x800  }
0x285: {  	[sflag:s0] =	ssyncset.done $0x0  }
0x286: {  	[sflag:s0] =	ssyncadd.s32 $0xFFFFF800  }
0x287: {  	_ =	swait.ge [sflag:s0], $0x800  }
0x288: {  	[sflag:s0] =	ssyncset.done $0x0  }
0x289: {  	[sflag:s0] =	ssyncadd.s32 $0xFFFFF800  }
0x28a: {  	_ =	swait.ge [sflag:s0], $0x800  }
0x28b: {  	[sflag:s0] =	ssyncset.done $0x0  }
0x28c: {  	[sflag:s0] =	ssyncadd.s32 $0xFFFFF800  }
0x28d: {  	_ =	swait.ge [sflag:s0], $0x800  }
0x28e: {  	[sflag:s0] =	ssyncset.done $0x0  }
0x28f: {  	[sflag:s0] =	ssyncadd.s32 $0xFFFFF800  }
0x290: {  	_ =	swait.ge [sflag:s0], $0x800  }
0x291: {  	[sflag:s0] =	ssyncset.done $0x0  }
0x292: {  	[sflag:s0] =	ssyncadd.s32 $0xFFFFF800  }
0x293: {  	_ =	swait.ge [sflag:s0], $0x800  }
0x294: {  	[sflag:s0] =	ssyncset.done $0x0  }
0x295: {  	s25 =	simm.s32 $0x4;
	[sflag:s0] =	ssyncadd.s32 $0xFFFFF800  }
0x296: {  	_ =	swait.ge [sflag:s25], $0x800  }
0x297: {  	[sflag:s25] =	ssyncset.done $0x0  }
0x298: {  	[sflag:s25] =	ssyncadd.s32 $0xFFFFF800  }
0x299: {  	_ =	swait.ge [sflag:s25], $0x800  }
0x29a: {  	[sflag:s25] =	ssyncset.done $0x0  }
0x29b: {  	[sflag:s25] =	ssyncadd.s32 $0xFFFFF800  }
0x29c: {  	_ =	swait.ge [sflag:s25], $0x800  }
0x29d: {  	[sflag:s25] =	ssyncset.done $0x0  }
0x29e: {  	[sflag:s25] =	ssyncadd.s32 $0xFFFFF800  }
0x29f: {  	_ =	swait.ge [sflag:s25], $0x800  }
0x2a0: {  	[sflag:s25] =	ssyncset.done $0x0  }
0x2a1: {  	[sflag:s25] =	ssyncadd.s32 $0xFFFFF800  }
0x2a2: {  	_ =	swait.ge [sflag:s25], $0x800  }
0x2a3: {  	[sflag:s25] =	ssyncset.done $0x0  }
0x2a4: {  	[sflag:s25] =	ssyncadd.s32 $0xFFFFF800  }
0x2a5: {  	_ =	swait.ge [sflag:s25], $0x800  }
0x2a6: {  	[sflag:s25] =	ssyncset.done $0x0  }
0x2a7: {  	[sflag:s25] =	ssyncadd.s32 $0xFFFFF800  }
0x2a8: {  	_ =	swait.ge [sflag:s25], $0x800  }
0x2a9: {  	[sflag:s25] =	ssyncset.done $0x0  }
0x2aa: {  	[sflag:s25] =	ssyncadd.s32 $0xFFFFF800  }
0x2ab: {  	_ =	swait.ge [sflag:s25], $0x800  }
0x2ac: {  	s26 =	rddreg [dreg:$0x8]  }
0x2ad: {  	s31 =	rddreg [dreg:$0x7];
	s26 =	sadd.s32 $0x1, s26  }
0x2ae: {  	p0 =	sne.s32 s26, s31  }
.Ltmp3:
0x2af: {  	_ = 	snop;
	(pc) =	sbr.rel @p0 .LBB2_1-.Ltmp3, $3  }
0x2b0: {  	_ =	sdelay $0x1  }
0x2b1: {  	[sflag:s25] =	ssyncset.done $0x0  }
0x2b2: {  	[sflag:s25] =	ssyncadd.s32 $0xFFFFF800  }
0x2b3: {  	_ =	sfence.sel $0x180000  }
0x2b4: {  	[bflag:$0x0] =	sbarrier.arrive $0xFFFF  }
0x2b5: {  	_ =	strace $0x90000047  }
0x2b6: {  	s0 =	stileid.u32;
	[bflag:$0x2] =	sbarrier.arrive $0xFFFF  }
0x2b7: {  	p0 =	sne.s32 s0, $0x0;
	s0 =	rddreg [dreg:$0x3]  }
0x2b8: {  	s0 =	sadd.s32 @!p0 $0x100000, s0  }
0x2b9: {  	[sflag:s0] =	ssyncadd.tile.s32 @!p0 $0x1;
	_ =	shalt  }
.Lfunc_end2:
_tile_overlayer_lowered:
.L_overlay_start_2:
0x2ba: {  	(tag) =	ssettag $0x2  }
0x2bb: {  	s0 =	rddreg [dreg:$0x0];
	s2 =	stileid.u32  }
0x2bc: {  	s1 =	rddreg [dreg:$0x1];
	p0 =	sne.s32 s2, $0x0  }
0x2bd: {  	s3 =	rddreg [dreg:$0x2];
	[bflag:$0x3] =	sbarrier.arrive $0xFFFF;
	s2 =	simm.s32 @!p0 $0x1C05  }
0x2be: {  	[timem:s3], [sflag:s2] =	dma.local @!p0 [hbm:s0], s1  }
0x2bf: {  	s0 =	simm.s32 @!p0 $0x5  }
0x2c0: {  	_ =	swait.ge @!p0 [sflag:s0], s1  }
0x2c1: {  	s1 =	ssub.s32 @!p0 $0x0, s1;
	[sflag:s0] =	ssyncset.done @!p0 $0x0  }
0x2c2: {  	[sflag:s0] =	ssyncadd.s32 @!p0 s1  }
0x2c3: {  	[bflag:$0x3] =	sbarrier.arrive $0xFFFF  }
0x2c4: {  	_ =	shalt  }

</sc_bundles>
